<compile_context>
chip_gen: v7x
topology: tpu7x:2x2x1
jax: 0.10.2.dev20260603
libtpu: 0.0.44.dev20260713+nightly
codegen_flags: <defaults>
</compile_context>

<pallas_src>
import functools

import jax
import jax.numpy as jnp
from jax import lax
from jax.experimental import pallas as pl
from jax.experimental.pallas import tpu as pltpu
from jax.experimental.pallas import tpu_sc as plsc


def _softmax_body(x_ref, wr_ref, br_ref, gt_ref, pt_ref, pb_ref):
    logits = lax.dot_general(
        wr_ref[...], x_ref[...], (((0,), (1,)), ((), ())),
        preferred_element_type=jnp.float32)
    logits = logits + br_ref[...] + gt_ref[...]
    m = jnp.max(logits, axis=0, keepdims=True)
    e = jnp.exp(logits - m)
    p = e / jnp.sum(e, axis=0, keepdims=True)
    pt_ref[...] = p
    pb_ref[...] = lax.bitcast_convert_type(p, jnp.int32)


def _sc_topk_body(k_sel, E, bs, pt_hbm, pb_hbm, w_hbm, vals, bits, contrib,
                  red, shared):
    core = lax.axis_index("c")
    sub = lax.axis_index("s")
    seg = bs // E
    i32 = jnp.int32
    U = 8

    def lane_sum(acc):
        total = acc[0]
        for j in range(1, 16):
            total = total + acc[j]
        return total.astype(i32)

    def count_pass(pred):
        def body(i, acc):
            base = pl.multiple_of(i * (16 * U), 16 * U)
            for j in range(U):
                v = bits[pl.ds(base + 16 * j, 16)]
                idx = lax.iota(i32, 16) + (i * (16 * U) + 16 * j)
                acc = acc + jnp.where(pred(v, idx), 1.0, 0.0)
            return acc
        acc = lax.fori_loop(0, bs // (16 * U), body,
                            jnp.zeros((16,), jnp.float32))
        return lane_sum(acc)

    @pl.when((core == 0) & (sub < E))
    def _expert():
        pltpu.sync_copy(pt_hbm.at[sub], vals)
        pltpu.sync_copy(pb_hbm.at[sub], bits)
        def bitloop(b, T):
            lo = i32(28) - 2 * b
            chi = T | (i32(1) << (lo + 1))
            c3 = chi | (i32(1) << lo)
            c1 = T | (i32(1) << lo)
            def body(i, carry):
                a1, a2, a3 = carry
                base = pl.multiple_of(i * (16 * U), 16 * U)
                for j in range(U):
                    v = bits[pl.ds(base + 16 * j, 16)]
                    a1 = a1 + jnp.where(v >= c1, 1.0, 0.0)
                    a2 = a2 + jnp.where(v >= chi, 1.0, 0.0)
                    a3 = a3 + jnp.where(v >= c3, 1.0, 0.0)
                return a1, a2, a3
            z = jnp.zeros((16,), jnp.float32)
            a1, a2, a3 = lax.fori_loop(0, bs // (16 * U), body, (z, z, z))
            n1, n2, n3 = lane_sum(a1), lane_sum(a2), lane_sum(a3)
            return jnp.where(n3 >= k_sel, c3,
                             jnp.where(n2 >= k_sel, chi,
                                       jnp.where(n1 >= k_sel, c1, T)))
        T = lax.fori_loop(0, 15, bitloop, i32(0))
        cnt_gt = count_pass(lambda v, idx: v > T)
        r = k_sel - cnt_gt
        cnt_eq = count_pass(lambda v, idx: v == T)

        def tie_search(_):
            def bitloop2(b, M):
                cand = M | (i32(1) << (i32(12) - b))
                cnt = count_pass(lambda v, idx: (v == T) & (idx < cand))
                return jnp.where(cnt < r, cand, M)
            return lax.fori_loop(0, 13, bitloop2, i32(0))
        M = lax.cond(cnt_eq == r, lambda _: i32(bs), tie_search, 0)

        def emit(i, carry):
            base = pl.multiple_of(i * (16 * U), 16 * U)
            for j in range(U):
                off = base + 16 * j
                xv = vals[pl.ds(off, 16)]
                v = bits[pl.ds(off, 16)]
                idx = lax.iota(i32, 16) + (i * (16 * U) + 16 * j)
                inc = (v > T) | ((v == T) & (idx <= M))
                contrib[pl.ds(off, 16)] = jnp.where(inc, xv, 0.0)
            return carry
        lax.fori_loop(0, bs // (16 * U), emit, i32(0))
        pltpu.sync_copy(contrib, shared.at[sub])

    plsc.subcore_barrier()

    @pl.when((core == 0) & (sub < E))
    def _reduce():
        base = pl.multiple_of(sub * seg, seg)
        for e in range(E):
            pltpu.sync_copy(shared.at[e, pl.ds(base, seg)], red.at[e])
        def body(i, carry):
            off = pl.multiple_of(i * 16, 16)
            total = red[0, pl.ds(off, 16)]
            for e in range(1, E):
                total = total + red[e, pl.ds(off, 16)]
            contrib[pl.ds(off, 16)] = total
            return carry
        lax.fori_loop(0, seg // 16, body, i32(0))
        pltpu.sync_copy(contrib.at[pl.ds(0, seg)], w_hbm.at[pl.ds(base, seg)])


def _ffn_body(x_ref, w1_ref, w2_ref, w3_ref, wv_ref, o_ref):
    xb = x_ref[...].astype(jnp.bfloat16)
    a = jnp.dot(xb, w1_ref[...], preferred_element_type=jnp.float32)
    b = jnp.dot(xb, w2_ref[...], preferred_element_type=jnp.float32)
    h = (a * lax.logistic(a) * b).astype(jnp.bfloat16)
    o = jnp.dot(h, w3_ref[...], preferred_element_type=jnp.float32)
    o_ref[...] = o * wv_ref[...]


def kernel(x, W_router, b_router, w1, w2, w3, gumbel_noise):
    B, S, H = x.shape
    bs = B * S
    E = W_router.shape[1]
    k_sel = min(bs // E, bs)
    FF = w1.shape[1]
    xf = x.reshape(bs, H)

    pt, pt_bits = pl.pallas_call(
        _softmax_body,
        out_shape=[jax.ShapeDtypeStruct((E, bs), jnp.float32),
                   jax.ShapeDtypeStruct((E, bs), jnp.int32)],
    )(xf, W_router, b_router.reshape(E, 1), gumbel_noise.T)

    sc_topk = functools.partial(
        pl.kernel,
        out_type=jax.ShapeDtypeStruct((bs,), jnp.float32),
        mesh=plsc.VectorSubcoreMesh(core_axis_name="c", subcore_axis_name="s"),
        scratch_types=[
            pltpu.VMEM((bs,), jnp.float32),
            pltpu.VMEM((bs,), jnp.int32),
            pltpu.VMEM((bs,), jnp.float32),
            pltpu.VMEM((E, bs // E), jnp.float32),
            pltpu.VMEM_SHARED((E, bs), jnp.float32),
        ],
    )(functools.partial(_sc_topk_body, k_sel, E, bs))
    wv = sc_topk(pt, pt_bits).reshape(bs, 1)

    BM = 512
    grid = (bs // BM,)
    y = pl.pallas_call(
        _ffn_body,
        grid=grid,
        in_specs=[
            pl.BlockSpec((BM, H), lambda i: (i, 0)),
            pl.BlockSpec((H, FF), lambda i: (0, 0)),
            pl.BlockSpec((H, FF), lambda i: (0, 0)),
            pl.BlockSpec((FF, H), lambda i: (0, 0)),
            pl.BlockSpec((BM, 1), lambda i: (i, 0)),
        ],
        out_specs=pl.BlockSpec((BM, H), lambda i: (i, 0)),
        out_shape=jax.ShapeDtypeStruct((bs, H), jnp.float32),
    )(xf, w1.astype(jnp.bfloat16), w2.astype(jnp.bfloat16),
      w3.astype(jnp.bfloat16), wv)

    return y.reshape(B, S, H)

# --- scband reference (transcript-rebuilt; emitter-appended) ---
"""Pipeline reference for scband-group-expert-choice-mo-elayer-55920474194570 (READ-ONLY COPY).

The authoritative reference and input builder live on the scoring server;
editing this copy changes nothing except your own understanding.
"""

import jax, jax.numpy as jnp
import numpy as np

B, S, H = 2, 2048, 1024
E = 8
C = 1.0
TEMP = 1.0
FF = int(H * 4 * (2.0 / 3.0))  # 2730, SwiGLU inner dim


def setup_inputs(seed: int = 0) -> dict:
    key = jax.random.key(seed)
    ks = jax.random.split(key, 8)
    x = jax.random.normal(ks[0], (B, S, H), dtype=jnp.float32)
    W_router = jax.random.normal(ks[1], (H, E), dtype=jnp.float32) * (1.0 / np.sqrt(H))
    b_router = jnp.zeros((E,), dtype=jnp.float32)
    # group_size == 1 path: a single shared SwiGLU FFN expert (same instance reused for all experts)
    w1 = jax.random.normal(ks[2], (H, FF), dtype=jnp.float32) * (1.0 / np.sqrt(H))
    w2 = jax.random.normal(ks[3], (H, FF), dtype=jnp.float32) * (1.0 / np.sqrt(H))
    w3 = jax.random.normal(ks[4], (FF, H), dtype=jnp.float32) * (1.0 / np.sqrt(FF))
    # gumbel noise (materialized so the reference is deterministic)
    u = jax.random.uniform(ks[5], (B * S, E), dtype=jnp.float32)
    gumbel_noise = -jnp.log(-jnp.log(u + 1e-10) + 1e-10)
    return {"x": x, "W_router": W_router, "b_router": b_router,
            "w1": w1, "w2": w2, "w3": w3, "gumbel_noise": gumbel_noise}


def reference(x, W_router, b_router, w1, w2, w3, gumbel_noise):
    b, s, hdim = x.shape
    bs = b * s
    k = min(int(bs * C // E), bs)
    xf = x.reshape(bs, hdim)
    # router (dropout p=0 -> identity)
    clean_h = (xf @ W_router + b_router).astype(jnp.float32)
    h_logits = (clean_h + gumbel_noise) / TEMP
    Smat = jax.nn.softmax(h_logits, axis=-1)  # [bs, E]
    # torch.topk(S, k, dim=0) -> top-k tokens per expert
    Gt, idxt = jax.lax.top_k(Smat.T, k)  # [E, k]
    G = Gt.T           # [k, E]
    idx = idxt.T       # [k, E]
    y = jnp.zeros((bs, hdim), dtype=x.dtype)
    for e in range(E):
        # P_expert: [bs, k] one-hot dispatch matrix for expert e
        P_e = jax.nn.one_hot(idx[:, e], bs, dtype=x.dtype).T  # [bs, k]
        # gather tokens via einsum (faithful to torch reference)
        tokens = jnp.einsum('bk,bh->kh', P_e, xf)  # [k, H]
        # SwiGLU FFN expert (dropout p=0 -> identity)
        hidden = jax.nn.silu(tokens @ w1) * (tokens @ w2)
        E_out = hidden @ w3  # [k, H]
        # scatter back weighted by gate G
        y = y + jnp.einsum('bk,k,kh->bh', P_e, G[:, e], E_out)
    return y.reshape(b, s, hdim)

if __name__ == "__main__":
    import jax
    _d = setup_inputs()
    print(jax.jit(kernel)(*tuple(_d.values())))

</pallas_src>

<mosaic_0001>
#map = affine_map<(d0, d1) -> (0, 0)>
#map1 = affine_map<(d0, d1) -> (0)>
module attributes {stable_mosaic.version = 14 : i64} {
  func.func @_sc_topk_body(%arg0: i32, %arg1: i32, %arg2: memref<8x4096xf32, #tpu.memory_space<hbm>>, %arg3: memref<8x4096xi32, #tpu.memory_space<hbm>>, %arg4: memref<4096xf32, #tpu.memory_space<hbm>>, %arg5: memref<4096xf32, #tpu.memory_space<vmem>>, %arg6: memref<4096xi32, #tpu.memory_space<vmem>>, %arg7: memref<4096xf32, #tpu.memory_space<vmem>>, %arg8: memref<8x512xf32, #tpu.memory_space<vmem>>, %arg9: memref<8x4096xf32, #tpu.memory_space<vmem_shared>>) attributes {dimension_semantics = [#tpu.dimension_semantics<core_parallel>, #tpu.dimension_semantics<subcore_parallel>], iteration_bounds = array<i64: 2, 16>, scalar_prefetch = 0 : i64, scratch_operands = 5 : i64, tpu.core_type = #tpu.core_type<sc_vector_subcore>, window_params = [{transform_indices = #map}, {transform_indices = #map}, {transform_indices = #map1}]} {
    %eq3A = arith.constant 0 : i32
    %eq3A_0 = arith.cmpi eq, %arg0, %eq3A : i32
    %lt3A = arith.constant 8 : i32
    %lt3A_1 = arith.cmpi slt, %arg1, %lt3A : i32
    %and3A = arith.andi %eq3A_0, %lt3A_1 : i1
    %convert_element_type3A = arith.extui %and3A : i1 to i32
    %cond3A = arith.constant 0 : i32
    %cond3A_2 = arith.cmpi ne, %convert_element_type3A, %cond3A : i32
    scf.if %cond3A_2 {
      "tpu.region"() ({
        %run_scoped3A = tpu.sem_alloc : memref<!tpu.dma_semaphore, #tpu.memory_space<semaphore_mem>>
        %dma_start3A = arith.constant 0 : i32
        %dma_start3A_138 = tpu.memref_slice %arg2[%arg1, %dma_start3A] : memref<8x4096xf32, #tpu.memory_space<hbm>> -> memref<1x4096xf32, #tpu.memory_space<hbm>>
        %dma_start3A_139 = tpu.memref_squeeze %dma_start3A_138 : memref<1x4096xf32, #tpu.memory_space<hbm>> -> memref<4096xf32, #tpu.memory_space<hbm>>
        %dma_start3A_140 = arith.constant 0 : i32
        %dma_start3A_141 = tpu.memref_slice %arg2[%arg1, %dma_start3A_140] : memref<8x4096xf32, #tpu.memory_space<hbm>> -> memref<1x4096xf32, #tpu.memory_space<hbm>>
        %dma_start3A_142 = tpu.memref_squeeze %dma_start3A_141 : memref<1x4096xf32, #tpu.memory_space<hbm>> -> memref<4096xf32, #tpu.memory_space<hbm>>
        tpu.enqueue_dma source(%dma_start3A_142 : memref<4096xf32, #tpu.memory_space<hbm>>) target(%arg5 : memref<4096xf32, #tpu.memory_space<vmem>>) target_semaphore(%run_scoped3A : memref<!tpu.dma_semaphore, #tpu.memory_space<semaphore_mem>>)
        %dma_wait3A = arith.constant 0 : i32
        %dma_wait3A_143 = tpu.memref_slice %arg2[%arg1, %dma_wait3A] : memref<8x4096xf32, #tpu.memory_space<hbm>> -> memref<1x4096xf32, #tpu.memory_space<hbm>>
        %dma_wait3A_144 = tpu.memref_squeeze %dma_wait3A_143 : memref<1x4096xf32, #tpu.memory_space<hbm>> -> memref<4096xf32, #tpu.memory_space<hbm>>
        %dma_wait3A_145 = arith.constant 0 : i32
        %dma_wait3A_146 = tpu.memref_slice %arg2[%arg1, %dma_wait3A_145] : memref<8x4096xf32, #tpu.memory_space<hbm>> -> memref<1x4096xf32, #tpu.memory_space<hbm>>
        %dma_wait3A_147 = tpu.memref_squeeze %dma_wait3A_146 : memref<1x4096xf32, #tpu.memory_space<hbm>> -> memref<4096xf32, #tpu.memory_space<hbm>>
        tpu.wait_dma2 semaphore(%run_scoped3A : memref<!tpu.dma_semaphore, #tpu.memory_space<semaphore_mem>>) src(%dma_wait3A_147 : memref<4096xf32, #tpu.memory_space<hbm>>) dst(%arg5 : memref<4096xf32, #tpu.memory_space<vmem>>)
        tpu.yield
      }) : () -> ()
      "tpu.region"() ({
        %run_scoped3A = tpu.sem_alloc : memref<!tpu.dma_semaphore, #tpu.memory_space<semaphore_mem>>
        %dma_start3A = arith.constant 0 : i32
        %dma_start3A_138 = tpu.memref_slice %arg3[%arg1, %dma_start3A] : memref<8x4096xi32, #tpu.memory_space<hbm>> -> memref<1x4096xi32, #tpu.memory_space<hbm>>
        %dma_start3A_139 = tpu.memref_squeeze %dma_start3A_138 : memref<1x4096xi32, #tpu.memory_space<hbm>> -> memref<4096xi32, #tpu.memory_space<hbm>>
        %dma_start3A_140 = arith.constant 0 : i32
        %dma_start3A_141 = tpu.memref_slice %arg3[%arg1, %dma_start3A_140] : memref<8x4096xi32, #tpu.memory_space<hbm>> -> memref<1x4096xi32, #tpu.memory_space<hbm>>
        %dma_start3A_142 = tpu.memref_squeeze %dma_start3A_141 : memref<1x4096xi32, #tpu.memory_space<hbm>> -> memref<4096xi32, #tpu.memory_space<hbm>>
        tpu.enqueue_dma source(%dma_start3A_142 : memref<4096xi32, #tpu.memory_space<hbm>>) target(%arg6 : memref<4096xi32, #tpu.memory_space<vmem>>) target_semaphore(%run_scoped3A : memref<!tpu.dma_semaphore, #tpu.memory_space<semaphore_mem>>)
        %dma_wait3A = arith.constant 0 : i32
        %dma_wait3A_143 = tpu.memref_slice %arg3[%arg1, %dma_wait3A] : memref<8x4096xi32, #tpu.memory_space<hbm>> -> memref<1x4096xi32, #tpu.memory_space<hbm>>
        %dma_wait3A_144 = tpu.memref_squeeze %dma_wait3A_143 : memref<1x4096xi32, #tpu.memory_space<hbm>> -> memref<4096xi32, #tpu.memory_space<hbm>>
        %dma_wait3A_145 = arith.constant 0 : i32
        %dma_wait3A_146 = tpu.memref_slice %arg3[%arg1, %dma_wait3A_145] : memref<8x4096xi32, #tpu.memory_space<hbm>> -> memref<1x4096xi32, #tpu.memory_space<hbm>>
        %dma_wait3A_147 = tpu.memref_squeeze %dma_wait3A_146 : memref<1x4096xi32, #tpu.memory_space<hbm>> -> memref<4096xi32, #tpu.memory_space<hbm>>
        tpu.wait_dma2 semaphore(%run_scoped3A : memref<!tpu.dma_semaphore, #tpu.memory_space<semaphore_mem>>) src(%dma_wait3A_147 : memref<4096xi32, #tpu.memory_space<hbm>>) dst(%arg6 : memref<4096xi32, #tpu.memory_space<vmem>>)
        tpu.yield
      }) : () -> ()
      %scan3A = arith.constant 0 : i32
      %scan3A_11 = arith.constant 0 : i32
      %scan3A_12 = arith.constant 15 : i32
      %scan3A_13 = arith.addi %scan3A_11, %scan3A_12 : i32
      %scan3A_14 = arith.constant 1 : i32
      %scan3A_15 = scf.for %scan3A_138 = %scan3A_11 to %scan3A_13 step %scan3A_14 iter_args(%scan3A_139 = %scan3A) -> (i32)  : i32 {
        %mul3A = arith.constant 2 : i32
        %mul3A_140 = arith.muli %mul3A, %scan3A_138 : i32
        %sub3A_141 = arith.constant 28 : i32
        %sub3A_142 = arith.subi %sub3A_141, %mul3A_140 : i32
        %add3A_143 = arith.constant 1 : i32
        %add3A_144 = arith.addi %sub3A_142, %add3A_143 : i32
        %shift_left3A = arith.constant 1 : i32
        %shift_left3A_145 = arith.shli %shift_left3A, %add3A_144 : i32
        %or3A = arith.ori %scan3A_139, %shift_left3A_145 : i32
        %shift_left3A_146 = arith.constant 1 : i32
        %shift_left3A_147 = arith.shli %shift_left3A_146, %sub3A_142 : i32
        %or3A_148 = arith.ori %or3A, %shift_left3A_147 : i32
        %shift_left3A_149 = arith.constant 1 : i32
        %shift_left3A_150 = arith.shli %shift_left3A_149, %sub3A_142 : i32
        %or3A_151 = arith.ori %scan3A_139, %shift_left3A_150 : i32
        %broadcast_in_dim3A_152 = arith.constant 0.000000e+00 : f32
        %broadcast_in_dim3A_153 = vector.broadcast %broadcast_in_dim3A_152 : f32 to vector<16xf32>
        %scan3A_154 = arith.constant 0 : i32
        %scan3A_155 = arith.constant 32 : i32
        %scan3A_156 = arith.addi %scan3A_154, %scan3A_155 : i32
        %scan3A_157 = arith.constant 1 : i32
        %scan3A_158:3 = scf.for %scan3A_311 = %scan3A_154 to %scan3A_156 step %scan3A_157 iter_args(%scan3A_312 = %broadcast_in_dim3A_153, %scan3A_313 = %broadcast_in_dim3A_153, %scan3A_314 = %broadcast_in_dim3A_153) -> (vector<16xf32>, vector<16xf32>, vector<16xf32>)  : i32 {
          %mul3A_315 = arith.constant 128 : i32
          %mul3A_316 = arith.muli %scan3A_311, %mul3A_315 : i32
          %multiple_of3A = tpu.assume_multiple %mul3A_316, 128 : i32
          %add3A_317 = arith.constant 0 : i32
          %add3A_318 = arith.addi %multiple_of3A, %add3A_317 : i32
          %get3A = arith.index_cast %add3A_318 : i32 to index
          %get3A_319 = tpu.vector_load %arg6[%get3A] {strides = array<i32>} : memref<4096xi32, #tpu.memory_space<vmem>>, vector<16xi32>,
          %get3A_320 = vector.shape_cast %get3A_319 : vector<16xi32> to vector<16xi32>
          %ge3A_321 = vector.broadcast %or3A_151 : i32 to vector<16xi32>
          %ge3A_322 = arith.cmpi sge, %get3A_320, %ge3A_321 : vector<16xi32>
          %jit3A = arith.constant 1.000000e+00 : f32
          %jit3A_323 = arith.constant 0.000000e+00 : f32
          %broadcast_in_dim3A_324 = vector.broadcast %jit3A : f32 to vector<16xf32>
          %broadcast_in_dim3A_325 = vector.broadcast %jit3A_323 : f32 to vector<16xf32>
          %select_n3A_326 = arith.select %ge3A_322, %broadcast_in_dim3A_324, %broadcast_in_dim3A_325 : vector<16xi1>, vector<16xf32>
          %add3A_327 = arith.addf %scan3A_312, %select_n3A_326 : vector<16xf32>
          %ge3A_328 = vector.broadcast %or3A : i32 to vector<16xi32>
          %ge3A_329 = arith.cmpi sge, %get3A_320, %ge3A_328 : vector<16xi32>
          %jit3A_330 = arith.constant 1.000000e+00 : f32
          %jit3A_331 = arith.constant 0.000000e+00 : f32
          %broadcast_in_dim3A_332 = vector.broadcast %jit3A_330 : f32 to vector<16xf32>
          %broadcast_in_dim3A_333 = vector.broadcast %jit3A_331 : f32 to vector<16xf32>
          %select_n3A_334 = arith.select %ge3A_329, %broadcast_in_dim3A_332, %broadcast_in_dim3A_333 : vector<16xi1>, vector<16xf32>
          %add3A_335 = arith.addf %scan3A_313, %select_n3A_334 : vector<16xf32>
          %ge3A_336 = vector.broadcast %or3A_148 : i32 to vector<16xi32>
          %ge3A_337 = arith.cmpi sge, %get3A_320, %ge3A_336 : vector<16xi32>
          %jit3A_338 = arith.constant 1.000000e+00 : f32
          %jit3A_339 = arith.constant 0.000000e+00 : f32
          %broadcast_in_dim3A_340 = vector.broadcast %jit3A_338 : f32 to vector<16xf32>
          %broadcast_in_dim3A_341 = vector.broadcast %jit3A_339 : f32 to vector<16xf32>
          %select_n3A_342 = arith.select %ge3A_337, %broadcast_in_dim3A_340, %broadcast_in_dim3A_341 : vector<16xi1>, vector<16xf32>
          %add3A_343 = arith.addf %scan3A_314, %select_n3A_342 : vector<16xf32>
          %add3A_344 = arith.constant 16 : i32
          %add3A_345 = arith.addi %multiple_of3A, %add3A_344 : i32
          %get3A_346 = arith.index_cast %add3A_345 : i32 to index
          %get3A_347 = tpu.vector_load %arg6[%get3A_346] {strides = array<i32>} : memref<4096xi32, #tpu.memory_space<vmem>>, vector<16xi32>,
          %get3A_348 = vector.shape_cast %get3A_347 : vector<16xi32> to vector<16xi32>
          %ge3A_349 = vector.broadcast %or3A_151 : i32 to vector<16xi32>
          %ge3A_350 = arith.cmpi sge, %get3A_348, %ge3A_349 : vector<16xi32>
          %jit3A_351 = arith.constant 1.000000e+00 : f32
          %jit3A_352 = arith.constant 0.000000e+00 : f32
          %broadcast_in_dim3A_353 = vector.broadcast %jit3A_351 : f32 to vector<16xf32>
          %broadcast_in_dim3A_354 = vector.broadcast %jit3A_352 : f32 to vector<16xf32>
          %select_n3A_355 = arith.select %ge3A_350, %broadcast_in_dim3A_353, %broadcast_in_dim3A_354 : vector<16xi1>, vector<16xf32>
          %add3A_356 = arith.addf %add3A_327, %select_n3A_355 : vector<16xf32>
          %ge3A_357 = vector.broadcast %or3A : i32 to vector<16xi32>
          %ge3A_358 = arith.cmpi sge, %get3A_348, %ge3A_357 : vector<16xi32>
          %jit3A_359 = arith.constant 1.000000e+00 : f32
          %jit3A_360 = arith.constant 0.000000e+00 : f32
          %broadcast_in_dim3A_361 = vector.broadcast %jit3A_359 : f32 to vector<16xf32>
          %broadcast_in_dim3A_362 = vector.broadcast %jit3A_360 : f32 to vector<16xf32>
          %select_n3A_363 = arith.select %ge3A_358, %broadcast_in_dim3A_361, %broadcast_in_dim3A_362 : vector<16xi1>, vector<16xf32>
          %add3A_364 = arith.addf %add3A_335, %select_n3A_363 : vector<16xf32>
          %ge3A_365 = vector.broadcast %or3A_148 : i32 to vector<16xi32>
          %ge3A_366 = arith.cmpi sge, %get3A_348, %ge3A_365 : vector<16xi32>
          %jit3A_367 = arith.constant 1.000000e+00 : f32
          %jit3A_368 = arith.constant 0.000000e+00 : f32
          %broadcast_in_dim3A_369 = vector.broadcast %jit3A_367 : f32 to vector<16xf32>
          %broadcast_in_dim3A_370 = vector.broadcast %jit3A_368 : f32 to vector<16xf32>
          %select_n3A_371 = arith.select %ge3A_366, %broadcast_in_dim3A_369, %broadcast_in_dim3A_370 : vector<16xi1>, vector<16xf32>
          %add3A_372 = arith.addf %add3A_343, %select_n3A_371 : vector<16xf32>
          %add3A_373 = arith.constant 32 : i32
          %add3A_374 = arith.addi %multiple_of3A, %add3A_373 : i32
          %get3A_375 = arith.index_cast %add3A_374 : i32 to index
          %get3A_376 = tpu.vector_load %arg6[%get3A_375] {strides = array<i32>} : memref<4096xi32, #tpu.memory_space<vmem>>, vector<16xi32>,
          %get3A_377 = vector.shape_cast %get3A_376 : vector<16xi32> to vector<16xi32>
          %ge3A_378 = vector.broadcast %or3A_151 : i32 to vector<16xi32>
          %ge3A_379 = arith.cmpi sge, %get3A_377, %ge3A_378 : vector<16xi32>
          %jit3A_380 = arith.constant 1.000000e+00 : f32
          %jit3A_381 = arith.constant 0.000000e+00 : f32
          %broadcast_in_dim3A_382 = vector.broadcast %jit3A_380 : f32 to vector<16xf32>
          %broadcast_in_dim3A_383 = vector.broadcast %jit3A_381 : f32 to vector<16xf32>
          %select_n3A_384 = arith.select %ge3A_379, %broadcast_in_dim3A_382, %broadcast_in_dim3A_383 : vector<16xi1>, vector<16xf32>
          %add3A_385 = arith.addf %add3A_356, %select_n3A_384 : vector<16xf32>
          %ge3A_386 = vector.broadcast %or3A : i32 to vector<16xi32>
          %ge3A_387 = arith.cmpi sge, %get3A_377, %ge3A_386 : vector<16xi32>
          %jit3A_388 = arith.constant 1.000000e+00 : f32
          %jit3A_389 = arith.constant 0.000000e+00 : f32
          %broadcast_in_dim3A_390 = vector.broadcast %jit3A_388 : f32 to vector<16xf32>
          %broadcast_in_dim3A_391 = vector.broadcast %jit3A_389 : f32 to vector<16xf32>
          %select_n3A_392 = arith.select %ge3A_387, %broadcast_in_dim3A_390, %broadcast_in_dim3A_391 : vector<16xi1>, vector<16xf32>
          %add3A_393 = arith.addf %add3A_364, %select_n3A_392 : vector<16xf32>
          %ge3A_394 = vector.broadcast %or3A_148 : i32 to vector<16xi32>
          %ge3A_395 = arith.cmpi sge, %get3A_377, %ge3A_394 : vector<16xi32>
          %jit3A_396 = arith.constant 1.000000e+00 : f32
          %jit3A_397 = arith.constant 0.000000e+00 : f32
          %broadcast_in_dim3A_398 = vector.broadcast %jit3A_396 : f32 to vector<16xf32>
          %broadcast_in_dim3A_399 = vector.broadcast %jit3A_397 : f32 to vector<16xf32>
          %select_n3A_400 = arith.select %ge3A_395, %broadcast_in_dim3A_398, %broadcast_in_dim3A_399 : vector<16xi1>, vector<16xf32>
          %add3A_401 = arith.addf %add3A_372, %select_n3A_400 : vector<16xf32>
          %add3A_402 = arith.constant 48 : i32
          %add3A_403 = arith.addi %multiple_of3A, %add3A_402 : i32
          %get3A_404 = arith.index_cast %add3A_403 : i32 to index
          %get3A_405 = tpu.vector_load %arg6[%get3A_404] {strides = array<i32>} : memref<4096xi32, #tpu.memory_space<vmem>>, vector<16xi32>,
          %get3A_406 = vector.shape_cast %get3A_405 : vector<16xi32> to vector<16xi32>
          %ge3A_407 = vector.broadcast %or3A_151 : i32 to vector<16xi32>
          %ge3A_408 = arith.cmpi sge, %get3A_406, %ge3A_407 : vector<16xi32>
          %jit3A_409 = arith.constant 1.000000e+00 : f32
          %jit3A_410 = arith.constant 0.000000e+00 : f32
          %broadcast_in_dim3A_411 = vector.broadcast %jit3A_409 : f32 to vector<16xf32>
          %broadcast_in_dim3A_412 = vector.broadcast %jit3A_410 : f32 to vector<16xf32>
          %select_n3A_413 = arith.select %ge3A_408, %broadcast_in_dim3A_411, %broadcast_in_dim3A_412 : vector<16xi1>, vector<16xf32>
          %add3A_414 = arith.addf %add3A_385, %select_n3A_413 : vector<16xf32>
          %ge3A_415 = vector.broadcast %or3A : i32 to vector<16xi32>
          %ge3A_416 = arith.cmpi sge, %get3A_406, %ge3A_415 : vector<16xi32>
          %jit3A_417 = arith.constant 1.000000e+00 : f32
          %jit3A_418 = arith.constant 0.000000e+00 : f32
          %broadcast_in_dim3A_419 = vector.broadcast %jit3A_417 : f32 to vector<16xf32>
          %broadcast_in_dim3A_420 = vector.broadcast %jit3A_418 : f32 to vector<16xf32>
          %select_n3A_421 = arith.select %ge3A_416, %broadcast_in_dim3A_419, %broadcast_in_dim3A_420 : vector<16xi1>, vector<16xf32>
          %add3A_422 = arith.addf %add3A_393, %select_n3A_421 : vector<16xf32>
          %ge3A_423 = vector.broadcast %or3A_148 : i32 to vector<16xi32>
          %ge3A_424 = arith.cmpi sge, %get3A_406, %ge3A_423 : vector<16xi32>
          %jit3A_425 = arith.constant 1.000000e+00 : f32
          %jit3A_426 = arith.constant 0.000000e+00 : f32
          %broadcast_in_dim3A_427 = vector.broadcast %jit3A_425 : f32 to vector<16xf32>
          %broadcast_in_dim3A_428 = vector.broadcast %jit3A_426 : f32 to vector<16xf32>
          %select_n3A_429 = arith.select %ge3A_424, %broadcast_in_dim3A_427, %broadcast_in_dim3A_428 : vector<16xi1>, vector<16xf32>
          %add3A_430 = arith.addf %add3A_401, %select_n3A_429 : vector<16xf32>
          %add3A_431 = arith.constant 64 : i32
          %add3A_432 = arith.addi %multiple_of3A, %add3A_431 : i32
          %get3A_433 = arith.index_cast %add3A_432 : i32 to index
          %get3A_434 = tpu.vector_load %arg6[%get3A_433] {strides = array<i32>} : memref<4096xi32, #tpu.memory_space<vmem>>, vector<16xi32>,
          %get3A_435 = vector.shape_cast %get3A_434 : vector<16xi32> to vector<16xi32>
          %ge3A_436 = vector.broadcast %or3A_151 : i32 to vector<16xi32>
          %ge3A_437 = arith.cmpi sge, %get3A_435, %ge3A_436 : vector<16xi32>
          %jit3A_438 = arith.constant 1.000000e+00 : f32
          %jit3A_439 = arith.constant 0.000000e+00 : f32
          %broadcast_in_dim3A_440 = vector.broadcast %jit3A_438 : f32 to vector<16xf32>
          %broadcast_in_dim3A_441 = vector.broadcast %jit3A_439 : f32 to vector<16xf32>
          %select_n3A_442 = arith.select %ge3A_437, %broadcast_in_dim3A_440, %broadcast_in_dim3A_441 : vector<16xi1>, vector<16xf32>
          %add3A_443 = arith.addf %add3A_414, %select_n3A_442 : vector<16xf32>
          %ge3A_444 = vector.broadcast %or3A : i32 to vector<16xi32>
          %ge3A_445 = arith.cmpi sge, %get3A_435, %ge3A_444 : vector<16xi32>
          %jit3A_446 = arith.constant 1.000000e+00 : f32
          %jit3A_447 = arith.constant 0.000000e+00 : f32
          %broadcast_in_dim3A_448 = vector.broadcast %jit3A_446 : f32 to vector<16xf32>
          %broadcast_in_dim3A_449 = vector.broadcast %jit3A_447 : f32 to vector<16xf32>
          %select_n3A_450 = arith.select %ge3A_445, %broadcast_in_dim3A_448, %broadcast_in_dim3A_449 : vector<16xi1>, vector<16xf32>
          %add3A_451 = arith.addf %add3A_422, %select_n3A_450 : vector<16xf32>
          %ge3A_452 = vector.broadcast %or3A_148 : i32 to vector<16xi32>
          %ge3A_453 = arith.cmpi sge, %get3A_435, %ge3A_452 : vector<16xi32>
          %jit3A_454 = arith.constant 1.000000e+00 : f32
          %jit3A_455 = arith.constant 0.000000e+00 : f32
          %broadcast_in_dim3A_456 = vector.broadcast %jit3A_454 : f32 to vector<16xf32>
          %broadcast_in_dim3A_457 = vector.broadcast %jit3A_455 : f32 to vector<16xf32>
          %select_n3A_458 = arith.select %ge3A_453, %broadcast_in_dim3A_456, %broadcast_in_dim3A_457 : vector<16xi1>, vector<16xf32>
          %add3A_459 = arith.addf %add3A_430, %select_n3A_458 : vector<16xf32>
          %add3A_460 = arith.constant 80 : i32
          %add3A_461 = arith.addi %multiple_of3A, %add3A_460 : i32
          %get3A_462 = arith.index_cast %add3A_461 : i32 to index
          %get3A_463 = tpu.vector_load %arg6[%get3A_462] {strides = array<i32>} : memref<4096xi32, #tpu.memory_space<vmem>>, vector<16xi32>,
          %get3A_464 = vector.shape_cast %get3A_463 : vector<16xi32> to vector<16xi32>
          %ge3A_465 = vector.broadcast %or3A_151 : i32 to vector<16xi32>
          %ge3A_466 = arith.cmpi sge, %get3A_464, %ge3A_465 : vector<16xi32>
          %jit3A_467 = arith.constant 1.000000e+00 : f32
          %jit3A_468 = arith.constant 0.000000e+00 : f32
          %broadcast_in_dim3A_469 = vector.broadcast %jit3A_467 : f32 to vector<16xf32>
          %broadcast_in_dim3A_470 = vector.broadcast %jit3A_468 : f32 to vector<16xf32>
          %select_n3A_471 = arith.select %ge3A_466, %broadcast_in_dim3A_469, %broadcast_in_dim3A_470 : vector<16xi1>, vector<16xf32>
          %add3A_472 = arith.addf %add3A_443, %select_n3A_471 : vector<16xf32>
          %ge3A_473 = vector.broadcast %or3A : i32 to vector<16xi32>
          %ge3A_474 = arith.cmpi sge, %get3A_464, %ge3A_473 : vector<16xi32>
          %jit3A_475 = arith.constant 1.000000e+00 : f32
          %jit3A_476 = arith.constant 0.000000e+00 : f32
          %broadcast_in_dim3A_477 = vector.broadcast %jit3A_475 : f32 to vector<16xf32>
          %broadcast_in_dim3A_478 = vector.broadcast %jit3A_476 : f32 to vector<16xf32>
          %select_n3A_479 = arith.select %ge3A_474, %broadcast_in_dim3A_477, %broadcast_in_dim3A_478 : vector<16xi1>, vector<16xf32>
          %add3A_480 = arith.addf %add3A_451, %select_n3A_479 : vector<16xf32>
          %ge3A_481 = vector.broadcast %or3A_148 : i32 to vector<16xi32>
          %ge3A_482 = arith.cmpi sge, %get3A_464, %ge3A_481 : vector<16xi32>
          %jit3A_483 = arith.constant 1.000000e+00 : f32
          %jit3A_484 = arith.constant 0.000000e+00 : f32
          %broadcast_in_dim3A_485 = vector.broadcast %jit3A_483 : f32 to vector<16xf32>
          %broadcast_in_dim3A_486 = vector.broadcast %jit3A_484 : f32 to vector<16xf32>
          %select_n3A_487 = arith.select %ge3A_482, %broadcast_in_dim3A_485, %broadcast_in_dim3A_486 : vector<16xi1>, vector<16xf32>
          %add3A_488 = arith.addf %add3A_459, %select_n3A_487 : vector<16xf32>
          %add3A_489 = arith.constant 96 : i32
          %add3A_490 = arith.addi %multiple_of3A, %add3A_489 : i32
          %get3A_491 = arith.index_cast %add3A_490 : i32 to index
          %get3A_492 = tpu.vector_load %arg6[%get3A_491] {strides = array<i32>} : memref<4096xi32, #tpu.memory_space<vmem>>, vector<16xi32>,
          %get3A_493 = vector.shape_cast %get3A_492 : vector<16xi32> to vector<16xi32>
          %ge3A_494 = vector.broadcast %or3A_151 : i32 to vector<16xi32>
          %ge3A_495 = arith.cmpi sge, %get3A_493, %ge3A_494 : vector<16xi32>
          %jit3A_496 = arith.constant 1.000000e+00 : f32
          %jit3A_497 = arith.constant 0.000000e+00 : f32
          %broadcast_in_dim3A_498 = vector.broadcast %jit3A_496 : f32 to vector<16xf32>
          %broadcast_in_dim3A_499 = vector.broadcast %jit3A_497 : f32 to vector<16xf32>
          %select_n3A_500 = arith.select %ge3A_495, %broadcast_in_dim3A_498, %broadcast_in_dim3A_499 : vector<16xi1>, vector<16xf32>
          %add3A_501 = arith.addf %add3A_472, %select_n3A_500 : vector<16xf32>
          %ge3A_502 = vector.broadcast %or3A : i32 to vector<16xi32>
          %ge3A_503 = arith.cmpi sge, %get3A_493, %ge3A_502 : vector<16xi32>
          %jit3A_504 = arith.constant 1.000000e+00 : f32
          %jit3A_505 = arith.constant 0.000000e+00 : f32
          %broadcast_in_dim3A_506 = vector.broadcast %jit3A_504 : f32 to vector<16xf32>
          %broadcast_in_dim3A_507 = vector.broadcast %jit3A_505 : f32 to vector<16xf32>
          %select_n3A_508 = arith.select %ge3A_503, %broadcast_in_dim3A_506, %broadcast_in_dim3A_507 : vector<16xi1>, vector<16xf32>
          %add3A_509 = arith.addf %add3A_480, %select_n3A_508 : vector<16xf32>
          %ge3A_510 = vector.broadcast %or3A_148 : i32 to vector<16xi32>
          %ge3A_511 = arith.cmpi sge, %get3A_493, %ge3A_510 : vector<16xi32>
          %jit3A_512 = arith.constant 1.000000e+00 : f32
          %jit3A_513 = arith.constant 0.000000e+00 : f32
          %broadcast_in_dim3A_514 = vector.broadcast %jit3A_512 : f32 to vector<16xf32>
          %broadcast_in_dim3A_515 = vector.broadcast %jit3A_513 : f32 to vector<16xf32>
          %select_n3A_516 = arith.select %ge3A_511, %broadcast_in_dim3A_514, %broadcast_in_dim3A_515 : vector<16xi1>, vector<16xf32>
          %add3A_517 = arith.addf %add3A_488, %select_n3A_516 : vector<16xf32>
          %add3A_518 = arith.constant 112 : i32
          %add3A_519 = arith.addi %multiple_of3A, %add3A_518 : i32
          %get3A_520 = arith.index_cast %add3A_519 : i32 to index
          %get3A_521 = tpu.vector_load %arg6[%get3A_520] {strides = array<i32>} : memref<4096xi32, #tpu.memory_space<vmem>>, vector<16xi32>,
          %get3A_522 = vector.shape_cast %get3A_521 : vector<16xi32> to vector<16xi32>
          %ge3A_523 = vector.broadcast %or3A_151 : i32 to vector<16xi32>
          %ge3A_524 = arith.cmpi sge, %get3A_522, %ge3A_523 : vector<16xi32>
          %jit3A_525 = arith.constant 1.000000e+00 : f32
          %jit3A_526 = arith.constant 0.000000e+00 : f32
          %broadcast_in_dim3A_527 = vector.broadcast %jit3A_525 : f32 to vector<16xf32>
          %broadcast_in_dim3A_528 = vector.broadcast %jit3A_526 : f32 to vector<16xf32>
          %select_n3A_529 = arith.select %ge3A_524, %broadcast_in_dim3A_527, %broadcast_in_dim3A_528 : vector<16xi1>, vector<16xf32>
          %add3A_530 = arith.addf %add3A_501, %select_n3A_529 : vector<16xf32>
          %ge3A_531 = vector.broadcast %or3A : i32 to vector<16xi32>
          %ge3A_532 = arith.cmpi sge, %get3A_522, %ge3A_531 : vector<16xi32>
          %jit3A_533 = arith.constant 1.000000e+00 : f32
          %jit3A_534 = arith.constant 0.000000e+00 : f32
          %broadcast_in_dim3A_535 = vector.broadcast %jit3A_533 : f32 to vector<16xf32>
          %broadcast_in_dim3A_536 = vector.broadcast %jit3A_534 : f32 to vector<16xf32>
          %select_n3A_537 = arith.select %ge3A_532, %broadcast_in_dim3A_535, %broadcast_in_dim3A_536 : vector<16xi1>, vector<16xf32>
          %add3A_538 = arith.addf %add3A_509, %select_n3A_537 : vector<16xf32>
          %ge3A_539 = vector.broadcast %or3A_148 : i32 to vector<16xi32>
          %ge3A_540 = arith.cmpi sge, %get3A_522, %ge3A_539 : vector<16xi32>
          %jit3A_541 = arith.constant 1.000000e+00 : f32
          %jit3A_542 = arith.constant 0.000000e+00 : f32
          %broadcast_in_dim3A_543 = vector.broadcast %jit3A_541 : f32 to vector<16xf32>
          %broadcast_in_dim3A_544 = vector.broadcast %jit3A_542 : f32 to vector<16xf32>
          %select_n3A_545 = arith.select %ge3A_540, %broadcast_in_dim3A_543, %broadcast_in_dim3A_544 : vector<16xi1>, vector<16xf32>
          %add3A_546 = arith.addf %add3A_517, %select_n3A_545 : vector<16xf32>
          scf.yield %add3A_530, %add3A_538, %add3A_546 : vector<16xf32>, vector<16xf32>, vector<16xf32>
        }
        %scan3A_159 = arith.constant 32 : i32
        %slice3A_160 = vector.extract_strided_slice %scan3A_158#0 {offsets = [0], sizes = [1], strides = [1]} : vector<16xf32> to vector<1xf32>
        %squeeze3A_161 = vector.extract %slice3A_160[0] : f32 from vector<1xf32>
        %slice3A_162 = vector.extract_strided_slice %scan3A_158#0 {offsets = [1], sizes = [1], strides = [1]} : vector<16xf32> to vector<1xf32>
        %squeeze3A_163 = vector.extract %slice3A_162[0] : f32 from vector<1xf32>
        %add3A_164 = arith.addf %squeeze3A_161, %squeeze3A_163 : f32
        %slice3A_165 = vector.extract_strided_slice %scan3A_158#0 {offsets = [2], sizes = [1], strides = [1]} : vector<16xf32> to vector<1xf32>
        %squeeze3A_166 = vector.extract %slice3A_165[0] : f32 from vector<1xf32>
        %add3A_167 = arith.addf %add3A_164, %squeeze3A_166 : f32
        %slice3A_168 = vector.extract_strided_slice %scan3A_158#0 {offsets = [3], sizes = [1], strides = [1]} : vector<16xf32> to vector<1xf32>
        %squeeze3A_169 = vector.extract %slice3A_168[0] : f32 from vector<1xf32>
        %add3A_170 = arith.addf %add3A_167, %squeeze3A_169 : f32
        %slice3A_171 = vector.extract_strided_slice %scan3A_158#0 {offsets = [4], sizes = [1], strides = [1]} : vector<16xf32> to vector<1xf32>
        %squeeze3A_172 = vector.extract %slice3A_171[0] : f32 from vector<1xf32>
        %add3A_173 = arith.addf %add3A_170, %squeeze3A_172 : f32
        %slice3A_174 = vector.extract_strided_slice %scan3A_158#0 {offsets = [5], sizes = [1], strides = [1]} : vector<16xf32> to vector<1xf32>
        %squeeze3A_175 = vector.extract %slice3A_174[0] : f32 from vector<1xf32>
        %add3A_176 = arith.addf %add3A_173, %squeeze3A_175 : f32
        %slice3A_177 = vector.extract_strided_slice %scan3A_158#0 {offsets = [6], sizes = [1], strides = [1]} : vector<16xf32> to vector<1xf32>
        %squeeze3A_178 = vector.extract %slice3A_177[0] : f32 from vector<1xf32>
        %add3A_179 = arith.addf %add3A_176, %squeeze3A_178 : f32
        %slice3A_180 = vector.extract_strided_slice %scan3A_158#0 {offsets = [7], sizes = [1], strides = [1]} : vector<16xf32> to vector<1xf32>
        %squeeze3A_181 = vector.extract %slice3A_180[0] : f32 from vector<1xf32>
        %add3A_182 = arith.addf %add3A_179, %squeeze3A_181 : f32
        %slice3A_183 = vector.extract_strided_slice %scan3A_158#0 {offsets = [8], sizes = [1], strides = [1]} : vector<16xf32> to vector<1xf32>
        %squeeze3A_184 = vector.extract %slice3A_183[0] : f32 from vector<1xf32>
        %add3A_185 = arith.addf %add3A_182, %squeeze3A_184 : f32
        %slice3A_186 = vector.extract_strided_slice %scan3A_158#0 {offsets = [9], sizes = [1], strides = [1]} : vector<16xf32> to vector<1xf32>
        %squeeze3A_187 = vector.extract %slice3A_186[0] : f32 from vector<1xf32>
        %add3A_188 = arith.addf %add3A_185, %squeeze3A_187 : f32
        %slice3A_189 = vector.extract_strided_slice %scan3A_158#0 {offsets = [10], sizes = [1], strides = [1]} : vector<16xf32> to vector<1xf32>
        %squeeze3A_190 = vector.extract %slice3A_189[0] : f32 from vector<1xf32>
        %add3A_191 = arith.addf %add3A_188, %squeeze3A_190 : f32
        %slice3A_192 = vector.extract_strided_slice %scan3A_158#0 {offsets = [11], sizes = [1], strides = [1]} : vector<16xf32> to vector<1xf32>
        %squeeze3A_193 = vector.extract %slice3A_192[0] : f32 from vector<1xf32>
        %add3A_194 = arith.addf %add3A_191, %squeeze3A_193 : f32
        %slice3A_195 = vector.extract_strided_slice %scan3A_158#0 {offsets = [12], sizes = [1], strides = [1]} : vector<16xf32> to vector<1xf32>
        %squeeze3A_196 = vector.extract %slice3A_195[0] : f32 from vector<1xf32>
        %add3A_197 = arith.addf %add3A_194, %squeeze3A_196 : f32
        %slice3A_198 = vector.extract_strided_slice %scan3A_158#0 {offsets = [13], sizes = [1], strides = [1]} : vector<16xf32> to vector<1xf32>
        %squeeze3A_199 = vector.extract %slice3A_198[0] : f32 from vector<1xf32>
        %add3A_200 = arith.addf %add3A_197, %squeeze3A_199 : f32
        %slice3A_201 = vector.extract_strided_slice %scan3A_158#0 {offsets = [14], sizes = [1], strides = [1]} : vector<16xf32> to vector<1xf32>
        %squeeze3A_202 = vector.extract %slice3A_201[0] : f32 from vector<1xf32>
        %add3A_203 = arith.addf %add3A_200, %squeeze3A_202 : f32
        %slice3A_204 = vector.extract_strided_slice %scan3A_158#0 {offsets = [15], sizes = [1], strides = [1]} : vector<16xf32> to vector<1xf32>
        %squeeze3A_205 = vector.extract %slice3A_204[0] : f32 from vector<1xf32>
        %add3A_206 = arith.addf %add3A_203, %squeeze3A_205 : f32
        %convert_element_type3A_207 = arith.fptosi %add3A_206 : f32 to i32
        %slice3A_208 = vector.extract_strided_slice %scan3A_158#1 {offsets = [0], sizes = [1], strides = [1]} : vector<16xf32> to vector<1xf32>
        %squeeze3A_209 = vector.extract %slice3A_208[0] : f32 from vector<1xf32>
        %slice3A_210 = vector.extract_strided_slice %scan3A_158#1 {offsets = [1], sizes = [1], strides = [1]} : vector<16xf32> to vector<1xf32>
        %squeeze3A_211 = vector.extract %slice3A_210[0] : f32 from vector<1xf32>
        %add3A_212 = arith.addf %squeeze3A_209, %squeeze3A_211 : f32
        %slice3A_213 = vector.extract_strided_slice %scan3A_158#1 {offsets = [2], sizes = [1], strides = [1]} : vector<16xf32> to vector<1xf32>
        %squeeze3A_214 = vector.extract %slice3A_213[0] : f32 from vector<1xf32>
        %add3A_215 = arith.addf %add3A_212, %squeeze3A_214 : f32
        %slice3A_216 = vector.extract_strided_slice %scan3A_158#1 {offsets = [3], sizes = [1], strides = [1]} : vector<16xf32> to vector<1xf32>
        %squeeze3A_217 = vector.extract %slice3A_216[0] : f32 from vector<1xf32>
        %add3A_218 = arith.addf %add3A_215, %squeeze3A_217 : f32
        %slice3A_219 = vector.extract_strided_slice %scan3A_158#1 {offsets = [4], sizes = [1], strides = [1]} : vector<16xf32> to vector<1xf32>
        %squeeze3A_220 = vector.extract %slice3A_219[0] : f32 from vector<1xf32>
        %add3A_221 = arith.addf %add3A_218, %squeeze3A_220 : f32
        %slice3A_222 = vector.extract_strided_slice %scan3A_158#1 {offsets = [5], sizes = [1], strides = [1]} : vector<16xf32> to vector<1xf32>
        %squeeze3A_223 = vector.extract %slice3A_222[0] : f32 from vector<1xf32>
        %add3A_224 = arith.addf %add3A_221, %squeeze3A_223 : f32
        %slice3A_225 = vector.extract_strided_slice %scan3A_158#1 {offsets = [6], sizes = [1], strides = [1]} : vector<16xf32> to vector<1xf32>
        %squeeze3A_226 = vector.extract %slice3A_225[0] : f32 from vector<1xf32>
        %add3A_227 = arith.addf %add3A_224, %squeeze3A_226 : f32
        %slice3A_228 = vector.extract_strided_slice %scan3A_158#1 {offsets = [7], sizes = [1], strides = [1]} : vector<16xf32> to vector<1xf32>
        %squeeze3A_229 = vector.extract %slice3A_228[0] : f32 from vector<1xf32>
        %add3A_230 = arith.addf %add3A_227, %squeeze3A_229 : f32
        %slice3A_231 = vector.extract_strided_slice %scan3A_158#1 {offsets = [8], sizes = [1], strides = [1]} : vector<16xf32> to vector<1xf32>
        %squeeze3A_232 = vector.extract %slice3A_231[0] : f32 from vector<1xf32>
        %add3A_233 = arith.addf %add3A_230, %squeeze3A_232 : f32
        %slice3A_234 = vector.extract_strided_slice %scan3A_158#1 {offsets = [9], sizes = [1], strides = [1]} : vector<16xf32> to vector<1xf32>
        %squeeze3A_235 = vector.extract %slice3A_234[0] : f32 from vector<1xf32>
        %add3A_236 = arith.addf %add3A_233, %squeeze3A_235 : f32
        %slice3A_237 = vector.extract_strided_slice %scan3A_158#1 {offsets = [10], sizes = [1], strides = [1]} : vector<16xf32> to vector<1xf32>
        %squeeze3A_238 = vector.extract %slice3A_237[0] : f32 from vector<1xf32>
        %add3A_239 = arith.addf %add3A_236, %squeeze3A_238 : f32
        %slice3A_240 = vector.extract_strided_slice %scan3A_158#1 {offsets = [11], sizes = [1], strides = [1]} : vector<16xf32> to vector<1xf32>
        %squeeze3A_241 = vector.extract %slice3A_240[0] : f32 from vector<1xf32>
        %add3A_242 = arith.addf %add3A_239, %squeeze3A_241 : f32
        %slice3A_243 = vector.extract_strided_slice %scan3A_158#1 {offsets = [12], sizes = [1], strides = [1]} : vector<16xf32> to vector<1xf32>
        %squeeze3A_244 = vector.extract %slice3A_243[0] : f32 from vector<1xf32>
        %add3A_245 = arith.addf %add3A_242, %squeeze3A_244 : f32
        %slice3A_246 = vector.extract_strided_slice %scan3A_158#1 {offsets = [13], sizes = [1], strides = [1]} : vector<16xf32> to vector<1xf32>
        %squeeze3A_247 = vector.extract %slice3A_246[0] : f32 from vector<1xf32>
        %add3A_248 = arith.addf %add3A_245, %squeeze3A_247 : f32
        %slice3A_249 = vector.extract_strided_slice %scan3A_158#1 {offsets = [14], sizes = [1], strides = [1]} : vector<16xf32> to vector<1xf32>
        %squeeze3A_250 = vector.extract %slice3A_249[0] : f32 from vector<1xf32>
        %add3A_251 = arith.addf %add3A_248, %squeeze3A_250 : f32
        %slice3A_252 = vector.extract_strided_slice %scan3A_158#1 {offsets = [15], sizes = [1], strides = [1]} : vector<16xf32> to vector<1xf32>
        %squeeze3A_253 = vector.extract %slice3A_252[0] : f32 from vector<1xf32>
        %add3A_254 = arith.addf %add3A_251, %squeeze3A_253 : f32
        %convert_element_type3A_255 = arith.fptosi %add3A_254 : f32 to i32
        %slice3A_256 = vector.extract_strided_slice %scan3A_158#2 {offsets = [0], sizes = [1], strides = [1]} : vector<16xf32> to vector<1xf32>
        %squeeze3A_257 = vector.extract %slice3A_256[0] : f32 from vector<1xf32>
        %slice3A_258 = vector.extract_strided_slice %scan3A_158#2 {offsets = [1], sizes = [1], strides = [1]} : vector<16xf32> to vector<1xf32>
        %squeeze3A_259 = vector.extract %slice3A_258[0] : f32 from vector<1xf32>
        %add3A_260 = arith.addf %squeeze3A_257, %squeeze3A_259 : f32
        %slice3A_261 = vector.extract_strided_slice %scan3A_158#2 {offsets = [2], sizes = [1], strides = [1]} : vector<16xf32> to vector<1xf32>
        %squeeze3A_262 = vector.extract %slice3A_261[0] : f32 from vector<1xf32>
        %add3A_263 = arith.addf %add3A_260, %squeeze3A_262 : f32
        %slice3A_264 = vector.extract_strided_slice %scan3A_158#2 {offsets = [3], sizes = [1], strides = [1]} : vector<16xf32> to vector<1xf32>
        %squeeze3A_265 = vector.extract %slice3A_264[0] : f32 from vector<1xf32>
        %add3A_266 = arith.addf %add3A_263, %squeeze3A_265 : f32
        %slice3A_267 = vector.extract_strided_slice %scan3A_158#2 {offsets = [4], sizes = [1], strides = [1]} : vector<16xf32> to vector<1xf32>
        %squeeze3A_268 = vector.extract %slice3A_267[0] : f32 from vector<1xf32>
        %add3A_269 = arith.addf %add3A_266, %squeeze3A_268 : f32
        %slice3A_270 = vector.extract_strided_slice %scan3A_158#2 {offsets = [5], sizes = [1], strides = [1]} : vector<16xf32> to vector<1xf32>
        %squeeze3A_271 = vector.extract %slice3A_270[0] : f32 from vector<1xf32>
        %add3A_272 = arith.addf %add3A_269, %squeeze3A_271 : f32
        %slice3A_273 = vector.extract_strided_slice %scan3A_158#2 {offsets = [6], sizes = [1], strides = [1]} : vector<16xf32> to vector<1xf32>
        %squeeze3A_274 = vector.extract %slice3A_273[0] : f32 from vector<1xf32>
        %add3A_275 = arith.addf %add3A_272, %squeeze3A_274 : f32
        %slice3A_276 = vector.extract_strided_slice %scan3A_158#2 {offsets = [7], sizes = [1], strides = [1]} : vector<16xf32> to vector<1xf32>
        %squeeze3A_277 = vector.extract %slice3A_276[0] : f32 from vector<1xf32>
        %add3A_278 = arith.addf %add3A_275, %squeeze3A_277 : f32
        %slice3A_279 = vector.extract_strided_slice %scan3A_158#2 {offsets = [8], sizes = [1], strides = [1]} : vector<16xf32> to vector<1xf32>
        %squeeze3A_280 = vector.extract %slice3A_279[0] : f32 from vector<1xf32>
        %add3A_281 = arith.addf %add3A_278, %squeeze3A_280 : f32
        %slice3A_282 = vector.extract_strided_slice %scan3A_158#2 {offsets = [9], sizes = [1], strides = [1]} : vector<16xf32> to vector<1xf32>
        %squeeze3A_283 = vector.extract %slice3A_282[0] : f32 from vector<1xf32>
        %add3A_284 = arith.addf %add3A_281, %squeeze3A_283 : f32
        %slice3A_285 = vector.extract_strided_slice %scan3A_158#2 {offsets = [10], sizes = [1], strides = [1]} : vector<16xf32> to vector<1xf32>
        %squeeze3A_286 = vector.extract %slice3A_285[0] : f32 from vector<1xf32>
        %add3A_287 = arith.addf %add3A_284, %squeeze3A_286 : f32
        %slice3A_288 = vector.extract_strided_slice %scan3A_158#2 {offsets = [11], sizes = [1], strides = [1]} : vector<16xf32> to vector<1xf32>
        %squeeze3A_289 = vector.extract %slice3A_288[0] : f32 from vector<1xf32>
        %add3A_290 = arith.addf %add3A_287, %squeeze3A_289 : f32
        %slice3A_291 = vector.extract_strided_slice %scan3A_158#2 {offsets = [12], sizes = [1], strides = [1]} : vector<16xf32> to vector<1xf32>
        %squeeze3A_292 = vector.extract %slice3A_291[0] : f32 from vector<1xf32>
        %add3A_293 = arith.addf %add3A_290, %squeeze3A_292 : f32
        %slice3A_294 = vector.extract_strided_slice %scan3A_158#2 {offsets = [13], sizes = [1], strides = [1]} : vector<16xf32> to vector<1xf32>
        %squeeze3A_295 = vector.extract %slice3A_294[0] : f32 from vector<1xf32>
        %add3A_296 = arith.addf %add3A_293, %squeeze3A_295 : f32
        %slice3A_297 = vector.extract_strided_slice %scan3A_158#2 {offsets = [14], sizes = [1], strides = [1]} : vector<16xf32> to vector<1xf32>
        %squeeze3A_298 = vector.extract %slice3A_297[0] : f32 from vector<1xf32>
        %add3A_299 = arith.addf %add3A_296, %squeeze3A_298 : f32
        %slice3A_300 = vector.extract_strided_slice %scan3A_158#2 {offsets = [15], sizes = [1], strides = [1]} : vector<16xf32> to vector<1xf32>
        %squeeze3A_301 = vector.extract %slice3A_300[0] : f32 from vector<1xf32>
        %add3A_302 = arith.addf %add3A_299, %squeeze3A_301 : f32
        %convert_element_type3A_303 = arith.fptosi %add3A_302 : f32 to i32
        %ge3A = arith.constant 512 : i32
        %ge3A_304 = arith.cmpi sge, %convert_element_type3A_303, %ge3A : i32
        %ge3A_305 = arith.constant 512 : i32
        %ge3A_306 = arith.cmpi sge, %convert_element_type3A_255, %ge3A_305 : i32
        %ge3A_307 = arith.constant 512 : i32
        %ge3A_308 = arith.cmpi sge, %convert_element_type3A_207, %ge3A_307 : i32
        %select_n3A = arith.select %ge3A_308, %or3A_151, %scan3A_139 : i32
        %select_n3A_309 = arith.select %ge3A_306, %or3A, %select_n3A : i32
        %select_n3A_310 = arith.select %ge3A_304, %or3A_148, %select_n3A_309 : i32
        scf.yield %select_n3A_310 : i32
      }
      %scan3A_16 = arith.constant 15 : i32
      %broadcast_in_dim3A = arith.constant 0.000000e+00 : f32
      %broadcast_in_dim3A_17 = vector.broadcast %broadcast_in_dim3A : f32 to vector<16xf32>
      %scan3A_18 = arith.constant 0 : i32
      %scan3A_19 = arith.constant 32 : i32
      %scan3A_20 = arith.addi %scan3A_18, %scan3A_19 : i32
      %scan3A_21 = arith.constant 1 : i32
      %scan3A_22 = scf.for %scan3A_138 = %scan3A_18 to %scan3A_20 step %scan3A_21 iter_args(%scan3A_139 = %broadcast_in_dim3A_17) -> (vector<16xf32>)  : i32 {
        %mul3A = arith.constant 128 : i32
        %mul3A_140 = arith.muli %scan3A_138, %mul3A : i32
        %multiple_of3A = tpu.assume_multiple %mul3A_140, 128 : i32
        %add3A_141 = arith.constant 0 : i32
        %add3A_142 = arith.addi %multiple_of3A, %add3A_141 : i32
        %get3A = arith.index_cast %add3A_142 : i32 to index
        %get3A_143 = tpu.vector_load %arg6[%get3A] {strides = array<i32>} : memref<4096xi32, #tpu.memory_space<vmem>>, vector<16xi32>,
        %get3A_144 = vector.shape_cast %get3A_143 : vector<16xi32> to vector<16xi32>
        %iota3A = tpu.iota {dimensions = array<i32: 0>} : vector<16xi32>
        %mul3A_145 = arith.constant 128 : i32
        %mul3A_146 = arith.muli %scan3A_138, %mul3A_145 : i32
        %add3A_147 = arith.constant 0 : i32
        %add3A_148 = arith.addi %mul3A_146, %add3A_147 : i32
        %add3A_149 = vector.broadcast %add3A_148 : i32 to vector<16xi32>
        %add3A_150 = arith.addi %iota3A, %add3A_149 : vector<16xi32>
        %gt3A = vector.broadcast %scan3A_15 : i32 to vector<16xi32>
        %gt3A_151 = arith.cmpi sgt, %get3A_144, %gt3A : vector<16xi32>
        %jit3A = arith.constant 1.000000e+00 : f32
        %jit3A_152 = arith.constant 0.000000e+00 : f32
        %broadcast_in_dim3A_153 = vector.broadcast %jit3A : f32 to vector<16xf32>
        %broadcast_in_dim3A_154 = vector.broadcast %jit3A_152 : f32 to vector<16xf32>
        %select_n3A = arith.select %gt3A_151, %broadcast_in_dim3A_153, %broadcast_in_dim3A_154 : vector<16xi1>, vector<16xf32>
        %add3A_155 = arith.addf %scan3A_139, %select_n3A : vector<16xf32>
        %add3A_156 = arith.constant 16 : i32
        %add3A_157 = arith.addi %multiple_of3A, %add3A_156 : i32
        %get3A_158 = arith.index_cast %add3A_157 : i32 to index
        %get3A_159 = tpu.vector_load %arg6[%get3A_158] {strides = array<i32>} : memref<4096xi32, #tpu.memory_space<vmem>>, vector<16xi32>,
        %get3A_160 = vector.shape_cast %get3A_159 : vector<16xi32> to vector<16xi32>
        %iota3A_161 = tpu.iota {dimensions = array<i32: 0>} : vector<16xi32>
        %mul3A_162 = arith.constant 128 : i32
        %mul3A_163 = arith.muli %scan3A_138, %mul3A_162 : i32
        %add3A_164 = arith.constant 16 : i32
        %add3A_165 = arith.addi %mul3A_163, %add3A_164 : i32
        %add3A_166 = vector.broadcast %add3A_165 : i32 to vector<16xi32>
        %add3A_167 = arith.addi %iota3A_161, %add3A_166 : vector<16xi32>
        %gt3A_168 = vector.broadcast %scan3A_15 : i32 to vector<16xi32>
        %gt3A_169 = arith.cmpi sgt, %get3A_160, %gt3A_168 : vector<16xi32>
        %jit3A_170 = arith.constant 1.000000e+00 : f32
        %jit3A_171 = arith.constant 0.000000e+00 : f32
        %broadcast_in_dim3A_172 = vector.broadcast %jit3A_170 : f32 to vector<16xf32>
        %broadcast_in_dim3A_173 = vector.broadcast %jit3A_171 : f32 to vector<16xf32>
        %select_n3A_174 = arith.select %gt3A_169, %broadcast_in_dim3A_172, %broadcast_in_dim3A_173 : vector<16xi1>, vector<16xf32>
        %add3A_175 = arith.addf %add3A_155, %select_n3A_174 : vector<16xf32>
        %add3A_176 = arith.constant 32 : i32
        %add3A_177 = arith.addi %multiple_of3A, %add3A_176 : i32
        %get3A_178 = arith.index_cast %add3A_177 : i32 to index
        %get3A_179 = tpu.vector_load %arg6[%get3A_178] {strides = array<i32>} : memref<4096xi32, #tpu.memory_space<vmem>>, vector<16xi32>,
        %get3A_180 = vector.shape_cast %get3A_179 : vector<16xi32> to vector<16xi32>
        %iota3A_181 = tpu.iota {dimensions = array<i32: 0>} : vector<16xi32>
        %mul3A_182 = arith.constant 128 : i32
        %mul3A_183 = arith.muli %scan3A_138, %mul3A_182 : i32
        %add3A_184 = arith.constant 32 : i32
        %add3A_185 = arith.addi %mul3A_183, %add3A_184 : i32
        %add3A_186 = vector.broadcast %add3A_185 : i32 to vector<16xi32>
        %add3A_187 = arith.addi %iota3A_181, %add3A_186 : vector<16xi32>
        %gt3A_188 = vector.broadcast %scan3A_15 : i32 to vector<16xi32>
        %gt3A_189 = arith.cmpi sgt, %get3A_180, %gt3A_188 : vector<16xi32>
        %jit3A_190 = arith.constant 1.000000e+00 : f32
        %jit3A_191 = arith.constant 0.000000e+00 : f32
        %broadcast_in_dim3A_192 = vector.broadcast %jit3A_190 : f32 to vector<16xf32>
        %broadcast_in_dim3A_193 = vector.broadcast %jit3A_191 : f32 to vector<16xf32>
        %select_n3A_194 = arith.select %gt3A_189, %broadcast_in_dim3A_192, %broadcast_in_dim3A_193 : vector<16xi1>, vector<16xf32>
        %add3A_195 = arith.addf %add3A_175, %select_n3A_194 : vector<16xf32>
        %add3A_196 = arith.constant 48 : i32
        %add3A_197 = arith.addi %multiple_of3A, %add3A_196 : i32
        %get3A_198 = arith.index_cast %add3A_197 : i32 to index
        %get3A_199 = tpu.vector_load %arg6[%get3A_198] {strides = array<i32>} : memref<4096xi32, #tpu.memory_space<vmem>>, vector<16xi32>,
        %get3A_200 = vector.shape_cast %get3A_199 : vector<16xi32> to vector<16xi32>
        %iota3A_201 = tpu.iota {dimensions = array<i32: 0>} : vector<16xi32>
        %mul3A_202 = arith.constant 128 : i32
        %mul3A_203 = arith.muli %scan3A_138, %mul3A_202 : i32
        %add3A_204 = arith.constant 48 : i32
        %add3A_205 = arith.addi %mul3A_203, %add3A_204 : i32
        %add3A_206 = vector.broadcast %add3A_205 : i32 to vector<16xi32>
        %add3A_207 = arith.addi %iota3A_201, %add3A_206 : vector<16xi32>
        %gt3A_208 = vector.broadcast %scan3A_15 : i32 to vector<16xi32>
        %gt3A_209 = arith.cmpi sgt, %get3A_200, %gt3A_208 : vector<16xi32>
        %jit3A_210 = arith.constant 1.000000e+00 : f32
        %jit3A_211 = arith.constant 0.000000e+00 : f32
        %broadcast_in_dim3A_212 = vector.broadcast %jit3A_210 : f32 to vector<16xf32>
        %broadcast_in_dim3A_213 = vector.broadcast %jit3A_211 : f32 to vector<16xf32>
        %select_n3A_214 = arith.select %gt3A_209, %broadcast_in_dim3A_212, %broadcast_in_dim3A_213 : vector<16xi1>, vector<16xf32>
        %add3A_215 = arith.addf %add3A_195, %select_n3A_214 : vector<16xf32>
        %add3A_216 = arith.constant 64 : i32
        %add3A_217 = arith.addi %multiple_of3A, %add3A_216 : i32
        %get3A_218 = arith.index_cast %add3A_217 : i32 to index
        %get3A_219 = tpu.vector_load %arg6[%get3A_218] {strides = array<i32>} : memref<4096xi32, #tpu.memory_space<vmem>>, vector<16xi32>,
        %get3A_220 = vector.shape_cast %get3A_219 : vector<16xi32> to vector<16xi32>
        %iota3A_221 = tpu.iota {dimensions = array<i32: 0>} : vector<16xi32>
        %mul3A_222 = arith.constant 128 : i32
        %mul3A_223 = arith.muli %scan3A_138, %mul3A_222 : i32
        %add3A_224 = arith.constant 64 : i32
        %add3A_225 = arith.addi %mul3A_223, %add3A_224 : i32
        %add3A_226 = vector.broadcast %add3A_225 : i32 to vector<16xi32>
        %add3A_227 = arith.addi %iota3A_221, %add3A_226 : vector<16xi32>
        %gt3A_228 = vector.broadcast %scan3A_15 : i32 to vector<16xi32>
        %gt3A_229 = arith.cmpi sgt, %get3A_220, %gt3A_228 : vector<16xi32>
        %jit3A_230 = arith.constant 1.000000e+00 : f32
        %jit3A_231 = arith.constant 0.000000e+00 : f32
        %broadcast_in_dim3A_232 = vector.broadcast %jit3A_230 : f32 to vector<16xf32>
        %broadcast_in_dim3A_233 = vector.broadcast %jit3A_231 : f32 to vector<16xf32>
        %select_n3A_234 = arith.select %gt3A_229, %broadcast_in_dim3A_232, %broadcast_in_dim3A_233 : vector<16xi1>, vector<16xf32>
        %add3A_235 = arith.addf %add3A_215, %select_n3A_234 : vector<16xf32>
        %add3A_236 = arith.constant 80 : i32
        %add3A_237 = arith.addi %multiple_of3A, %add3A_236 : i32
        %get3A_238 = arith.index_cast %add3A_237 : i32 to index
        %get3A_239 = tpu.vector_load %arg6[%get3A_238] {strides = array<i32>} : memref<4096xi32, #tpu.memory_space<vmem>>, vector<16xi32>,
        %get3A_240 = vector.shape_cast %get3A_239 : vector<16xi32> to vector<16xi32>
        %iota3A_241 = tpu.iota {dimensions = array<i32: 0>} : vector<16xi32>
        %mul3A_242 = arith.constant 128 : i32
        %mul3A_243 = arith.muli %scan3A_138, %mul3A_242 : i32
        %add3A_244 = arith.constant 80 : i32
        %add3A_245 = arith.addi %mul3A_243, %add3A_244 : i32
        %add3A_246 = vector.broadcast %add3A_245 : i32 to vector<16xi32>
        %add3A_247 = arith.addi %iota3A_241, %add3A_246 : vector<16xi32>
        %gt3A_248 = vector.broadcast %scan3A_15 : i32 to vector<16xi32>
        %gt3A_249 = arith.cmpi sgt, %get3A_240, %gt3A_248 : vector<16xi32>
        %jit3A_250 = arith.constant 1.000000e+00 : f32
        %jit3A_251 = arith.constant 0.000000e+00 : f32
        %broadcast_in_dim3A_252 = vector.broadcast %jit3A_250 : f32 to vector<16xf32>
        %broadcast_in_dim3A_253 = vector.broadcast %jit3A_251 : f32 to vector<16xf32>
        %select_n3A_254 = arith.select %gt3A_249, %broadcast_in_dim3A_252, %broadcast_in_dim3A_253 : vector<16xi1>, vector<16xf32>
        %add3A_255 = arith.addf %add3A_235, %select_n3A_254 : vector<16xf32>
        %add3A_256 = arith.constant 96 : i32
        %add3A_257 = arith.addi %multiple_of3A, %add3A_256 : i32
        %get3A_258 = arith.index_cast %add3A_257 : i32 to index
        %get3A_259 = tpu.vector_load %arg6[%get3A_258] {strides = array<i32>} : memref<4096xi32, #tpu.memory_space<vmem>>, vector<16xi32>,
        %get3A_260 = vector.shape_cast %get3A_259 : vector<16xi32> to vector<16xi32>
        %iota3A_261 = tpu.iota {dimensions = array<i32: 0>} : vector<16xi32>
        %mul3A_262 = arith.constant 128 : i32
        %mul3A_263 = arith.muli %scan3A_138, %mul3A_262 : i32
        %add3A_264 = arith.constant 96 : i32
        %add3A_265 = arith.addi %mul3A_263, %add3A_264 : i32
        %add3A_266 = vector.broadcast %add3A_265 : i32 to vector<16xi32>
        %add3A_267 = arith.addi %iota3A_261, %add3A_266 : vector<16xi32>
        %gt3A_268 = vector.broadcast %scan3A_15 : i32 to vector<16xi32>
        %gt3A_269 = arith.cmpi sgt, %get3A_260, %gt3A_268 : vector<16xi32>
        %jit3A_270 = arith.constant 1.000000e+00 : f32
        %jit3A_271 = arith.constant 0.000000e+00 : f32
        %broadcast_in_dim3A_272 = vector.broadcast %jit3A_270 : f32 to vector<16xf32>
        %broadcast_in_dim3A_273 = vector.broadcast %jit3A_271 : f32 to vector<16xf32>
        %select_n3A_274 = arith.select %gt3A_269, %broadcast_in_dim3A_272, %broadcast_in_dim3A_273 : vector<16xi1>, vector<16xf32>
        %add3A_275 = arith.addf %add3A_255, %select_n3A_274 : vector<16xf32>
        %add3A_276 = arith.constant 112 : i32
        %add3A_277 = arith.addi %multiple_of3A, %add3A_276 : i32
        %get3A_278 = arith.index_cast %add3A_277 : i32 to index
        %get3A_279 = tpu.vector_load %arg6[%get3A_278] {strides = array<i32>} : memref<4096xi32, #tpu.memory_space<vmem>>, vector<16xi32>,
        %get3A_280 = vector.shape_cast %get3A_279 : vector<16xi32> to vector<16xi32>
        %iota3A_281 = tpu.iota {dimensions = array<i32: 0>} : vector<16xi32>
        %mul3A_282 = arith.constant 128 : i32
        %mul3A_283 = arith.muli %scan3A_138, %mul3A_282 : i32
        %add3A_284 = arith.constant 112 : i32
        %add3A_285 = arith.addi %mul3A_283, %add3A_284 : i32
        %add3A_286 = vector.broadcast %add3A_285 : i32 to vector<16xi32>
        %add3A_287 = arith.addi %iota3A_281, %add3A_286 : vector<16xi32>
        %gt3A_288 = vector.broadcast %scan3A_15 : i32 to vector<16xi32>
        %gt3A_289 = arith.cmpi sgt, %get3A_280, %gt3A_288 : vector<16xi32>
        %jit3A_290 = arith.constant 1.000000e+00 : f32
        %jit3A_291 = arith.constant 0.000000e+00 : f32
        %broadcast_in_dim3A_292 = vector.broadcast %jit3A_290 : f32 to vector<16xf32>
        %broadcast_in_dim3A_293 = vector.broadcast %jit3A_291 : f32 to vector<16xf32>
        %select_n3A_294 = arith.select %gt3A_289, %broadcast_in_dim3A_292, %broadcast_in_dim3A_293 : vector<16xi1>, vector<16xf32>
        %add3A_295 = arith.addf %add3A_275, %select_n3A_294 : vector<16xf32>
        scf.yield %add3A_295 : vector<16xf32>
      }
      %scan3A_23 = arith.constant 32 : i32
      %slice3A = vector.extract_strided_slice %scan3A_22 {offsets = [0], sizes = [1], strides = [1]} : vector<16xf32> to vector<1xf32>
      %squeeze3A = vector.extract %slice3A[0] : f32 from vector<1xf32>
      %slice3A_24 = vector.extract_strided_slice %scan3A_22 {offsets = [1], sizes = [1], strides = [1]} : vector<16xf32> to vector<1xf32>
      %squeeze3A_25 = vector.extract %slice3A_24[0] : f32 from vector<1xf32>
      %add3A = arith.addf %squeeze3A, %squeeze3A_25 : f32
      %slice3A_26 = vector.extract_strided_slice %scan3A_22 {offsets = [2], sizes = [1], strides = [1]} : vector<16xf32> to vector<1xf32>
      %squeeze3A_27 = vector.extract %slice3A_26[0] : f32 from vector<1xf32>
      %add3A_28 = arith.addf %add3A, %squeeze3A_27 : f32
      %slice3A_29 = vector.extract_strided_slice %scan3A_22 {offsets = [3], sizes = [1], strides = [1]} : vector<16xf32> to vector<1xf32>
      %squeeze3A_30 = vector.extract %slice3A_29[0] : f32 from vector<1xf32>
      %add3A_31 = arith.addf %add3A_28, %squeeze3A_30 : f32
      %slice3A_32 = vector.extract_strided_slice %scan3A_22 {offsets = [4], sizes = [1], strides = [1]} : vector<16xf32> to vector<1xf32>
      %squeeze3A_33 = vector.extract %slice3A_32[0] : f32 from vector<1xf32>
      %add3A_34 = arith.addf %add3A_31, %squeeze3A_33 : f32
      %slice3A_35 = vector.extract_strided_slice %scan3A_22 {offsets = [5], sizes = [1], strides = [1]} : vector<16xf32> to vector<1xf32>
      %squeeze3A_36 = vector.extract %slice3A_35[0] : f32 from vector<1xf32>
      %add3A_37 = arith.addf %add3A_34, %squeeze3A_36 : f32
      %slice3A_38 = vector.extract_strided_slice %scan3A_22 {offsets = [6], sizes = [1], strides = [1]} : vector<16xf32> to vector<1xf32>
      %squeeze3A_39 = vector.extract %slice3A_38[0] : f32 from vector<1xf32>
      %add3A_40 = arith.addf %add3A_37, %squeeze3A_39 : f32
      %slice3A_41 = vector.extract_strided_slice %scan3A_22 {offsets = [7], sizes = [1], strides = [1]} : vector<16xf32> to vector<1xf32>
      %squeeze3A_42 = vector.extract %slice3A_41[0] : f32 from vector<1xf32>
      %add3A_43 = arith.addf %add3A_40, %squeeze3A_42 : f32
      %slice3A_44 = vector.extract_strided_slice %scan3A_22 {offsets = [8], sizes = [1], strides = [1]} : vector<16xf32> to vector<1xf32>
      %squeeze3A_45 = vector.extract %slice3A_44[0] : f32 from vector<1xf32>
      %add3A_46 = arith.addf %add3A_43, %squeeze3A_45 : f32
      %slice3A_47 = vector.extract_strided_slice %scan3A_22 {offsets = [9], sizes = [1], strides = [1]} : vector<16xf32> to vector<1xf32>
      %squeeze3A_48 = vector.extract %slice3A_47[0] : f32 from vector<1xf32>
      %add3A_49 = arith.addf %add3A_46, %squeeze3A_48 : f32
      %slice3A_50 = vector.extract_strided_slice %scan3A_22 {offsets = [10], sizes = [1], strides = [1]} : vector<16xf32> to vector<1xf32>
      %squeeze3A_51 = vector.extract %slice3A_50[0] : f32 from vector<1xf32>
      %add3A_52 = arith.addf %add3A_49, %squeeze3A_51 : f32
      %slice3A_53 = vector.extract_strided_slice %scan3A_22 {offsets = [11], sizes = [1], strides = [1]} : vector<16xf32> to vector<1xf32>
      %squeeze3A_54 = vector.extract %slice3A_53[0] : f32 from vector<1xf32>
      %add3A_55 = arith.addf %add3A_52, %squeeze3A_54 : f32
      %slice3A_56 = vector.extract_strided_slice %scan3A_22 {offsets = [12], sizes = [1], strides = [1]} : vector<16xf32> to vector<1xf32>
      %squeeze3A_57 = vector.extract %slice3A_56[0] : f32 from vector<1xf32>
      %add3A_58 = arith.addf %add3A_55, %squeeze3A_57 : f32
      %slice3A_59 = vector.extract_strided_slice %scan3A_22 {offsets = [13], sizes = [1], strides = [1]} : vector<16xf32> to vector<1xf32>
      %squeeze3A_60 = vector.extract %slice3A_59[0] : f32 from vector<1xf32>
      %add3A_61 = arith.addf %add3A_58, %squeeze3A_60 : f32
      %slice3A_62 = vector.extract_strided_slice %scan3A_22 {offsets = [14], sizes = [1], strides = [1]} : vector<16xf32> to vector<1xf32>
      %squeeze3A_63 = vector.extract %slice3A_62[0] : f32 from vector<1xf32>
      %add3A_64 = arith.addf %add3A_61, %squeeze3A_63 : f32
      %slice3A_65 = vector.extract_strided_slice %scan3A_22 {offsets = [15], sizes = [1], strides = [1]} : vector<16xf32> to vector<1xf32>
      %squeeze3A_66 = vector.extract %slice3A_65[0] : f32 from vector<1xf32>
      %add3A_67 = arith.addf %add3A_64, %squeeze3A_66 : f32
      %convert_element_type3A_68 = arith.fptosi %add3A_67 : f32 to i32
      %sub3A = arith.constant 512 : i32
      %sub3A_69 = arith.subi %sub3A, %convert_element_type3A_68 : i32
      %broadcast_in_dim3A_70 = arith.constant 0.000000e+00 : f32
      %broadcast_in_dim3A_71 = vector.broadcast %broadcast_in_dim3A_70 : f32 to vector<16xf32>
      %scan3A_72 = arith.constant 0 : i32
      %scan3A_73 = arith.constant 32 : i32
      %scan3A_74 = arith.addi %scan3A_72, %scan3A_73 : i32
      %scan3A_75 = arith.constant 1 : i32
      %scan3A_76 = scf.for %scan3A_138 = %scan3A_72 to %scan3A_74 step %scan3A_75 iter_args(%scan3A_139 = %broadcast_in_dim3A_71) -> (vector<16xf32>)  : i32 {
        %mul3A = arith.constant 128 : i32
        %mul3A_140 = arith.muli %scan3A_138, %mul3A : i32
        %multiple_of3A = tpu.assume_multiple %mul3A_140, 128 : i32
        %add3A_141 = arith.constant 0 : i32
        %add3A_142 = arith.addi %multiple_of3A, %add3A_141 : i32
        %get3A = arith.index_cast %add3A_142 : i32 to index
        %get3A_143 = tpu.vector_load %arg6[%get3A] {strides = array<i32>} : memref<4096xi32, #tpu.memory_space<vmem>>, vector<16xi32>,
        %get3A_144 = vector.shape_cast %get3A_143 : vector<16xi32> to vector<16xi32>
        %iota3A = tpu.iota {dimensions = array<i32: 0>} : vector<16xi32>
        %mul3A_145 = arith.constant 128 : i32
        %mul3A_146 = arith.muli %scan3A_138, %mul3A_145 : i32
        %add3A_147 = arith.constant 0 : i32
        %add3A_148 = arith.addi %mul3A_146, %add3A_147 : i32
        %add3A_149 = vector.broadcast %add3A_148 : i32 to vector<16xi32>
        %add3A_150 = arith.addi %iota3A, %add3A_149 : vector<16xi32>
        %eq3A_151 = vector.broadcast %scan3A_15 : i32 to vector<16xi32>
        %eq3A_152 = arith.cmpi eq, %get3A_144, %eq3A_151 : vector<16xi32>
        %jit3A = arith.constant 1.000000e+00 : f32
        %jit3A_153 = arith.constant 0.000000e+00 : f32
        %broadcast_in_dim3A_154 = vector.broadcast %jit3A : f32 to vector<16xf32>
        %broadcast_in_dim3A_155 = vector.broadcast %jit3A_153 : f32 to vector<16xf32>
        %select_n3A = arith.select %eq3A_152, %broadcast_in_dim3A_154, %broadcast_in_dim3A_155 : vector<16xi1>, vector<16xf32>
        %add3A_156 = arith.addf %scan3A_139, %select_n3A : vector<16xf32>
        %add3A_157 = arith.constant 16 : i32
        %add3A_158 = arith.addi %multiple_of3A, %add3A_157 : i32
        %get3A_159 = arith.index_cast %add3A_158 : i32 to index
        %get3A_160 = tpu.vector_load %arg6[%get3A_159] {strides = array<i32>} : memref<4096xi32, #tpu.memory_space<vmem>>, vector<16xi32>,
        %get3A_161 = vector.shape_cast %get3A_160 : vector<16xi32> to vector<16xi32>
        %iota3A_162 = tpu.iota {dimensions = array<i32: 0>} : vector<16xi32>
        %mul3A_163 = arith.constant 128 : i32
        %mul3A_164 = arith.muli %scan3A_138, %mul3A_163 : i32
        %add3A_165 = arith.constant 16 : i32
        %add3A_166 = arith.addi %mul3A_164, %add3A_165 : i32
        %add3A_167 = vector.broadcast %add3A_166 : i32 to vector<16xi32>
        %add3A_168 = arith.addi %iota3A_162, %add3A_167 : vector<16xi32>
        %eq3A_169 = vector.broadcast %scan3A_15 : i32 to vector<16xi32>
        %eq3A_170 = arith.cmpi eq, %get3A_161, %eq3A_169 : vector<16xi32>
        %jit3A_171 = arith.constant 1.000000e+00 : f32
        %jit3A_172 = arith.constant 0.000000e+00 : f32
        %broadcast_in_dim3A_173 = vector.broadcast %jit3A_171 : f32 to vector<16xf32>
        %broadcast_in_dim3A_174 = vector.broadcast %jit3A_172 : f32 to vector<16xf32>
        %select_n3A_175 = arith.select %eq3A_170, %broadcast_in_dim3A_173, %broadcast_in_dim3A_174 : vector<16xi1>, vector<16xf32>
        %add3A_176 = arith.addf %add3A_156, %select_n3A_175 : vector<16xf32>
        %add3A_177 = arith.constant 32 : i32
        %add3A_178 = arith.addi %multiple_of3A, %add3A_177 : i32
        %get3A_179 = arith.index_cast %add3A_178 : i32 to index
        %get3A_180 = tpu.vector_load %arg6[%get3A_179] {strides = array<i32>} : memref<4096xi32, #tpu.memory_space<vmem>>, vector<16xi32>,
        %get3A_181 = vector.shape_cast %get3A_180 : vector<16xi32> to vector<16xi32>
        %iota3A_182 = tpu.iota {dimensions = array<i32: 0>} : vector<16xi32>
        %mul3A_183 = arith.constant 128 : i32
        %mul3A_184 = arith.muli %scan3A_138, %mul3A_183 : i32
        %add3A_185 = arith.constant 32 : i32
        %add3A_186 = arith.addi %mul3A_184, %add3A_185 : i32
        %add3A_187 = vector.broadcast %add3A_186 : i32 to vector<16xi32>
        %add3A_188 = arith.addi %iota3A_182, %add3A_187 : vector<16xi32>
        %eq3A_189 = vector.broadcast %scan3A_15 : i32 to vector<16xi32>
        %eq3A_190 = arith.cmpi eq, %get3A_181, %eq3A_189 : vector<16xi32>
        %jit3A_191 = arith.constant 1.000000e+00 : f32
        %jit3A_192 = arith.constant 0.000000e+00 : f32
        %broadcast_in_dim3A_193 = vector.broadcast %jit3A_191 : f32 to vector<16xf32>
        %broadcast_in_dim3A_194 = vector.broadcast %jit3A_192 : f32 to vector<16xf32>
        %select_n3A_195 = arith.select %eq3A_190, %broadcast_in_dim3A_193, %broadcast_in_dim3A_194 : vector<16xi1>, vector<16xf32>
        %add3A_196 = arith.addf %add3A_176, %select_n3A_195 : vector<16xf32>
        %add3A_197 = arith.constant 48 : i32
        %add3A_198 = arith.addi %multiple_of3A, %add3A_197 : i32
        %get3A_199 = arith.index_cast %add3A_198 : i32 to index
        %get3A_200 = tpu.vector_load %arg6[%get3A_199] {strides = array<i32>} : memref<4096xi32, #tpu.memory_space<vmem>>, vector<16xi32>,
        %get3A_201 = vector.shape_cast %get3A_200 : vector<16xi32> to vector<16xi32>
        %iota3A_202 = tpu.iota {dimensions = array<i32: 0>} : vector<16xi32>
        %mul3A_203 = arith.constant 128 : i32
        %mul3A_204 = arith.muli %scan3A_138, %mul3A_203 : i32
        %add3A_205 = arith.constant 48 : i32
        %add3A_206 = arith.addi %mul3A_204, %add3A_205 : i32
        %add3A_207 = vector.broadcast %add3A_206 : i32 to vector<16xi32>
        %add3A_208 = arith.addi %iota3A_202, %add3A_207 : vector<16xi32>
        %eq3A_209 = vector.broadcast %scan3A_15 : i32 to vector<16xi32>
        %eq3A_210 = arith.cmpi eq, %get3A_201, %eq3A_209 : vector<16xi32>
        %jit3A_211 = arith.constant 1.000000e+00 : f32
        %jit3A_212 = arith.constant 0.000000e+00 : f32
        %broadcast_in_dim3A_213 = vector.broadcast %jit3A_211 : f32 to vector<16xf32>
        %broadcast_in_dim3A_214 = vector.broadcast %jit3A_212 : f32 to vector<16xf32>
        %select_n3A_215 = arith.select %eq3A_210, %broadcast_in_dim3A_213, %broadcast_in_dim3A_214 : vector<16xi1>, vector<16xf32>
        %add3A_216 = arith.addf %add3A_196, %select_n3A_215 : vector<16xf32>
        %add3A_217 = arith.constant 64 : i32
        %add3A_218 = arith.addi %multiple_of3A, %add3A_217 : i32
        %get3A_219 = arith.index_cast %add3A_218 : i32 to index
        %get3A_220 = tpu.vector_load %arg6[%get3A_219] {strides = array<i32>} : memref<4096xi32, #tpu.memory_space<vmem>>, vector<16xi32>,
        %get3A_221 = vector.shape_cast %get3A_220 : vector<16xi32> to vector<16xi32>
        %iota3A_222 = tpu.iota {dimensions = array<i32: 0>} : vector<16xi32>
        %mul3A_223 = arith.constant 128 : i32
        %mul3A_224 = arith.muli %scan3A_138, %mul3A_223 : i32
        %add3A_225 = arith.constant 64 : i32
        %add3A_226 = arith.addi %mul3A_224, %add3A_225 : i32
        %add3A_227 = vector.broadcast %add3A_226 : i32 to vector<16xi32>
        %add3A_228 = arith.addi %iota3A_222, %add3A_227 : vector<16xi32>
        %eq3A_229 = vector.broadcast %scan3A_15 : i32 to vector<16xi32>
        %eq3A_230 = arith.cmpi eq, %get3A_221, %eq3A_229 : vector<16xi32>
        %jit3A_231 = arith.constant 1.000000e+00 : f32
        %jit3A_232 = arith.constant 0.000000e+00 : f32
        %broadcast_in_dim3A_233 = vector.broadcast %jit3A_231 : f32 to vector<16xf32>
        %broadcast_in_dim3A_234 = vector.broadcast %jit3A_232 : f32 to vector<16xf32>
        %select_n3A_235 = arith.select %eq3A_230, %broadcast_in_dim3A_233, %broadcast_in_dim3A_234 : vector<16xi1>, vector<16xf32>
        %add3A_236 = arith.addf %add3A_216, %select_n3A_235 : vector<16xf32>
        %add3A_237 = arith.constant 80 : i32
        %add3A_238 = arith.addi %multiple_of3A, %add3A_237 : i32
        %get3A_239 = arith.index_cast %add3A_238 : i32 to index
        %get3A_240 = tpu.vector_load %arg6[%get3A_239] {strides = array<i32>} : memref<4096xi32, #tpu.memory_space<vmem>>, vector<16xi32>,
        %get3A_241 = vector.shape_cast %get3A_240 : vector<16xi32> to vector<16xi32>
        %iota3A_242 = tpu.iota {dimensions = array<i32: 0>} : vector<16xi32>
        %mul3A_243 = arith.constant 128 : i32
        %mul3A_244 = arith.muli %scan3A_138, %mul3A_243 : i32
        %add3A_245 = arith.constant 80 : i32
        %add3A_246 = arith.addi %mul3A_244, %add3A_245 : i32
        %add3A_247 = vector.broadcast %add3A_246 : i32 to vector<16xi32>
        %add3A_248 = arith.addi %iota3A_242, %add3A_247 : vector<16xi32>
        %eq3A_249 = vector.broadcast %scan3A_15 : i32 to vector<16xi32>
        %eq3A_250 = arith.cmpi eq, %get3A_241, %eq3A_249 : vector<16xi32>
        %jit3A_251 = arith.constant 1.000000e+00 : f32
        %jit3A_252 = arith.constant 0.000000e+00 : f32
        %broadcast_in_dim3A_253 = vector.broadcast %jit3A_251 : f32 to vector<16xf32>
        %broadcast_in_dim3A_254 = vector.broadcast %jit3A_252 : f32 to vector<16xf32>
        %select_n3A_255 = arith.select %eq3A_250, %broadcast_in_dim3A_253, %broadcast_in_dim3A_254 : vector<16xi1>, vector<16xf32>
        %add3A_256 = arith.addf %add3A_236, %select_n3A_255 : vector<16xf32>
        %add3A_257 = arith.constant 96 : i32
        %add3A_258 = arith.addi %multiple_of3A, %add3A_257 : i32
        %get3A_259 = arith.index_cast %add3A_258 : i32 to index
        %get3A_260 = tpu.vector_load %arg6[%get3A_259] {strides = array<i32>} : memref<4096xi32, #tpu.memory_space<vmem>>, vector<16xi32>,
        %get3A_261 = vector.shape_cast %get3A_260 : vector<16xi32> to vector<16xi32>
        %iota3A_262 = tpu.iota {dimensions = array<i32: 0>} : vector<16xi32>
        %mul3A_263 = arith.constant 128 : i32
        %mul3A_264 = arith.muli %scan3A_138, %mul3A_263 : i32
        %add3A_265 = arith.constant 96 : i32
        %add3A_266 = arith.addi %mul3A_264, %add3A_265 : i32
        %add3A_267 = vector.broadcast %add3A_266 : i32 to vector<16xi32>
        %add3A_268 = arith.addi %iota3A_262, %add3A_267 : vector<16xi32>
        %eq3A_269 = vector.broadcast %scan3A_15 : i32 to vector<16xi32>
        %eq3A_270 = arith.cmpi eq, %get3A_261, %eq3A_269 : vector<16xi32>
        %jit3A_271 = arith.constant 1.000000e+00 : f32
        %jit3A_272 = arith.constant 0.000000e+00 : f32
        %broadcast_in_dim3A_273 = vector.broadcast %jit3A_271 : f32 to vector<16xf32>
        %broadcast_in_dim3A_274 = vector.broadcast %jit3A_272 : f32 to vector<16xf32>
        %select_n3A_275 = arith.select %eq3A_270, %broadcast_in_dim3A_273, %broadcast_in_dim3A_274 : vector<16xi1>, vector<16xf32>
        %add3A_276 = arith.addf %add3A_256, %select_n3A_275 : vector<16xf32>
        %add3A_277 = arith.constant 112 : i32
        %add3A_278 = arith.addi %multiple_of3A, %add3A_277 : i32
        %get3A_279 = arith.index_cast %add3A_278 : i32 to index
        %get3A_280 = tpu.vector_load %arg6[%get3A_279] {strides = array<i32>} : memref<4096xi32, #tpu.memory_space<vmem>>, vector<16xi32>,
        %get3A_281 = vector.shape_cast %get3A_280 : vector<16xi32> to vector<16xi32>
        %iota3A_282 = tpu.iota {dimensions = array<i32: 0>} : vector<16xi32>
        %mul3A_283 = arith.constant 128 : i32
        %mul3A_284 = arith.muli %scan3A_138, %mul3A_283 : i32
        %add3A_285 = arith.constant 112 : i32
        %add3A_286 = arith.addi %mul3A_284, %add3A_285 : i32
        %add3A_287 = vector.broadcast %add3A_286 : i32 to vector<16xi32>
        %add3A_288 = arith.addi %iota3A_282, %add3A_287 : vector<16xi32>
        %eq3A_289 = vector.broadcast %scan3A_15 : i32 to vector<16xi32>
        %eq3A_290 = arith.cmpi eq, %get3A_281, %eq3A_289 : vector<16xi32>
        %jit3A_291 = arith.constant 1.000000e+00 : f32
        %jit3A_292 = arith.constant 0.000000e+00 : f32
        %broadcast_in_dim3A_293 = vector.broadcast %jit3A_291 : f32 to vector<16xf32>
        %broadcast_in_dim3A_294 = vector.broadcast %jit3A_292 : f32 to vector<16xf32>
        %select_n3A_295 = arith.select %eq3A_290, %broadcast_in_dim3A_293, %broadcast_in_dim3A_294 : vector<16xi1>, vector<16xf32>
        %add3A_296 = arith.addf %add3A_276, %select_n3A_295 : vector<16xf32>
        scf.yield %add3A_296 : vector<16xf32>
      }
      %scan3A_77 = arith.constant 32 : i32
      %slice3A_78 = vector.extract_strided_slice %scan3A_76 {offsets = [0], sizes = [1], strides = [1]} : vector<16xf32> to vector<1xf32>
      %squeeze3A_79 = vector.extract %slice3A_78[0] : f32 from vector<1xf32>
      %slice3A_80 = vector.extract_strided_slice %scan3A_76 {offsets = [1], sizes = [1], strides = [1]} : vector<16xf32> to vector<1xf32>
      %squeeze3A_81 = vector.extract %slice3A_80[0] : f32 from vector<1xf32>
      %add3A_82 = arith.addf %squeeze3A_79, %squeeze3A_81 : f32
      %slice3A_83 = vector.extract_strided_slice %scan3A_76 {offsets = [2], sizes = [1], strides = [1]} : vector<16xf32> to vector<1xf32>
      %squeeze3A_84 = vector.extract %slice3A_83[0] : f32 from vector<1xf32>
      %add3A_85 = arith.addf %add3A_82, %squeeze3A_84 : f32
      %slice3A_86 = vector.extract_strided_slice %scan3A_76 {offsets = [3], sizes = [1], strides = [1]} : vector<16xf32> to vector<1xf32>
      %squeeze3A_87 = vector.extract %slice3A_86[0] : f32 from vector<1xf32>
      %add3A_88 = arith.addf %add3A_85, %squeeze3A_87 : f32
      %slice3A_89 = vector.extract_strided_slice %scan3A_76 {offsets = [4], sizes = [1], strides = [1]} : vector<16xf32> to vector<1xf32>
      %squeeze3A_90 = vector.extract %slice3A_89[0] : f32 from vector<1xf32>
      %add3A_91 = arith.addf %add3A_88, %squeeze3A_90 : f32
      %slice3A_92 = vector.extract_strided_slice %scan3A_76 {offsets = [5], sizes = [1], strides = [1]} : vector<16xf32> to vector<1xf32>
      %squeeze3A_93 = vector.extract %slice3A_92[0] : f32 from vector<1xf32>
      %add3A_94 = arith.addf %add3A_91, %squeeze3A_93 : f32
      %slice3A_95 = vector.extract_strided_slice %scan3A_76 {offsets = [6], sizes = [1], strides = [1]} : vector<16xf32> to vector<1xf32>
      %squeeze3A_96 = vector.extract %slice3A_95[0] : f32 from vector<1xf32>
      %add3A_97 = arith.addf %add3A_94, %squeeze3A_96 : f32
      %slice3A_98 = vector.extract_strided_slice %scan3A_76 {offsets = [7], sizes = [1], strides = [1]} : vector<16xf32> to vector<1xf32>
      %squeeze3A_99 = vector.extract %slice3A_98[0] : f32 from vector<1xf32>
      %add3A_100 = arith.addf %add3A_97, %squeeze3A_99 : f32
      %slice3A_101 = vector.extract_strided_slice %scan3A_76 {offsets = [8], sizes = [1], strides = [1]} : vector<16xf32> to vector<1xf32>
      %squeeze3A_102 = vector.extract %slice3A_101[0] : f32 from vector<1xf32>
      %add3A_103 = arith.addf %add3A_100, %squeeze3A_102 : f32
      %slice3A_104 = vector.extract_strided_slice %scan3A_76 {offsets = [9], sizes = [1], strides = [1]} : vector<16xf32> to vector<1xf32>
      %squeeze3A_105 = vector.extract %slice3A_104[0] : f32 from vector<1xf32>
      %add3A_106 = arith.addf %add3A_103, %squeeze3A_105 : f32
      %slice3A_107 = vector.extract_strided_slice %scan3A_76 {offsets = [10], sizes = [1], strides = [1]} : vector<16xf32> to vector<1xf32>
      %squeeze3A_108 = vector.extract %slice3A_107[0] : f32 from vector<1xf32>
      %add3A_109 = arith.addf %add3A_106, %squeeze3A_108 : f32
      %slice3A_110 = vector.extract_strided_slice %scan3A_76 {offsets = [11], sizes = [1], strides = [1]} : vector<16xf32> to vector<1xf32>
      %squeeze3A_111 = vector.extract %slice3A_110[0] : f32 from vector<1xf32>
      %add3A_112 = arith.addf %add3A_109, %squeeze3A_111 : f32
      %slice3A_113 = vector.extract_strided_slice %scan3A_76 {offsets = [12], sizes = [1], strides = [1]} : vector<16xf32> to vector<1xf32>
      %squeeze3A_114 = vector.extract %slice3A_113[0] : f32 from vector<1xf32>
      %add3A_115 = arith.addf %add3A_112, %squeeze3A_114 : f32
      %slice3A_116 = vector.extract_strided_slice %scan3A_76 {offsets = [13], sizes = [1], strides = [1]} : vector<16xf32> to vector<1xf32>
      %squeeze3A_117 = vector.extract %slice3A_116[0] : f32 from vector<1xf32>
      %add3A_118 = arith.addf %add3A_115, %squeeze3A_117 : f32
      %slice3A_119 = vector.extract_strided_slice %scan3A_76 {offsets = [14], sizes = [1], strides = [1]} : vector<16xf32> to vector<1xf32>
      %squeeze3A_120 = vector.extract %slice3A_119[0] : f32 from vector<1xf32>
      %add3A_121 = arith.addf %add3A_118, %squeeze3A_120 : f32
      %slice3A_122 = vector.extract_strided_slice %scan3A_76 {offsets = [15], sizes = [1], strides = [1]} : vector<16xf32> to vector<1xf32>
      %squeeze3A_123 = vector.extract %slice3A_122[0] : f32 from vector<1xf32>
      %add3A_124 = arith.addf %add3A_121, %squeeze3A_123 : f32
      %convert_element_type3A_125 = arith.fptosi %add3A_124 : f32 to i32
      %eq3A_126 = arith.cmpi eq, %convert_element_type3A_125, %sub3A_69 : i32
      %convert_element_type3A_127 = arith.extui %eq3A_126 : i1 to i32
      %cond3A_128 = arith.constant 0 : i32
      %cond3A_129 = arith.constant 0 : i32
      %cond3A_130 = arith.cmpi ne, %convert_element_type3A_127, %cond3A_129 : i32
      %cond3A_131 = scf.if %cond3A_130 -> (i32) {
        %cond3A_138 = arith.constant 4096 : i32
        scf.yield %cond3A_138 : i32
      } else {
        %scan3A_138 = arith.constant 0 : i32
        %scan3A_139 = arith.constant 0 : i32
        %scan3A_140 = arith.constant 13 : i32
        %scan3A_141 = arith.addi %scan3A_139, %scan3A_140 : i32
        %scan3A_142 = arith.constant 1 : i32
        %scan3A_143 = scf.for %scan3A_145 = %scan3A_139 to %scan3A_141 step %scan3A_142 iter_args(%scan3A_146 = %scan3A_138) -> (i32)  : i32 {
          %sub3A_147 = arith.constant 12 : i32
          %sub3A_148 = arith.subi %sub3A_147, %scan3A_145 : i32
          %shift_left3A = arith.constant 1 : i32
          %shift_left3A_149 = arith.shli %shift_left3A, %sub3A_148 : i32
          %or3A = arith.ori %scan3A_146, %shift_left3A_149 : i32
          %broadcast_in_dim3A_150 = arith.constant 0.000000e+00 : f32
          %broadcast_in_dim3A_151 = vector.broadcast %broadcast_in_dim3A_150 : f32 to vector<16xf32>
          %scan3A_152 = arith.constant 0 : i32
          %scan3A_153 = arith.constant 32 : i32
          %scan3A_154 = arith.addi %scan3A_152, %scan3A_153 : i32
          %scan3A_155 = arith.constant 1 : i32
          %scan3A_156 = scf.for %scan3A_207 = %scan3A_152 to %scan3A_154 step %scan3A_155 iter_args(%scan3A_208 = %broadcast_in_dim3A_151) -> (vector<16xf32>)  : i32 {
            %mul3A = arith.constant 128 : i32
            %mul3A_209 = arith.muli %scan3A_207, %mul3A : i32
            %multiple_of3A = tpu.assume_multiple %mul3A_209, 128 : i32
            %add3A_210 = arith.constant 0 : i32
            %add3A_211 = arith.addi %multiple_of3A, %add3A_210 : i32
            %get3A = arith.index_cast %add3A_211 : i32 to index
            %get3A_212 = tpu.vector_load %arg6[%get3A] {strides = array<i32>} : memref<4096xi32, #tpu.memory_space<vmem>>, vector<16xi32>,
            %get3A_213 = vector.shape_cast %get3A_212 : vector<16xi32> to vector<16xi32>
            %iota3A = tpu.iota {dimensions = array<i32: 0>} : vector<16xi32>
            %mul3A_214 = arith.constant 128 : i32
            %mul3A_215 = arith.muli %scan3A_207, %mul3A_214 : i32
            %add3A_216 = arith.constant 0 : i32
            %add3A_217 = arith.addi %mul3A_215, %add3A_216 : i32
            %add3A_218 = vector.broadcast %add3A_217 : i32 to vector<16xi32>
            %add3A_219 = arith.addi %iota3A, %add3A_218 : vector<16xi32>
            %eq3A_220 = vector.broadcast %scan3A_15 : i32 to vector<16xi32>
            %eq3A_221 = arith.cmpi eq, %get3A_213, %eq3A_220 : vector<16xi32>
            %lt3A_222 = vector.broadcast %or3A : i32 to vector<16xi32>
            %lt3A_223 = arith.cmpi slt, %add3A_219, %lt3A_222 : vector<16xi32>
            %and3A_224 = arith.andi %eq3A_221, %lt3A_223 : vector<16xi1>
            %jit3A = arith.constant 1.000000e+00 : f32
            %jit3A_225 = arith.constant 0.000000e+00 : f32
            %broadcast_in_dim3A_226 = vector.broadcast %jit3A : f32 to vector<16xf32>
            %broadcast_in_dim3A_227 = vector.broadcast %jit3A_225 : f32 to vector<16xf32>
            %select_n3A_228 = arith.select %and3A_224, %broadcast_in_dim3A_226, %broadcast_in_dim3A_227 : vector<16xi1>, vector<16xf32>
            %add3A_229 = arith.addf %scan3A_208, %select_n3A_228 : vector<16xf32>
            %add3A_230 = arith.constant 16 : i32
            %add3A_231 = arith.addi %multiple_of3A, %add3A_230 : i32
            %get3A_232 = arith.index_cast %add3A_231 : i32 to index
            %get3A_233 = tpu.vector_load %arg6[%get3A_232] {strides = array<i32>} : memref<4096xi32, #tpu.memory_space<vmem>>, vector<16xi32>,
            %get3A_234 = vector.shape_cast %get3A_233 : vector<16xi32> to vector<16xi32>
            %iota3A_235 = tpu.iota {dimensions = array<i32: 0>} : vector<16xi32>
            %mul3A_236 = arith.constant 128 : i32
            %mul3A_237 = arith.muli %scan3A_207, %mul3A_236 : i32
            %add3A_238 = arith.constant 16 : i32
            %add3A_239 = arith.addi %mul3A_237, %add3A_238 : i32
            %add3A_240 = vector.broadcast %add3A_239 : i32 to vector<16xi32>
            %add3A_241 = arith.addi %iota3A_235, %add3A_240 : vector<16xi32>
            %eq3A_242 = vector.broadcast %scan3A_15 : i32 to vector<16xi32>
            %eq3A_243 = arith.cmpi eq, %get3A_234, %eq3A_242 : vector<16xi32>
            %lt3A_244 = vector.broadcast %or3A : i32 to vector<16xi32>
            %lt3A_245 = arith.cmpi slt, %add3A_241, %lt3A_244 : vector<16xi32>
            %and3A_246 = arith.andi %eq3A_243, %lt3A_245 : vector<16xi1>
            %jit3A_247 = arith.constant 1.000000e+00 : f32
            %jit3A_248 = arith.constant 0.000000e+00 : f32
            %broadcast_in_dim3A_249 = vector.broadcast %jit3A_247 : f32 to vector<16xf32>
            %broadcast_in_dim3A_250 = vector.broadcast %jit3A_248 : f32 to vector<16xf32>
            %select_n3A_251 = arith.select %and3A_246, %broadcast_in_dim3A_249, %broadcast_in_dim3A_250 : vector<16xi1>, vector<16xf32>
            %add3A_252 = arith.addf %add3A_229, %select_n3A_251 : vector<16xf32>
            %add3A_253 = arith.constant 32 : i32
            %add3A_254 = arith.addi %multiple_of3A, %add3A_253 : i32
            %get3A_255 = arith.index_cast %add3A_254 : i32 to index
            %get3A_256 = tpu.vector_load %arg6[%get3A_255] {strides = array<i32>} : memref<4096xi32, #tpu.memory_space<vmem>>, vector<16xi32>,
            %get3A_257 = vector.shape_cast %get3A_256 : vector<16xi32> to vector<16xi32>
            %iota3A_258 = tpu.iota {dimensions = array<i32: 0>} : vector<16xi32>
            %mul3A_259 = arith.constant 128 : i32
            %mul3A_260 = arith.muli %scan3A_207, %mul3A_259 : i32
            %add3A_261 = arith.constant 32 : i32
            %add3A_262 = arith.addi %mul3A_260, %add3A_261 : i32
            %add3A_263 = vector.broadcast %add3A_262 : i32 to vector<16xi32>
            %add3A_264 = arith.addi %iota3A_258, %add3A_263 : vector<16xi32>
            %eq3A_265 = vector.broadcast %scan3A_15 : i32 to vector<16xi32>
            %eq3A_266 = arith.cmpi eq, %get3A_257, %eq3A_265 : vector<16xi32>
            %lt3A_267 = vector.broadcast %or3A : i32 to vector<16xi32>
            %lt3A_268 = arith.cmpi slt, %add3A_264, %lt3A_267 : vector<16xi32>
            %and3A_269 = arith.andi %eq3A_266, %lt3A_268 : vector<16xi1>
            %jit3A_270 = arith.constant 1.000000e+00 : f32
            %jit3A_271 = arith.constant 0.000000e+00 : f32
            %broadcast_in_dim3A_272 = vector.broadcast %jit3A_270 : f32 to vector<16xf32>
            %broadcast_in_dim3A_273 = vector.broadcast %jit3A_271 : f32 to vector<16xf32>
            %select_n3A_274 = arith.select %and3A_269, %broadcast_in_dim3A_272, %broadcast_in_dim3A_273 : vector<16xi1>, vector<16xf32>
            %add3A_275 = arith.addf %add3A_252, %select_n3A_274 : vector<16xf32>
            %add3A_276 = arith.constant 48 : i32
            %add3A_277 = arith.addi %multiple_of3A, %add3A_276 : i32
            %get3A_278 = arith.index_cast %add3A_277 : i32 to index
            %get3A_279 = tpu.vector_load %arg6[%get3A_278] {strides = array<i32>} : memref<4096xi32, #tpu.memory_space<vmem>>, vector<16xi32>,
            %get3A_280 = vector.shape_cast %get3A_279 : vector<16xi32> to vector<16xi32>
            %iota3A_281 = tpu.iota {dimensions = array<i32: 0>} : vector<16xi32>
            %mul3A_282 = arith.constant 128 : i32
            %mul3A_283 = arith.muli %scan3A_207, %mul3A_282 : i32
            %add3A_284 = arith.constant 48 : i32
            %add3A_285 = arith.addi %mul3A_283, %add3A_284 : i32
            %add3A_286 = vector.broadcast %add3A_285 : i32 to vector<16xi32>
            %add3A_287 = arith.addi %iota3A_281, %add3A_286 : vector<16xi32>
            %eq3A_288 = vector.broadcast %scan3A_15 : i32 to vector<16xi32>
            %eq3A_289 = arith.cmpi eq, %get3A_280, %eq3A_288 : vector<16xi32>
            %lt3A_290 = vector.broadcast %or3A : i32 to vector<16xi32>
            %lt3A_291 = arith.cmpi slt, %add3A_287, %lt3A_290 : vector<16xi32>
            %and3A_292 = arith.andi %eq3A_289, %lt3A_291 : vector<16xi1>
            %jit3A_293 = arith.constant 1.000000e+00 : f32
            %jit3A_294 = arith.constant 0.000000e+00 : f32
            %broadcast_in_dim3A_295 = vector.broadcast %jit3A_293 : f32 to vector<16xf32>
            %broadcast_in_dim3A_296 = vector.broadcast %jit3A_294 : f32 to vector<16xf32>
            %select_n3A_297 = arith.select %and3A_292, %broadcast_in_dim3A_295, %broadcast_in_dim3A_296 : vector<16xi1>, vector<16xf32>
            %add3A_298 = arith.addf %add3A_275, %select_n3A_297 : vector<16xf32>
            %add3A_299 = arith.constant 64 : i32
            %add3A_300 = arith.addi %multiple_of3A, %add3A_299 : i32
            %get3A_301 = arith.index_cast %add3A_300 : i32 to index
            %get3A_302 = tpu.vector_load %arg6[%get3A_301] {strides = array<i32>} : memref<4096xi32, #tpu.memory_space<vmem>>, vector<16xi32>,
            %get3A_303 = vector.shape_cast %get3A_302 : vector<16xi32> to vector<16xi32>
            %iota3A_304 = tpu.iota {dimensions = array<i32: 0>} : vector<16xi32>
            %mul3A_305 = arith.constant 128 : i32
            %mul3A_306 = arith.muli %scan3A_207, %mul3A_305 : i32
            %add3A_307 = arith.constant 64 : i32
            %add3A_308 = arith.addi %mul3A_306, %add3A_307 : i32
            %add3A_309 = vector.broadcast %add3A_308 : i32 to vector<16xi32>
            %add3A_310 = arith.addi %iota3A_304, %add3A_309 : vector<16xi32>
            %eq3A_311 = vector.broadcast %scan3A_15 : i32 to vector<16xi32>
            %eq3A_312 = arith.cmpi eq, %get3A_303, %eq3A_311 : vector<16xi32>
            %lt3A_313 = vector.broadcast %or3A : i32 to vector<16xi32>
            %lt3A_314 = arith.cmpi slt, %add3A_310, %lt3A_313 : vector<16xi32>
            %and3A_315 = arith.andi %eq3A_312, %lt3A_314 : vector<16xi1>
            %jit3A_316 = arith.constant 1.000000e+00 : f32
            %jit3A_317 = arith.constant 0.000000e+00 : f32
            %broadcast_in_dim3A_318 = vector.broadcast %jit3A_316 : f32 to vector<16xf32>
            %broadcast_in_dim3A_319 = vector.broadcast %jit3A_317 : f32 to vector<16xf32>
            %select_n3A_320 = arith.select %and3A_315, %broadcast_in_dim3A_318, %broadcast_in_dim3A_319 : vector<16xi1>, vector<16xf32>
            %add3A_321 = arith.addf %add3A_298, %select_n3A_320 : vector<16xf32>
            %add3A_322 = arith.constant 80 : i32
            %add3A_323 = arith.addi %multiple_of3A, %add3A_322 : i32
            %get3A_324 = arith.index_cast %add3A_323 : i32 to index
            %get3A_325 = tpu.vector_load %arg6[%get3A_324] {strides = array<i32>} : memref<4096xi32, #tpu.memory_space<vmem>>, vector<16xi32>,
            %get3A_326 = vector.shape_cast %get3A_325 : vector<16xi32> to vector<16xi32>
            %iota3A_327 = tpu.iota {dimensions = array<i32: 0>} : vector<16xi32>
            %mul3A_328 = arith.constant 128 : i32
            %mul3A_329 = arith.muli %scan3A_207, %mul3A_328 : i32
            %add3A_330 = arith.constant 80 : i32
            %add3A_331 = arith.addi %mul3A_329, %add3A_330 : i32
            %add3A_332 = vector.broadcast %add3A_331 : i32 to vector<16xi32>
            %add3A_333 = arith.addi %iota3A_327, %add3A_332 : vector<16xi32>
            %eq3A_334 = vector.broadcast %scan3A_15 : i32 to vector<16xi32>
            %eq3A_335 = arith.cmpi eq, %get3A_326, %eq3A_334 : vector<16xi32>
            %lt3A_336 = vector.broadcast %or3A : i32 to vector<16xi32>
            %lt3A_337 = arith.cmpi slt, %add3A_333, %lt3A_336 : vector<16xi32>
            %and3A_338 = arith.andi %eq3A_335, %lt3A_337 : vector<16xi1>
            %jit3A_339 = arith.constant 1.000000e+00 : f32
            %jit3A_340 = arith.constant 0.000000e+00 : f32
            %broadcast_in_dim3A_341 = vector.broadcast %jit3A_339 : f32 to vector<16xf32>
            %broadcast_in_dim3A_342 = vector.broadcast %jit3A_340 : f32 to vector<16xf32>
            %select_n3A_343 = arith.select %and3A_338, %broadcast_in_dim3A_341, %broadcast_in_dim3A_342 : vector<16xi1>, vector<16xf32>
            %add3A_344 = arith.addf %add3A_321, %select_n3A_343 : vector<16xf32>
            %add3A_345 = arith.constant 96 : i32
            %add3A_346 = arith.addi %multiple_of3A, %add3A_345 : i32
            %get3A_347 = arith.index_cast %add3A_346 : i32 to index
            %get3A_348 = tpu.vector_load %arg6[%get3A_347] {strides = array<i32>} : memref<4096xi32, #tpu.memory_space<vmem>>, vector<16xi32>,
            %get3A_349 = vector.shape_cast %get3A_348 : vector<16xi32> to vector<16xi32>
            %iota3A_350 = tpu.iota {dimensions = array<i32: 0>} : vector<16xi32>
            %mul3A_351 = arith.constant 128 : i32
            %mul3A_352 = arith.muli %scan3A_207, %mul3A_351 : i32
            %add3A_353 = arith.constant 96 : i32
            %add3A_354 = arith.addi %mul3A_352, %add3A_353 : i32
            %add3A_355 = vector.broadcast %add3A_354 : i32 to vector<16xi32>
            %add3A_356 = arith.addi %iota3A_350, %add3A_355 : vector<16xi32>
            %eq3A_357 = vector.broadcast %scan3A_15 : i32 to vector<16xi32>
            %eq3A_358 = arith.cmpi eq, %get3A_349, %eq3A_357 : vector<16xi32>
            %lt3A_359 = vector.broadcast %or3A : i32 to vector<16xi32>
            %lt3A_360 = arith.cmpi slt, %add3A_356, %lt3A_359 : vector<16xi32>
            %and3A_361 = arith.andi %eq3A_358, %lt3A_360 : vector<16xi1>
            %jit3A_362 = arith.constant 1.000000e+00 : f32
            %jit3A_363 = arith.constant 0.000000e+00 : f32
            %broadcast_in_dim3A_364 = vector.broadcast %jit3A_362 : f32 to vector<16xf32>
            %broadcast_in_dim3A_365 = vector.broadcast %jit3A_363 : f32 to vector<16xf32>
            %select_n3A_366 = arith.select %and3A_361, %broadcast_in_dim3A_364, %broadcast_in_dim3A_365 : vector<16xi1>, vector<16xf32>
            %add3A_367 = arith.addf %add3A_344, %select_n3A_366 : vector<16xf32>
            %add3A_368 = arith.constant 112 : i32
            %add3A_369 = arith.addi %multiple_of3A, %add3A_368 : i32
            %get3A_370 = arith.index_cast %add3A_369 : i32 to index
            %get3A_371 = tpu.vector_load %arg6[%get3A_370] {strides = array<i32>} : memref<4096xi32, #tpu.memory_space<vmem>>, vector<16xi32>,
            %get3A_372 = vector.shape_cast %get3A_371 : vector<16xi32> to vector<16xi32>
            %iota3A_373 = tpu.iota {dimensions = array<i32: 0>} : vector<16xi32>
            %mul3A_374 = arith.constant 128 : i32
            %mul3A_375 = arith.muli %scan3A_207, %mul3A_374 : i32
            %add3A_376 = arith.constant 112 : i32
            %add3A_377 = arith.addi %mul3A_375, %add3A_376 : i32
            %add3A_378 = vector.broadcast %add3A_377 : i32 to vector<16xi32>
            %add3A_379 = arith.addi %iota3A_373, %add3A_378 : vector<16xi32>
            %eq3A_380 = vector.broadcast %scan3A_15 : i32 to vector<16xi32>
            %eq3A_381 = arith.cmpi eq, %get3A_372, %eq3A_380 : vector<16xi32>
            %lt3A_382 = vector.broadcast %or3A : i32 to vector<16xi32>
            %lt3A_383 = arith.cmpi slt, %add3A_379, %lt3A_382 : vector<16xi32>
            %and3A_384 = arith.andi %eq3A_381, %lt3A_383 : vector<16xi1>
            %jit3A_385 = arith.constant 1.000000e+00 : f32
            %jit3A_386 = arith.constant 0.000000e+00 : f32
            %broadcast_in_dim3A_387 = vector.broadcast %jit3A_385 : f32 to vector<16xf32>
            %broadcast_in_dim3A_388 = vector.broadcast %jit3A_386 : f32 to vector<16xf32>
            %select_n3A_389 = arith.select %and3A_384, %broadcast_in_dim3A_387, %broadcast_in_dim3A_388 : vector<16xi1>, vector<16xf32>
            %add3A_390 = arith.addf %add3A_367, %select_n3A_389 : vector<16xf32>
            scf.yield %add3A_390 : vector<16xf32>
          }
          %scan3A_157 = arith.constant 32 : i32
          %slice3A_158 = vector.extract_strided_slice %scan3A_156 {offsets = [0], sizes = [1], strides = [1]} : vector<16xf32> to vector<1xf32>
          %squeeze3A_159 = vector.extract %slice3A_158[0] : f32 from vector<1xf32>
          %slice3A_160 = vector.extract_strided_slice %scan3A_156 {offsets = [1], sizes = [1], strides = [1]} : vector<16xf32> to vector<1xf32>
          %squeeze3A_161 = vector.extract %slice3A_160[0] : f32 from vector<1xf32>
          %add3A_162 = arith.addf %squeeze3A_159, %squeeze3A_161 : f32
          %slice3A_163 = vector.extract_strided_slice %scan3A_156 {offsets = [2], sizes = [1], strides = [1]} : vector<16xf32> to vector<1xf32>
          %squeeze3A_164 = vector.extract %slice3A_163[0] : f32 from vector<1xf32>
          %add3A_165 = arith.addf %add3A_162, %squeeze3A_164 : f32
          %slice3A_166 = vector.extract_strided_slice %scan3A_156 {offsets = [3], sizes = [1], strides = [1]} : vector<16xf32> to vector<1xf32>
          %squeeze3A_167 = vector.extract %slice3A_166[0] : f32 from vector<1xf32>
          %add3A_168 = arith.addf %add3A_165, %squeeze3A_167 : f32
          %slice3A_169 = vector.extract_strided_slice %scan3A_156 {offsets = [4], sizes = [1], strides = [1]} : vector<16xf32> to vector<1xf32>
          %squeeze3A_170 = vector.extract %slice3A_169[0] : f32 from vector<1xf32>
          %add3A_171 = arith.addf %add3A_168, %squeeze3A_170 : f32
          %slice3A_172 = vector.extract_strided_slice %scan3A_156 {offsets = [5], sizes = [1], strides = [1]} : vector<16xf32> to vector<1xf32>
          %squeeze3A_173 = vector.extract %slice3A_172[0] : f32 from vector<1xf32>
          %add3A_174 = arith.addf %add3A_171, %squeeze3A_173 : f32
          %slice3A_175 = vector.extract_strided_slice %scan3A_156 {offsets = [6], sizes = [1], strides = [1]} : vector<16xf32> to vector<1xf32>
          %squeeze3A_176 = vector.extract %slice3A_175[0] : f32 from vector<1xf32>
          %add3A_177 = arith.addf %add3A_174, %squeeze3A_176 : f32
          %slice3A_178 = vector.extract_strided_slice %scan3A_156 {offsets = [7], sizes = [1], strides = [1]} : vector<16xf32> to vector<1xf32>
          %squeeze3A_179 = vector.extract %slice3A_178[0] : f32 from vector<1xf32>
          %add3A_180 = arith.addf %add3A_177, %squeeze3A_179 : f32
          %slice3A_181 = vector.extract_strided_slice %scan3A_156 {offsets = [8], sizes = [1], strides = [1]} : vector<16xf32> to vector<1xf32>
          %squeeze3A_182 = vector.extract %slice3A_181[0] : f32 from vector<1xf32>
          %add3A_183 = arith.addf %add3A_180, %squeeze3A_182 : f32
          %slice3A_184 = vector.extract_strided_slice %scan3A_156 {offsets = [9], sizes = [1], strides = [1]} : vector<16xf32> to vector<1xf32>
          %squeeze3A_185 = vector.extract %slice3A_184[0] : f32 from vector<1xf32>
          %add3A_186 = arith.addf %add3A_183, %squeeze3A_185 : f32
          %slice3A_187 = vector.extract_strided_slice %scan3A_156 {offsets = [10], sizes = [1], strides = [1]} : vector<16xf32> to vector<1xf32>
          %squeeze3A_188 = vector.extract %slice3A_187[0] : f32 from vector<1xf32>
          %add3A_189 = arith.addf %add3A_186, %squeeze3A_188 : f32
          %slice3A_190 = vector.extract_strided_slice %scan3A_156 {offsets = [11], sizes = [1], strides = [1]} : vector<16xf32> to vector<1xf32>
          %squeeze3A_191 = vector.extract %slice3A_190[0] : f32 from vector<1xf32>
          %add3A_192 = arith.addf %add3A_189, %squeeze3A_191 : f32
          %slice3A_193 = vector.extract_strided_slice %scan3A_156 {offsets = [12], sizes = [1], strides = [1]} : vector<16xf32> to vector<1xf32>
          %squeeze3A_194 = vector.extract %slice3A_193[0] : f32 from vector<1xf32>
          %add3A_195 = arith.addf %add3A_192, %squeeze3A_194 : f32
          %slice3A_196 = vector.extract_strided_slice %scan3A_156 {offsets = [13], sizes = [1], strides = [1]} : vector<16xf32> to vector<1xf32>
          %squeeze3A_197 = vector.extract %slice3A_196[0] : f32 from vector<1xf32>
          %add3A_198 = arith.addf %add3A_195, %squeeze3A_197 : f32
          %slice3A_199 = vector.extract_strided_slice %scan3A_156 {offsets = [14], sizes = [1], strides = [1]} : vector<16xf32> to vector<1xf32>
          %squeeze3A_200 = vector.extract %slice3A_199[0] : f32 from vector<1xf32>
          %add3A_201 = arith.addf %add3A_198, %squeeze3A_200 : f32
          %slice3A_202 = vector.extract_strided_slice %scan3A_156 {offsets = [15], sizes = [1], strides = [1]} : vector<16xf32> to vector<1xf32>
          %squeeze3A_203 = vector.extract %slice3A_202[0] : f32 from vector<1xf32>
          %add3A_204 = arith.addf %add3A_201, %squeeze3A_203 : f32
          %convert_element_type3A_205 = arith.fptosi %add3A_204 : f32 to i32
          %lt3A_206 = arith.cmpi slt, %convert_element_type3A_205, %sub3A_69 : i32
          %select_n3A = arith.select %lt3A_206, %or3A, %scan3A_146 : i32
          scf.yield %select_n3A : i32
        }
        %scan3A_144 = arith.constant 13 : i32
        scf.yield %scan3A_143 : i32
      }
      %scan3A_132 = arith.constant 0 : i32
      %scan3A_133 = arith.constant 0 : i32
      %scan3A_134 = arith.constant 32 : i32
      %scan3A_135 = arith.addi %scan3A_133, %scan3A_134 : i32
      %scan3A_136 = arith.constant 1 : i32
      scf.for %scan3A_138 = %scan3A_133 to %scan3A_135 step %scan3A_136  : i32 {
        %mul3A = arith.constant 128 : i32
        %mul3A_139 = arith.muli %scan3A_138, %mul3A : i32
        %multiple_of3A = tpu.assume_multiple %mul3A_139, 128 : i32
        %add3A_140 = arith.constant 0 : i32
        %add3A_141 = arith.addi %multiple_of3A, %add3A_140 : i32
        %get3A = arith.index_cast %add3A_141 : i32 to index
        %get3A_142 = tpu.vector_load %arg5[%get3A] {strides = array<i32>} : memref<4096xf32, #tpu.memory_space<vmem>>, vector<16xf32>,
        %get3A_143 = vector.shape_cast %get3A_142 : vector<16xf32> to vector<16xf32>
        %get3A_144 = arith.index_cast %add3A_141 : i32 to index
        %get3A_145 = tpu.vector_load %arg6[%get3A_144] {strides = array<i32>} : memref<4096xi32, #tpu.memory_space<vmem>>, vector<16xi32>,
        %get3A_146 = vector.shape_cast %get3A_145 : vector<16xi32> to vector<16xi32>
        %iota3A = tpu.iota {dimensions = array<i32: 0>} : vector<16xi32>
        %mul3A_147 = arith.constant 128 : i32
        %mul3A_148 = arith.muli %scan3A_138, %mul3A_147 : i32
        %add3A_149 = arith.constant 0 : i32
        %add3A_150 = arith.addi %mul3A_148, %add3A_149 : i32
        %add3A_151 = vector.broadcast %add3A_150 : i32 to vector<16xi32>
        %add3A_152 = arith.addi %iota3A, %add3A_151 : vector<16xi32>
        %gt3A = vector.broadcast %scan3A_15 : i32 to vector<16xi32>
        %gt3A_153 = arith.cmpi sgt, %get3A_146, %gt3A : vector<16xi32>
        %eq3A_154 = vector.broadcast %scan3A_15 : i32 to vector<16xi32>
        %eq3A_155 = arith.cmpi eq, %get3A_146, %eq3A_154 : vector<16xi32>
        %le3A = vector.broadcast %cond3A_131 : i32 to vector<16xi32>
        %le3A_156 = arith.cmpi sle, %add3A_152, %le3A : vector<16xi32>
        %and3A_157 = arith.andi %eq3A_155, %le3A_156 : vector<16xi1>
        %or3A = arith.ori %gt3A_153, %and3A_157 : vector<16xi1>
        %jit3A = arith.constant 0.000000e+00 : f32
        %broadcast_in_dim3A_158 = vector.broadcast %jit3A : f32 to vector<16xf32>
        %select_n3A = arith.select %or3A, %get3A_143, %broadcast_in_dim3A_158 : vector<16xi1>, vector<16xf32>
        %swap3A = arith.index_cast %add3A_141 : i32 to index
        %swap3A_159 = tpu.vector_load %arg7[%swap3A] {strides = array<i32>} : memref<4096xf32, #tpu.memory_space<vmem>>, vector<16xf32>,
        %swap3A_160 = vector.shape_cast %swap3A_159 : vector<16xf32> to vector<16xf32>
        %swap3A_161 = vector.shape_cast %select_n3A : vector<16xf32> to vector<16xf32>
        tpu.vector_store %arg7[%swap3A], %swap3A_161 {strides = array<i32>} : memref<4096xf32, #tpu.memory_space<vmem>>, vector<16xf32>,
        %add3A_162 = arith.constant 16 : i32
        %add3A_163 = arith.addi %multiple_of3A, %add3A_162 : i32
        %get3A_164 = arith.index_cast %add3A_163 : i32 to index
        %get3A_165 = tpu.vector_load %arg5[%get3A_164] {strides = array<i32>} : memref<4096xf32, #tpu.memory_space<vmem>>, vector<16xf32>,
        %get3A_166 = vector.shape_cast %get3A_165 : vector<16xf32> to vector<16xf32>
        %get3A_167 = arith.index_cast %add3A_163 : i32 to index
        %get3A_168 = tpu.vector_load %arg6[%get3A_167] {strides = array<i32>} : memref<4096xi32, #tpu.memory_space<vmem>>, vector<16xi32>,
        %get3A_169 = vector.shape_cast %get3A_168 : vector<16xi32> to vector<16xi32>
        %iota3A_170 = tpu.iota {dimensions = array<i32: 0>} : vector<16xi32>
        %mul3A_171 = arith.constant 128 : i32
        %mul3A_172 = arith.muli %scan3A_138, %mul3A_171 : i32
        %add3A_173 = arith.constant 16 : i32
        %add3A_174 = arith.addi %mul3A_172, %add3A_173 : i32
        %add3A_175 = vector.broadcast %add3A_174 : i32 to vector<16xi32>
        %add3A_176 = arith.addi %iota3A_170, %add3A_175 : vector<16xi32>
        %gt3A_177 = vector.broadcast %scan3A_15 : i32 to vector<16xi32>
        %gt3A_178 = arith.cmpi sgt, %get3A_169, %gt3A_177 : vector<16xi32>
        %eq3A_179 = vector.broadcast %scan3A_15 : i32 to vector<16xi32>
        %eq3A_180 = arith.cmpi eq, %get3A_169, %eq3A_179 : vector<16xi32>
        %le3A_181 = vector.broadcast %cond3A_131 : i32 to vector<16xi32>
        %le3A_182 = arith.cmpi sle, %add3A_176, %le3A_181 : vector<16xi32>
        %and3A_183 = arith.andi %eq3A_180, %le3A_182 : vector<16xi1>
        %or3A_184 = arith.ori %gt3A_178, %and3A_183 : vector<16xi1>
        %jit3A_185 = arith.constant 0.000000e+00 : f32
        %broadcast_in_dim3A_186 = vector.broadcast %jit3A_185 : f32 to vector<16xf32>
        %select_n3A_187 = arith.select %or3A_184, %get3A_166, %broadcast_in_dim3A_186 : vector<16xi1>, vector<16xf32>
        %swap3A_188 = arith.index_cast %add3A_163 : i32 to index
        %swap3A_189 = tpu.vector_load %arg7[%swap3A_188] {strides = array<i32>} : memref<4096xf32, #tpu.memory_space<vmem>>, vector<16xf32>,
        %swap3A_190 = vector.shape_cast %swap3A_189 : vector<16xf32> to vector<16xf32>
        %swap3A_191 = vector.shape_cast %select_n3A_187 : vector<16xf32> to vector<16xf32>
        tpu.vector_store %arg7[%swap3A_188], %swap3A_191 {strides = array<i32>} : memref<4096xf32, #tpu.memory_space<vmem>>, vector<16xf32>,
        %add3A_192 = arith.constant 32 : i32
        %add3A_193 = arith.addi %multiple_of3A, %add3A_192 : i32
        %get3A_194 = arith.index_cast %add3A_193 : i32 to index
        %get3A_195 = tpu.vector_load %arg5[%get3A_194] {strides = array<i32>} : memref<4096xf32, #tpu.memory_space<vmem>>, vector<16xf32>,
        %get3A_196 = vector.shape_cast %get3A_195 : vector<16xf32> to vector<16xf32>
        %get3A_197 = arith.index_cast %add3A_193 : i32 to index
        %get3A_198 = tpu.vector_load %arg6[%get3A_197] {strides = array<i32>} : memref<4096xi32, #tpu.memory_space<vmem>>, vector<16xi32>,
        %get3A_199 = vector.shape_cast %get3A_198 : vector<16xi32> to vector<16xi32>
        %iota3A_200 = tpu.iota {dimensions = array<i32: 0>} : vector<16xi32>
        %mul3A_201 = arith.constant 128 : i32
        %mul3A_202 = arith.muli %scan3A_138, %mul3A_201 : i32
        %add3A_203 = arith.constant 32 : i32
        %add3A_204 = arith.addi %mul3A_202, %add3A_203 : i32
        %add3A_205 = vector.broadcast %add3A_204 : i32 to vector<16xi32>
        %add3A_206 = arith.addi %iota3A_200, %add3A_205 : vector<16xi32>
        %gt3A_207 = vector.broadcast %scan3A_15 : i32 to vector<16xi32>
        %gt3A_208 = arith.cmpi sgt, %get3A_199, %gt3A_207 : vector<16xi32>
        %eq3A_209 = vector.broadcast %scan3A_15 : i32 to vector<16xi32>
        %eq3A_210 = arith.cmpi eq, %get3A_199, %eq3A_209 : vector<16xi32>
        %le3A_211 = vector.broadcast %cond3A_131 : i32 to vector<16xi32>
        %le3A_212 = arith.cmpi sle, %add3A_206, %le3A_211 : vector<16xi32>
        %and3A_213 = arith.andi %eq3A_210, %le3A_212 : vector<16xi1>
        %or3A_214 = arith.ori %gt3A_208, %and3A_213 : vector<16xi1>
        %jit3A_215 = arith.constant 0.000000e+00 : f32
        %broadcast_in_dim3A_216 = vector.broadcast %jit3A_215 : f32 to vector<16xf32>
        %select_n3A_217 = arith.select %or3A_214, %get3A_196, %broadcast_in_dim3A_216 : vector<16xi1>, vector<16xf32>
        %swap3A_218 = arith.index_cast %add3A_193 : i32 to index
        %swap3A_219 = tpu.vector_load %arg7[%swap3A_218] {strides = array<i32>} : memref<4096xf32, #tpu.memory_space<vmem>>, vector<16xf32>,
        %swap3A_220 = vector.shape_cast %swap3A_219 : vector<16xf32> to vector<16xf32>
        %swap3A_221 = vector.shape_cast %select_n3A_217 : vector<16xf32> to vector<16xf32>
        tpu.vector_store %arg7[%swap3A_218], %swap3A_221 {strides = array<i32>} : memref<4096xf32, #tpu.memory_space<vmem>>, vector<16xf32>,
        %add3A_222 = arith.constant 48 : i32
        %add3A_223 = arith.addi %multiple_of3A, %add3A_222 : i32
        %get3A_224 = arith.index_cast %add3A_223 : i32 to index
        %get3A_225 = tpu.vector_load %arg5[%get3A_224] {strides = array<i32>} : memref<4096xf32, #tpu.memory_space<vmem>>, vector<16xf32>,
        %get3A_226 = vector.shape_cast %get3A_225 : vector<16xf32> to vector<16xf32>
        %get3A_227 = arith.index_cast %add3A_223 : i32 to index
        %get3A_228 = tpu.vector_load %arg6[%get3A_227] {strides = array<i32>} : memref<4096xi32, #tpu.memory_space<vmem>>, vector<16xi32>,
        %get3A_229 = vector.shape_cast %get3A_228 : vector<16xi32> to vector<16xi32>
        %iota3A_230 = tpu.iota {dimensions = array<i32: 0>} : vector<16xi32>
        %mul3A_231 = arith.constant 128 : i32
        %mul3A_232 = arith.muli %scan3A_138, %mul3A_231 : i32
        %add3A_233 = arith.constant 48 : i32
        %add3A_234 = arith.addi %mul3A_232, %add3A_233 : i32
        %add3A_235 = vector.broadcast %add3A_234 : i32 to vector<16xi32>
        %add3A_236 = arith.addi %iota3A_230, %add3A_235 : vector<16xi32>
        %gt3A_237 = vector.broadcast %scan3A_15 : i32 to vector<16xi32>
        %gt3A_238 = arith.cmpi sgt, %get3A_229, %gt3A_237 : vector<16xi32>
        %eq3A_239 = vector.broadcast %scan3A_15 : i32 to vector<16xi32>
        %eq3A_240 = arith.cmpi eq, %get3A_229, %eq3A_239 : vector<16xi32>
        %le3A_241 = vector.broadcast %cond3A_131 : i32 to vector<16xi32>
        %le3A_242 = arith.cmpi sle, %add3A_236, %le3A_241 : vector<16xi32>
        %and3A_243 = arith.andi %eq3A_240, %le3A_242 : vector<16xi1>
        %or3A_244 = arith.ori %gt3A_238, %and3A_243 : vector<16xi1>
        %jit3A_245 = arith.constant 0.000000e+00 : f32
        %broadcast_in_dim3A_246 = vector.broadcast %jit3A_245 : f32 to vector<16xf32>
        %select_n3A_247 = arith.select %or3A_244, %get3A_226, %broadcast_in_dim3A_246 : vector<16xi1>, vector<16xf32>
        %swap3A_248 = arith.index_cast %add3A_223 : i32 to index
        %swap3A_249 = tpu.vector_load %arg7[%swap3A_248] {strides = array<i32>} : memref<4096xf32, #tpu.memory_space<vmem>>, vector<16xf32>,
        %swap3A_250 = vector.shape_cast %swap3A_249 : vector<16xf32> to vector<16xf32>
        %swap3A_251 = vector.shape_cast %select_n3A_247 : vector<16xf32> to vector<16xf32>
        tpu.vector_store %arg7[%swap3A_248], %swap3A_251 {strides = array<i32>} : memref<4096xf32, #tpu.memory_space<vmem>>, vector<16xf32>,
        %add3A_252 = arith.constant 64 : i32
        %add3A_253 = arith.addi %multiple_of3A, %add3A_252 : i32
        %get3A_254 = arith.index_cast %add3A_253 : i32 to index
        %get3A_255 = tpu.vector_load %arg5[%get3A_254] {strides = array<i32>} : memref<4096xf32, #tpu.memory_space<vmem>>, vector<16xf32>,
        %get3A_256 = vector.shape_cast %get3A_255 : vector<16xf32> to vector<16xf32>
        %get3A_257 = arith.index_cast %add3A_253 : i32 to index
        %get3A_258 = tpu.vector_load %arg6[%get3A_257] {strides = array<i32>} : memref<4096xi32, #tpu.memory_space<vmem>>, vector<16xi32>,
        %get3A_259 = vector.shape_cast %get3A_258 : vector<16xi32> to vector<16xi32>
        %iota3A_260 = tpu.iota {dimensions = array<i32: 0>} : vector<16xi32>
        %mul3A_261 = arith.constant 128 : i32
        %mul3A_262 = arith.muli %scan3A_138, %mul3A_261 : i32
        %add3A_263 = arith.constant 64 : i32
        %add3A_264 = arith.addi %mul3A_262, %add3A_263 : i32
        %add3A_265 = vector.broadcast %add3A_264 : i32 to vector<16xi32>
        %add3A_266 = arith.addi %iota3A_260, %add3A_265 : vector<16xi32>
        %gt3A_267 = vector.broadcast %scan3A_15 : i32 to vector<16xi32>
        %gt3A_268 = arith.cmpi sgt, %get3A_259, %gt3A_267 : vector<16xi32>
        %eq3A_269 = vector.broadcast %scan3A_15 : i32 to vector<16xi32>
        %eq3A_270 = arith.cmpi eq, %get3A_259, %eq3A_269 : vector<16xi32>
        %le3A_271 = vector.broadcast %cond3A_131 : i32 to vector<16xi32>
        %le3A_272 = arith.cmpi sle, %add3A_266, %le3A_271 : vector<16xi32>
        %and3A_273 = arith.andi %eq3A_270, %le3A_272 : vector<16xi1>
        %or3A_274 = arith.ori %gt3A_268, %and3A_273 : vector<16xi1>
        %jit3A_275 = arith.constant 0.000000e+00 : f32
        %broadcast_in_dim3A_276 = vector.broadcast %jit3A_275 : f32 to vector<16xf32>
        %select_n3A_277 = arith.select %or3A_274, %get3A_256, %broadcast_in_dim3A_276 : vector<16xi1>, vector<16xf32>
        %swap3A_278 = arith.index_cast %add3A_253 : i32 to index
        %swap3A_279 = tpu.vector_load %arg7[%swap3A_278] {strides = array<i32>} : memref<4096xf32, #tpu.memory_space<vmem>>, vector<16xf32>,
        %swap3A_280 = vector.shape_cast %swap3A_279 : vector<16xf32> to vector<16xf32>
        %swap3A_281 = vector.shape_cast %select_n3A_277 : vector<16xf32> to vector<16xf32>
        tpu.vector_store %arg7[%swap3A_278], %swap3A_281 {strides = array<i32>} : memref<4096xf32, #tpu.memory_space<vmem>>, vector<16xf32>,
        %add3A_282 = arith.constant 80 : i32
        %add3A_283 = arith.addi %multiple_of3A, %add3A_282 : i32
        %get3A_284 = arith.index_cast %add3A_283 : i32 to index
        %get3A_285 = tpu.vector_load %arg5[%get3A_284] {strides = array<i32>} : memref<4096xf32, #tpu.memory_space<vmem>>, vector<16xf32>,
        %get3A_286 = vector.shape_cast %get3A_285 : vector<16xf32> to vector<16xf32>
        %get3A_287 = arith.index_cast %add3A_283 : i32 to index
        %get3A_288 = tpu.vector_load %arg6[%get3A_287] {strides = array<i32>} : memref<4096xi32, #tpu.memory_space<vmem>>, vector<16xi32>,
        %get3A_289 = vector.shape_cast %get3A_288 : vector<16xi32> to vector<16xi32>
        %iota3A_290 = tpu.iota {dimensions = array<i32: 0>} : vector<16xi32>
        %mul3A_291 = arith.constant 128 : i32
        %mul3A_292 = arith.muli %scan3A_138, %mul3A_291 : i32
        %add3A_293 = arith.constant 80 : i32
        %add3A_294 = arith.addi %mul3A_292, %add3A_293 : i32
        %add3A_295 = vector.broadcast %add3A_294 : i32 to vector<16xi32>
        %add3A_296 = arith.addi %iota3A_290, %add3A_295 : vector<16xi32>
        %gt3A_297 = vector.broadcast %scan3A_15 : i32 to vector<16xi32>
        %gt3A_298 = arith.cmpi sgt, %get3A_289, %gt3A_297 : vector<16xi32>
        %eq3A_299 = vector.broadcast %scan3A_15 : i32 to vector<16xi32>
        %eq3A_300 = arith.cmpi eq, %get3A_289, %eq3A_299 : vector<16xi32>
        %le3A_301 = vector.broadcast %cond3A_131 : i32 to vector<16xi32>
        %le3A_302 = arith.cmpi sle, %add3A_296, %le3A_301 : vector<16xi32>
        %and3A_303 = arith.andi %eq3A_300, %le3A_302 : vector<16xi1>
        %or3A_304 = arith.ori %gt3A_298, %and3A_303 : vector<16xi1>
        %jit3A_305 = arith.constant 0.000000e+00 : f32
        %broadcast_in_dim3A_306 = vector.broadcast %jit3A_305 : f32 to vector<16xf32>
        %select_n3A_307 = arith.select %or3A_304, %get3A_286, %broadcast_in_dim3A_306 : vector<16xi1>, vector<16xf32>
        %swap3A_308 = arith.index_cast %add3A_283 : i32 to index
        %swap3A_309 = tpu.vector_load %arg7[%swap3A_308] {strides = array<i32>} : memref<4096xf32, #tpu.memory_space<vmem>>, vector<16xf32>,
        %swap3A_310 = vector.shape_cast %swap3A_309 : vector<16xf32> to vector<16xf32>
        %swap3A_311 = vector.shape_cast %select_n3A_307 : vector<16xf32> to vector<16xf32>
        tpu.vector_store %arg7[%swap3A_308], %swap3A_311 {strides = array<i32>} : memref<4096xf32, #tpu.memory_space<vmem>>, vector<16xf32>,
        %add3A_312 = arith.constant 96 : i32
        %add3A_313 = arith.addi %multiple_of3A, %add3A_312 : i32
        %get3A_314 = arith.index_cast %add3A_313 : i32 to index
        %get3A_315 = tpu.vector_load %arg5[%get3A_314] {strides = array<i32>} : memref<4096xf32, #tpu.memory_space<vmem>>, vector<16xf32>,
        %get3A_316 = vector.shape_cast %get3A_315 : vector<16xf32> to vector<16xf32>
        %get3A_317 = arith.index_cast %add3A_313 : i32 to index
        %get3A_318 = tpu.vector_load %arg6[%get3A_317] {strides = array<i32>} : memref<4096xi32, #tpu.memory_space<vmem>>, vector<16xi32>,
        %get3A_319 = vector.shape_cast %get3A_318 : vector<16xi32> to vector<16xi32>
        %iota3A_320 = tpu.iota {dimensions = array<i32: 0>} : vector<16xi32>
        %mul3A_321 = arith.constant 128 : i32
        %mul3A_322 = arith.muli %scan3A_138, %mul3A_321 : i32
        %add3A_323 = arith.constant 96 : i32
        %add3A_324 = arith.addi %mul3A_322, %add3A_323 : i32
        %add3A_325 = vector.broadcast %add3A_324 : i32 to vector<16xi32>
        %add3A_326 = arith.addi %iota3A_320, %add3A_325 : vector<16xi32>
        %gt3A_327 = vector.broadcast %scan3A_15 : i32 to vector<16xi32>
        %gt3A_328 = arith.cmpi sgt, %get3A_319, %gt3A_327 : vector<16xi32>
        %eq3A_329 = vector.broadcast %scan3A_15 : i32 to vector<16xi32>
        %eq3A_330 = arith.cmpi eq, %get3A_319, %eq3A_329 : vector<16xi32>
        %le3A_331 = vector.broadcast %cond3A_131 : i32 to vector<16xi32>
        %le3A_332 = arith.cmpi sle, %add3A_326, %le3A_331 : vector<16xi32>
        %and3A_333 = arith.andi %eq3A_330, %le3A_332 : vector<16xi1>
        %or3A_334 = arith.ori %gt3A_328, %and3A_333 : vector<16xi1>
        %jit3A_335 = arith.constant 0.000000e+00 : f32
        %broadcast_in_dim3A_336 = vector.broadcast %jit3A_335 : f32 to vector<16xf32>
        %select_n3A_337 = arith.select %or3A_334, %get3A_316, %broadcast_in_dim3A_336 : vector<16xi1>, vector<16xf32>
        %swap3A_338 = arith.index_cast %add3A_313 : i32 to index
        %swap3A_339 = tpu.vector_load %arg7[%swap3A_338] {strides = array<i32>} : memref<4096xf32, #tpu.memory_space<vmem>>, vector<16xf32>,
        %swap3A_340 = vector.shape_cast %swap3A_339 : vector<16xf32> to vector<16xf32>
        %swap3A_341 = vector.shape_cast %select_n3A_337 : vector<16xf32> to vector<16xf32>
        tpu.vector_store %arg7[%swap3A_338], %swap3A_341 {strides = array<i32>} : memref<4096xf32, #tpu.memory_space<vmem>>, vector<16xf32>,
        %add3A_342 = arith.constant 112 : i32
        %add3A_343 = arith.addi %multiple_of3A, %add3A_342 : i32
        %get3A_344 = arith.index_cast %add3A_343 : i32 to index
        %get3A_345 = tpu.vector_load %arg5[%get3A_344] {strides = array<i32>} : memref<4096xf32, #tpu.memory_space<vmem>>, vector<16xf32>,
        %get3A_346 = vector.shape_cast %get3A_345 : vector<16xf32> to vector<16xf32>
        %get3A_347 = arith.index_cast %add3A_343 : i32 to index
        %get3A_348 = tpu.vector_load %arg6[%get3A_347] {strides = array<i32>} : memref<4096xi32, #tpu.memory_space<vmem>>, vector<16xi32>,
        %get3A_349 = vector.shape_cast %get3A_348 : vector<16xi32> to vector<16xi32>
        %iota3A_350 = tpu.iota {dimensions = array<i32: 0>} : vector<16xi32>
        %mul3A_351 = arith.constant 128 : i32
        %mul3A_352 = arith.muli %scan3A_138, %mul3A_351 : i32
        %add3A_353 = arith.constant 112 : i32
        %add3A_354 = arith.addi %mul3A_352, %add3A_353 : i32
        %add3A_355 = vector.broadcast %add3A_354 : i32 to vector<16xi32>
        %add3A_356 = arith.addi %iota3A_350, %add3A_355 : vector<16xi32>
        %gt3A_357 = vector.broadcast %scan3A_15 : i32 to vector<16xi32>
        %gt3A_358 = arith.cmpi sgt, %get3A_349, %gt3A_357 : vector<16xi32>
        %eq3A_359 = vector.broadcast %scan3A_15 : i32 to vector<16xi32>
        %eq3A_360 = arith.cmpi eq, %get3A_349, %eq3A_359 : vector<16xi32>
        %le3A_361 = vector.broadcast %cond3A_131 : i32 to vector<16xi32>
        %le3A_362 = arith.cmpi sle, %add3A_356, %le3A_361 : vector<16xi32>
        %and3A_363 = arith.andi %eq3A_360, %le3A_362 : vector<16xi1>
        %or3A_364 = arith.ori %gt3A_358, %and3A_363 : vector<16xi1>
        %jit3A_365 = arith.constant 0.000000e+00 : f32
        %broadcast_in_dim3A_366 = vector.broadcast %jit3A_365 : f32 to vector<16xf32>
        %select_n3A_367 = arith.select %or3A_364, %get3A_346, %broadcast_in_dim3A_366 : vector<16xi1>, vector<16xf32>
        %swap3A_368 = arith.index_cast %add3A_343 : i32 to index
        %swap3A_369 = tpu.vector_load %arg7[%swap3A_368] {strides = array<i32>} : memref<4096xf32, #tpu.memory_space<vmem>>, vector<16xf32>,
        %swap3A_370 = vector.shape_cast %swap3A_369 : vector<16xf32> to vector<16xf32>
        %swap3A_371 = vector.shape_cast %select_n3A_367 : vector<16xf32> to vector<16xf32>
        tpu.vector_store %arg7[%swap3A_368], %swap3A_371 {strides = array<i32>} : memref<4096xf32, #tpu.memory_space<vmem>>, vector<16xf32>,
      }
      %scan3A_137 = arith.constant 32 : i32
      "tpu.region"() ({
        %run_scoped3A = tpu.sem_alloc : memref<!tpu.dma_semaphore, #tpu.memory_space<semaphore_mem>>
        %dma_start3A = arith.constant 0 : i32
        %dma_start3A_138 = tpu.memref_slice %arg9[%arg1, %dma_start3A] : memref<8x4096xf32, #tpu.memory_space<vmem_shared>> -> memref<1x4096xf32, #tpu.memory_space<vmem_shared>>
        %dma_start3A_139 = tpu.memref_squeeze %dma_start3A_138 : memref<1x4096xf32, #tpu.memory_space<vmem_shared>> -> memref<4096xf32, #tpu.memory_space<vmem_shared>>
        %dma_start3A_140 = arith.constant 0 : i32
        %dma_start3A_141 = tpu.memref_slice %arg9[%arg1, %dma_start3A_140] : memref<8x4096xf32, #tpu.memory_space<vmem_shared>> -> memref<1x4096xf32, #tpu.memory_space<vmem_shared>>
        %dma_start3A_142 = tpu.memref_squeeze %dma_start3A_141 : memref<1x4096xf32, #tpu.memory_space<vmem_shared>> -> memref<4096xf32, #tpu.memory_space<vmem_shared>>
        tpu.enqueue_dma source(%arg7 : memref<4096xf32, #tpu.memory_space<vmem>>) target(%dma_start3A_142 : memref<4096xf32, #tpu.memory_space<vmem_shared>>) target_semaphore(%run_scoped3A : memref<!tpu.dma_semaphore, #tpu.memory_space<semaphore_mem>>)
        %dma_wait3A = arith.constant 0 : i32
        %dma_wait3A_143 = tpu.memref_slice %arg9[%arg1, %dma_wait3A] : memref<8x4096xf32, #tpu.memory_space<vmem_shared>> -> memref<1x4096xf32, #tpu.memory_space<vmem_shared>>
        %dma_wait3A_144 = tpu.memref_squeeze %dma_wait3A_143 : memref<1x4096xf32, #tpu.memory_space<vmem_shared>> -> memref<4096xf32, #tpu.memory_space<vmem_shared>>
        %dma_wait3A_145 = arith.constant 0 : i32
        %dma_wait3A_146 = tpu.memref_slice %arg9[%arg1, %dma_wait3A_145] : memref<8x4096xf32, #tpu.memory_space<vmem_shared>> -> memref<1x4096xf32, #tpu.memory_space<vmem_shared>>
        %dma_wait3A_147 = tpu.memref_squeeze %dma_wait3A_146 : memref<1x4096xf32, #tpu.memory_space<vmem_shared>> -> memref<4096xf32, #tpu.memory_space<vmem_shared>>
        tpu.wait_dma2 semaphore(%run_scoped3A : memref<!tpu.dma_semaphore, #tpu.memory_space<semaphore_mem>>) src(%arg7 : memref<4096xf32, #tpu.memory_space<vmem>>) dst(%dma_wait3A_147 : memref<4096xf32, #tpu.memory_space<vmem_shared>>)
        tpu.yield
      }) : () -> ()
    } else {
    }
    %barrier3A = arith.constant 0 : index
    tpu.barrier barrier_id(%barrier3A)
    %eq3A_3 = arith.constant 0 : i32
    %eq3A_4 = arith.cmpi eq, %arg0, %eq3A_3 : i32
    %lt3A_5 = arith.constant 8 : i32
    %lt3A_6 = arith.cmpi slt, %arg1, %lt3A_5 : i32
    %and3A_7 = arith.andi %eq3A_4, %lt3A_6 : i1
    %convert_element_type3A_8 = arith.extui %and3A_7 : i1 to i32
    %cond3A_9 = arith.constant 0 : i32
    %cond3A_10 = arith.cmpi ne, %convert_element_type3A_8, %cond3A_9 : i32
    scf.if %cond3A_10 {
      %mul3A = arith.constant 512 : i32
      %mul3A_11 = arith.muli %arg1, %mul3A : i32
      %multiple_of3A = tpu.assume_multiple %mul3A_11, 512 : i32
      %run_scoped3A = arith.constant 0 : i32
      %run_scoped3A_12 = arith.constant 0 : i32
      "tpu.region"() ({
        %run_scoped3A_32 = tpu.sem_alloc : memref<!tpu.dma_semaphore, #tpu.memory_space<semaphore_mem>>
        %dma_start3A = arith.constant 0 : i32
        %dma_start3A_33 = tpu.memref_slice %arg8[%run_scoped3A_12, %dma_start3A] : memref<8x512xf32, #tpu.memory_space<vmem>> -> memref<1x512xf32, #tpu.memory_space<vmem>>
        %dma_start3A_34 = tpu.memref_squeeze %dma_start3A_33 : memref<1x512xf32, #tpu.memory_space<vmem>> -> memref<512xf32, #tpu.memory_space<vmem>>
        %dma_start3A_35 = tpu.memref_slice %arg9[%run_scoped3A, %multiple_of3A] : memref<8x4096xf32, #tpu.memory_space<vmem_shared>> -> memref<1x512xf32, #tpu.memory_space<vmem_shared>>
        %dma_start3A_36 = tpu.memref_squeeze %dma_start3A_35 : memref<1x512xf32, #tpu.memory_space<vmem_shared>> -> memref<512xf32, #tpu.memory_space<vmem_shared>>
        %dma_start3A_37 = arith.constant 0 : i32
        %dma_start3A_38 = tpu.memref_slice %arg8[%run_scoped3A_12, %dma_start3A_37] : memref<8x512xf32, #tpu.memory_space<vmem>> -> memref<1x512xf32, #tpu.memory_space<vmem>>
        %dma_start3A_39 = tpu.memref_squeeze %dma_start3A_38 : memref<1x512xf32, #tpu.memory_space<vmem>> -> memref<512xf32, #tpu.memory_space<vmem>>
        %dma_start3A_40 = tpu.memref_slice %arg9[%run_scoped3A, %multiple_of3A] : memref<8x4096xf32, #tpu.memory_space<vmem_shared>> -> memref<1x512xf32, #tpu.memory_space<vmem_shared>>
        %dma_start3A_41 = tpu.memref_squeeze %dma_start3A_40 : memref<1x512xf32, #tpu.memory_space<vmem_shared>> -> memref<512xf32, #tpu.memory_space<vmem_shared>>
        tpu.enqueue_dma source(%dma_start3A_41 : memref<512xf32, #tpu.memory_space<vmem_shared>>) target(%dma_start3A_39 : memref<512xf32, #tpu.memory_space<vmem>>) target_semaphore(%run_scoped3A_32 : memref<!tpu.dma_semaphore, #tpu.memory_space<semaphore_mem>>)
        %dma_wait3A = arith.constant 0 : i32
        %dma_wait3A_42 = tpu.memref_slice %arg8[%run_scoped3A_12, %dma_wait3A] : memref<8x512xf32, #tpu.memory_space<vmem>> -> memref<1x512xf32, #tpu.memory_space<vmem>>
        %dma_wait3A_43 = tpu.memref_squeeze %dma_wait3A_42 : memref<1x512xf32, #tpu.memory_space<vmem>> -> memref<512xf32, #tpu.memory_space<vmem>>
        %dma_wait3A_44 = tpu.memref_slice %arg9[%run_scoped3A, %multiple_of3A] : memref<8x4096xf32, #tpu.memory_space<vmem_shared>> -> memref<1x512xf32, #tpu.memory_space<vmem_shared>>
        %dma_wait3A_45 = tpu.memref_squeeze %dma_wait3A_44 : memref<1x512xf32, #tpu.memory_space<vmem_shared>> -> memref<512xf32, #tpu.memory_space<vmem_shared>>
        %dma_wait3A_46 = arith.constant 0 : i32
        %dma_wait3A_47 = tpu.memref_slice %arg8[%run_scoped3A_12, %dma_wait3A_46] : memref<8x512xf32, #tpu.memory_space<vmem>> -> memref<1x512xf32, #tpu.memory_space<vmem>>
        %dma_wait3A_48 = tpu.memref_squeeze %dma_wait3A_47 : memref<1x512xf32, #tpu.memory_space<vmem>> -> memref<512xf32, #tpu.memory_space<vmem>>
        %dma_wait3A_49 = tpu.memref_slice %arg9[%run_scoped3A, %multiple_of3A] : memref<8x4096xf32, #tpu.memory_space<vmem_shared>> -> memref<1x512xf32, #tpu.memory_space<vmem_shared>>
        %dma_wait3A_50 = tpu.memref_squeeze %dma_wait3A_49 : memref<1x512xf32, #tpu.memory_space<vmem_shared>> -> memref<512xf32, #tpu.memory_space<vmem_shared>>
        tpu.wait_dma2 semaphore(%run_scoped3A_32 : memref<!tpu.dma_semaphore, #tpu.memory_space<semaphore_mem>>) src(%dma_wait3A_50 : memref<512xf32, #tpu.memory_space<vmem_shared>>) dst(%dma_wait3A_48 : memref<512xf32, #tpu.memory_space<vmem>>)
        tpu.yield
      }) : () -> ()
      %run_scoped3A_13 = arith.constant 1 : i32
      %run_scoped3A_14 = arith.constant 1 : i32
      "tpu.region"() ({
        %run_scoped3A_32 = tpu.sem_alloc : memref<!tpu.dma_semaphore, #tpu.memory_space<semaphore_mem>>
        %dma_start3A = arith.constant 0 : i32
        %dma_start3A_33 = tpu.memref_slice %arg8[%run_scoped3A_14, %dma_start3A] : memref<8x512xf32, #tpu.memory_space<vmem>> -> memref<1x512xf32, #tpu.memory_space<vmem>>
        %dma_start3A_34 = tpu.memref_squeeze %dma_start3A_33 : memref<1x512xf32, #tpu.memory_space<vmem>> -> memref<512xf32, #tpu.memory_space<vmem>>
        %dma_start3A_35 = tpu.memref_slice %arg9[%run_scoped3A_13, %multiple_of3A] : memref<8x4096xf32, #tpu.memory_space<vmem_shared>> -> memref<1x512xf32, #tpu.memory_space<vmem_shared>>
        %dma_start3A_36 = tpu.memref_squeeze %dma_start3A_35 : memref<1x512xf32, #tpu.memory_space<vmem_shared>> -> memref<512xf32, #tpu.memory_space<vmem_shared>>
        %dma_start3A_37 = arith.constant 0 : i32
        %dma_start3A_38 = tpu.memref_slice %arg8[%run_scoped3A_14, %dma_start3A_37] : memref<8x512xf32, #tpu.memory_space<vmem>> -> memref<1x512xf32, #tpu.memory_space<vmem>>
        %dma_start3A_39 = tpu.memref_squeeze %dma_start3A_38 : memref<1x512xf32, #tpu.memory_space<vmem>> -> memref<512xf32, #tpu.memory_space<vmem>>
        %dma_start3A_40 = tpu.memref_slice %arg9[%run_scoped3A_13, %multiple_of3A] : memref<8x4096xf32, #tpu.memory_space<vmem_shared>> -> memref<1x512xf32, #tpu.memory_space<vmem_shared>>
        %dma_start3A_41 = tpu.memref_squeeze %dma_start3A_40 : memref<1x512xf32, #tpu.memory_space<vmem_shared>> -> memref<512xf32, #tpu.memory_space<vmem_shared>>
        tpu.enqueue_dma source(%dma_start3A_41 : memref<512xf32, #tpu.memory_space<vmem_shared>>) target(%dma_start3A_39 : memref<512xf32, #tpu.memory_space<vmem>>) target_semaphore(%run_scoped3A_32 : memref<!tpu.dma_semaphore, #tpu.memory_space<semaphore_mem>>)
        %dma_wait3A = arith.constant 0 : i32
        %dma_wait3A_42 = tpu.memref_slice %arg8[%run_scoped3A_14, %dma_wait3A] : memref<8x512xf32, #tpu.memory_space<vmem>> -> memref<1x512xf32, #tpu.memory_space<vmem>>
        %dma_wait3A_43 = tpu.memref_squeeze %dma_wait3A_42 : memref<1x512xf32, #tpu.memory_space<vmem>> -> memref<512xf32, #tpu.memory_space<vmem>>
        %dma_wait3A_44 = tpu.memref_slice %arg9[%run_scoped3A_13, %multiple_of3A] : memref<8x4096xf32, #tpu.memory_space<vmem_shared>> -> memref<1x512xf32, #tpu.memory_space<vmem_shared>>
        %dma_wait3A_45 = tpu.memref_squeeze %dma_wait3A_44 : memref<1x512xf32, #tpu.memory_space<vmem_shared>> -> memref<512xf32, #tpu.memory_space<vmem_shared>>
        %dma_wait3A_46 = arith.constant 0 : i32
        %dma_wait3A_47 = tpu.memref_slice %arg8[%run_scoped3A_14, %dma_wait3A_46] : memref<8x512xf32, #tpu.memory_space<vmem>> -> memref<1x512xf32, #tpu.memory_space<vmem>>
        %dma_wait3A_48 = tpu.memref_squeeze %dma_wait3A_47 : memref<1x512xf32, #tpu.memory_space<vmem>> -> memref<512xf32, #tpu.memory_space<vmem>>
        %dma_wait3A_49 = tpu.memref_slice %arg9[%run_scoped3A_13, %multiple_of3A] : memref<8x4096xf32, #tpu.memory_space<vmem_shared>> -> memref<1x512xf32, #tpu.memory_space<vmem_shared>>
        %dma_wait3A_50 = tpu.memref_squeeze %dma_wait3A_49 : memref<1x512xf32, #tpu.memory_space<vmem_shared>> -> memref<512xf32, #tpu.memory_space<vmem_shared>>
        tpu.wait_dma2 semaphore(%run_scoped3A_32 : memref<!tpu.dma_semaphore, #tpu.memory_space<semaphore_mem>>) src(%dma_wait3A_50 : memref<512xf32, #tpu.memory_space<vmem_shared>>) dst(%dma_wait3A_48 : memref<512xf32, #tpu.memory_space<vmem>>)
        tpu.yield
      }) : () -> ()
      %run_scoped3A_15 = arith.constant 2 : i32
      %run_scoped3A_16 = arith.constant 2 : i32
      "tpu.region"() ({
        %run_scoped3A_32 = tpu.sem_alloc : memref<!tpu.dma_semaphore, #tpu.memory_space<semaphore_mem>>
        %dma_start3A = arith.constant 0 : i32
        %dma_start3A_33 = tpu.memref_slice %arg8[%run_scoped3A_16, %dma_start3A] : memref<8x512xf32, #tpu.memory_space<vmem>> -> memref<1x512xf32, #tpu.memory_space<vmem>>
        %dma_start3A_34 = tpu.memref_squeeze %dma_start3A_33 : memref<1x512xf32, #tpu.memory_space<vmem>> -> memref<512xf32, #tpu.memory_space<vmem>>
        %dma_start3A_35 = tpu.memref_slice %arg9[%run_scoped3A_15, %multiple_of3A] : memref<8x4096xf32, #tpu.memory_space<vmem_shared>> -> memref<1x512xf32, #tpu.memory_space<vmem_shared>>
        %dma_start3A_36 = tpu.memref_squeeze %dma_start3A_35 : memref<1x512xf32, #tpu.memory_space<vmem_shared>> -> memref<512xf32, #tpu.memory_space<vmem_shared>>
        %dma_start3A_37 = arith.constant 0 : i32
        %dma_start3A_38 = tpu.memref_slice %arg8[%run_scoped3A_16, %dma_start3A_37] : memref<8x512xf32, #tpu.memory_space<vmem>> -> memref<1x512xf32, #tpu.memory_space<vmem>>
        %dma_start3A_39 = tpu.memref_squeeze %dma_start3A_38 : memref<1x512xf32, #tpu.memory_space<vmem>> -> memref<512xf32, #tpu.memory_space<vmem>>
        %dma_start3A_40 = tpu.memref_slice %arg9[%run_scoped3A_15, %multiple_of3A] : memref<8x4096xf32, #tpu.memory_space<vmem_shared>> -> memref<1x512xf32, #tpu.memory_space<vmem_shared>>
        %dma_start3A_41 = tpu.memref_squeeze %dma_start3A_40 : memref<1x512xf32, #tpu.memory_space<vmem_shared>> -> memref<512xf32, #tpu.memory_space<vmem_shared>>
        tpu.enqueue_dma source(%dma_start3A_41 : memref<512xf32, #tpu.memory_space<vmem_shared>>) target(%dma_start3A_39 : memref<512xf32, #tpu.memory_space<vmem>>) target_semaphore(%run_scoped3A_32 : memref<!tpu.dma_semaphore, #tpu.memory_space<semaphore_mem>>)
        %dma_wait3A = arith.constant 0 : i32
        %dma_wait3A_42 = tpu.memref_slice %arg8[%run_scoped3A_16, %dma_wait3A] : memref<8x512xf32, #tpu.memory_space<vmem>> -> memref<1x512xf32, #tpu.memory_space<vmem>>
        %dma_wait3A_43 = tpu.memref_squeeze %dma_wait3A_42 : memref<1x512xf32, #tpu.memory_space<vmem>> -> memref<512xf32, #tpu.memory_space<vmem>>
        %dma_wait3A_44 = tpu.memref_slice %arg9[%run_scoped3A_15, %multiple_of3A] : memref<8x4096xf32, #tpu.memory_space<vmem_shared>> -> memref<1x512xf32, #tpu.memory_space<vmem_shared>>
        %dma_wait3A_45 = tpu.memref_squeeze %dma_wait3A_44 : memref<1x512xf32, #tpu.memory_space<vmem_shared>> -> memref<512xf32, #tpu.memory_space<vmem_shared>>
        %dma_wait3A_46 = arith.constant 0 : i32
        %dma_wait3A_47 = tpu.memref_slice %arg8[%run_scoped3A_16, %dma_wait3A_46] : memref<8x512xf32, #tpu.memory_space<vmem>> -> memref<1x512xf32, #tpu.memory_space<vmem>>
        %dma_wait3A_48 = tpu.memref_squeeze %dma_wait3A_47 : memref<1x512xf32, #tpu.memory_space<vmem>> -> memref<512xf32, #tpu.memory_space<vmem>>
        %dma_wait3A_49 = tpu.memref_slice %arg9[%run_scoped3A_15, %multiple_of3A] : memref<8x4096xf32, #tpu.memory_space<vmem_shared>> -> memref<1x512xf32, #tpu.memory_space<vmem_shared>>
        %dma_wait3A_50 = tpu.memref_squeeze %dma_wait3A_49 : memref<1x512xf32, #tpu.memory_space<vmem_shared>> -> memref<512xf32, #tpu.memory_space<vmem_shared>>
        tpu.wait_dma2 semaphore(%run_scoped3A_32 : memref<!tpu.dma_semaphore, #tpu.memory_space<semaphore_mem>>) src(%dma_wait3A_50 : memref<512xf32, #tpu.memory_space<vmem_shared>>) dst(%dma_wait3A_48 : memref<512xf32, #tpu.memory_space<vmem>>)
        tpu.yield
      }) : () -> ()
      %run_scoped3A_17 = arith.constant 3 : i32
      %run_scoped3A_18 = arith.constant 3 : i32
      "tpu.region"() ({
        %run_scoped3A_32 = tpu.sem_alloc : memref<!tpu.dma_semaphore, #tpu.memory_space<semaphore_mem>>
        %dma_start3A = arith.constant 0 : i32
        %dma_start3A_33 = tpu.memref_slice %arg8[%run_scoped3A_18, %dma_start3A] : memref<8x512xf32, #tpu.memory_space<vmem>> -> memref<1x512xf32, #tpu.memory_space<vmem>>
        %dma_start3A_34 = tpu.memref_squeeze %dma_start3A_33 : memref<1x512xf32, #tpu.memory_space<vmem>> -> memref<512xf32, #tpu.memory_space<vmem>>
        %dma_start3A_35 = tpu.memref_slice %arg9[%run_scoped3A_17, %multiple_of3A] : memref<8x4096xf32, #tpu.memory_space<vmem_shared>> -> memref<1x512xf32, #tpu.memory_space<vmem_shared>>
        %dma_start3A_36 = tpu.memref_squeeze %dma_start3A_35 : memref<1x512xf32, #tpu.memory_space<vmem_shared>> -> memref<512xf32, #tpu.memory_space<vmem_shared>>
        %dma_start3A_37 = arith.constant 0 : i32
        %dma_start3A_38 = tpu.memref_slice %arg8[%run_scoped3A_18, %dma_start3A_37] : memref<8x512xf32, #tpu.memory_space<vmem>> -> memref<1x512xf32, #tpu.memory_space<vmem>>
        %dma_start3A_39 = tpu.memref_squeeze %dma_start3A_38 : memref<1x512xf32, #tpu.memory_space<vmem>> -> memref<512xf32, #tpu.memory_space<vmem>>
        %dma_start3A_40 = tpu.memref_slice %arg9[%run_scoped3A_17, %multiple_of3A] : memref<8x4096xf32, #tpu.memory_space<vmem_shared>> -> memref<1x512xf32, #tpu.memory_space<vmem_shared>>
        %dma_start3A_41 = tpu.memref_squeeze %dma_start3A_40 : memref<1x512xf32, #tpu.memory_space<vmem_shared>> -> memref<512xf32, #tpu.memory_space<vmem_shared>>
        tpu.enqueue_dma source(%dma_start3A_41 : memref<512xf32, #tpu.memory_space<vmem_shared>>) target(%dma_start3A_39 : memref<512xf32, #tpu.memory_space<vmem>>) target_semaphore(%run_scoped3A_32 : memref<!tpu.dma_semaphore, #tpu.memory_space<semaphore_mem>>)
        %dma_wait3A = arith.constant 0 : i32
        %dma_wait3A_42 = tpu.memref_slice %arg8[%run_scoped3A_18, %dma_wait3A] : memref<8x512xf32, #tpu.memory_space<vmem>> -> memref<1x512xf32, #tpu.memory_space<vmem>>
        %dma_wait3A_43 = tpu.memref_squeeze %dma_wait3A_42 : memref<1x512xf32, #tpu.memory_space<vmem>> -> memref<512xf32, #tpu.memory_space<vmem>>
        %dma_wait3A_44 = tpu.memref_slice %arg9[%run_scoped3A_17, %multiple_of3A] : memref<8x4096xf32, #tpu.memory_space<vmem_shared>> -> memref<1x512xf32, #tpu.memory_space<vmem_shared>>
        %dma_wait3A_45 = tpu.memref_squeeze %dma_wait3A_44 : memref<1x512xf32, #tpu.memory_space<vmem_shared>> -> memref<512xf32, #tpu.memory_space<vmem_shared>>
        %dma_wait3A_46 = arith.constant 0 : i32
        %dma_wait3A_47 = tpu.memref_slice %arg8[%run_scoped3A_18, %dma_wait3A_46] : memref<8x512xf32, #tpu.memory_space<vmem>> -> memref<1x512xf32, #tpu.memory_space<vmem>>
        %dma_wait3A_48 = tpu.memref_squeeze %dma_wait3A_47 : memref<1x512xf32, #tpu.memory_space<vmem>> -> memref<512xf32, #tpu.memory_space<vmem>>
        %dma_wait3A_49 = tpu.memref_slice %arg9[%run_scoped3A_17, %multiple_of3A] : memref<8x4096xf32, #tpu.memory_space<vmem_shared>> -> memref<1x512xf32, #tpu.memory_space<vmem_shared>>
        %dma_wait3A_50 = tpu.memref_squeeze %dma_wait3A_49 : memref<1x512xf32, #tpu.memory_space<vmem_shared>> -> memref<512xf32, #tpu.memory_space<vmem_shared>>
        tpu.wait_dma2 semaphore(%run_scoped3A_32 : memref<!tpu.dma_semaphore, #tpu.memory_space<semaphore_mem>>) src(%dma_wait3A_50 : memref<512xf32, #tpu.memory_space<vmem_shared>>) dst(%dma_wait3A_48 : memref<512xf32, #tpu.memory_space<vmem>>)
        tpu.yield
      }) : () -> ()
      %run_scoped3A_19 = arith.constant 4 : i32
      %run_scoped3A_20 = arith.constant 4 : i32
      "tpu.region"() ({
        %run_scoped3A_32 = tpu.sem_alloc : memref<!tpu.dma_semaphore, #tpu.memory_space<semaphore_mem>>
        %dma_start3A = arith.constant 0 : i32
        %dma_start3A_33 = tpu.memref_slice %arg8[%run_scoped3A_20, %dma_start3A] : memref<8x512xf32, #tpu.memory_space<vmem>> -> memref<1x512xf32, #tpu.memory_space<vmem>>
        %dma_start3A_34 = tpu.memref_squeeze %dma_start3A_33 : memref<1x512xf32, #tpu.memory_space<vmem>> -> memref<512xf32, #tpu.memory_space<vmem>>
        %dma_start3A_35 = tpu.memref_slice %arg9[%run_scoped3A_19, %multiple_of3A] : memref<8x4096xf32, #tpu.memory_space<vmem_shared>> -> memref<1x512xf32, #tpu.memory_space<vmem_shared>>
        %dma_start3A_36 = tpu.memref_squeeze %dma_start3A_35 : memref<1x512xf32, #tpu.memory_space<vmem_shared>> -> memref<512xf32, #tpu.memory_space<vmem_shared>>
        %dma_start3A_37 = arith.constant 0 : i32
        %dma_start3A_38 = tpu.memref_slice %arg8[%run_scoped3A_20, %dma_start3A_37] : memref<8x512xf32, #tpu.memory_space<vmem>> -> memref<1x512xf32, #tpu.memory_space<vmem>>
        %dma_start3A_39 = tpu.memref_squeeze %dma_start3A_38 : memref<1x512xf32, #tpu.memory_space<vmem>> -> memref<512xf32, #tpu.memory_space<vmem>>
        %dma_start3A_40 = tpu.memref_slice %arg9[%run_scoped3A_19, %multiple_of3A] : memref<8x4096xf32, #tpu.memory_space<vmem_shared>> -> memref<1x512xf32, #tpu.memory_space<vmem_shared>>
        %dma_start3A_41 = tpu.memref_squeeze %dma_start3A_40 : memref<1x512xf32, #tpu.memory_space<vmem_shared>> -> memref<512xf32, #tpu.memory_space<vmem_shared>>
        tpu.enqueue_dma source(%dma_start3A_41 : memref<512xf32, #tpu.memory_space<vmem_shared>>) target(%dma_start3A_39 : memref<512xf32, #tpu.memory_space<vmem>>) target_semaphore(%run_scoped3A_32 : memref<!tpu.dma_semaphore, #tpu.memory_space<semaphore_mem>>)
        %dma_wait3A = arith.constant 0 : i32
        %dma_wait3A_42 = tpu.memref_slice %arg8[%run_scoped3A_20, %dma_wait3A] : memref<8x512xf32, #tpu.memory_space<vmem>> -> memref<1x512xf32, #tpu.memory_space<vmem>>
        %dma_wait3A_43 = tpu.memref_squeeze %dma_wait3A_42 : memref<1x512xf32, #tpu.memory_space<vmem>> -> memref<512xf32, #tpu.memory_space<vmem>>
        %dma_wait3A_44 = tpu.memref_slice %arg9[%run_scoped3A_19, %multiple_of3A] : memref<8x4096xf32, #tpu.memory_space<vmem_shared>> -> memref<1x512xf32, #tpu.memory_space<vmem_shared>>
        %dma_wait3A_45 = tpu.memref_squeeze %dma_wait3A_44 : memref<1x512xf32, #tpu.memory_space<vmem_shared>> -> memref<512xf32, #tpu.memory_space<vmem_shared>>
        %dma_wait3A_46 = arith.constant 0 : i32
        %dma_wait3A_47 = tpu.memref_slice %arg8[%run_scoped3A_20, %dma_wait3A_46] : memref<8x512xf32, #tpu.memory_space<vmem>> -> memref<1x512xf32, #tpu.memory_space<vmem>>
        %dma_wait3A_48 = tpu.memref_squeeze %dma_wait3A_47 : memref<1x512xf32, #tpu.memory_space<vmem>> -> memref<512xf32, #tpu.memory_space<vmem>>
        %dma_wait3A_49 = tpu.memref_slice %arg9[%run_scoped3A_19, %multiple_of3A] : memref<8x4096xf32, #tpu.memory_space<vmem_shared>> -> memref<1x512xf32, #tpu.memory_space<vmem_shared>>
        %dma_wait3A_50 = tpu.memref_squeeze %dma_wait3A_49 : memref<1x512xf32, #tpu.memory_space<vmem_shared>> -> memref<512xf32, #tpu.memory_space<vmem_shared>>
        tpu.wait_dma2 semaphore(%run_scoped3A_32 : memref<!tpu.dma_semaphore, #tpu.memory_space<semaphore_mem>>) src(%dma_wait3A_50 : memref<512xf32, #tpu.memory_space<vmem_shared>>) dst(%dma_wait3A_48 : memref<512xf32, #tpu.memory_space<vmem>>)
        tpu.yield
      }) : () -> ()
      %run_scoped3A_21 = arith.constant 5 : i32
      %run_scoped3A_22 = arith.constant 5 : i32
      "tpu.region"() ({
        %run_scoped3A_32 = tpu.sem_alloc : memref<!tpu.dma_semaphore, #tpu.memory_space<semaphore_mem>>
        %dma_start3A = arith.constant 0 : i32
        %dma_start3A_33 = tpu.memref_slice %arg8[%run_scoped3A_22, %dma_start3A] : memref<8x512xf32, #tpu.memory_space<vmem>> -> memref<1x512xf32, #tpu.memory_space<vmem>>
        %dma_start3A_34 = tpu.memref_squeeze %dma_start3A_33 : memref<1x512xf32, #tpu.memory_space<vmem>> -> memref<512xf32, #tpu.memory_space<vmem>>
        %dma_start3A_35 = tpu.memref_slice %arg9[%run_scoped3A_21, %multiple_of3A] : memref<8x4096xf32, #tpu.memory_space<vmem_shared>> -> memref<1x512xf32, #tpu.memory_space<vmem_shared>>
        %dma_start3A_36 = tpu.memref_squeeze %dma_start3A_35 : memref<1x512xf32, #tpu.memory_space<vmem_shared>> -> memref<512xf32, #tpu.memory_space<vmem_shared>>
        %dma_start3A_37 = arith.constant 0 : i32
        %dma_start3A_38 = tpu.memref_slice %arg8[%run_scoped3A_22, %dma_start3A_37] : memref<8x512xf32, #tpu.memory_space<vmem>> -> memref<1x512xf32, #tpu.memory_space<vmem>>
        %dma_start3A_39 = tpu.memref_squeeze %dma_start3A_38 : memref<1x512xf32, #tpu.memory_space<vmem>> -> memref<512xf32, #tpu.memory_space<vmem>>
        %dma_start3A_40 = tpu.memref_slice %arg9[%run_scoped3A_21, %multiple_of3A] : memref<8x4096xf32, #tpu.memory_space<vmem_shared>> -> memref<1x512xf32, #tpu.memory_space<vmem_shared>>
        %dma_start3A_41 = tpu.memref_squeeze %dma_start3A_40 : memref<1x512xf32, #tpu.memory_space<vmem_shared>> -> memref<512xf32, #tpu.memory_space<vmem_shared>>
        tpu.enqueue_dma source(%dma_start3A_41 : memref<512xf32, #tpu.memory_space<vmem_shared>>) target(%dma_start3A_39 : memref<512xf32, #tpu.memory_space<vmem>>) target_semaphore(%run_scoped3A_32 : memref<!tpu.dma_semaphore, #tpu.memory_space<semaphore_mem>>)
        %dma_wait3A = arith.constant 0 : i32
        %dma_wait3A_42 = tpu.memref_slice %arg8[%run_scoped3A_22, %dma_wait3A] : memref<8x512xf32, #tpu.memory_space<vmem>> -> memref<1x512xf32, #tpu.memory_space<vmem>>
        %dma_wait3A_43 = tpu.memref_squeeze %dma_wait3A_42 : memref<1x512xf32, #tpu.memory_space<vmem>> -> memref<512xf32, #tpu.memory_space<vmem>>
        %dma_wait3A_44 = tpu.memref_slice %arg9[%run_scoped3A_21, %multiple_of3A] : memref<8x4096xf32, #tpu.memory_space<vmem_shared>> -> memref<1x512xf32, #tpu.memory_space<vmem_shared>>
        %dma_wait3A_45 = tpu.memref_squeeze %dma_wait3A_44 : memref<1x512xf32, #tpu.memory_space<vmem_shared>> -> memref<512xf32, #tpu.memory_space<vmem_shared>>
        %dma_wait3A_46 = arith.constant 0 : i32
        %dma_wait3A_47 = tpu.memref_slice %arg8[%run_scoped3A_22, %dma_wait3A_46] : memref<8x512xf32, #tpu.memory_space<vmem>> -> memref<1x512xf32, #tpu.memory_space<vmem>>
        %dma_wait3A_48 = tpu.memref_squeeze %dma_wait3A_47 : memref<1x512xf32, #tpu.memory_space<vmem>> -> memref<512xf32, #tpu.memory_space<vmem>>
        %dma_wait3A_49 = tpu.memref_slice %arg9[%run_scoped3A_21, %multiple_of3A] : memref<8x4096xf32, #tpu.memory_space<vmem_shared>> -> memref<1x512xf32, #tpu.memory_space<vmem_shared>>
        %dma_wait3A_50 = tpu.memref_squeeze %dma_wait3A_49 : memref<1x512xf32, #tpu.memory_space<vmem_shared>> -> memref<512xf32, #tpu.memory_space<vmem_shared>>
        tpu.wait_dma2 semaphore(%run_scoped3A_32 : memref<!tpu.dma_semaphore, #tpu.memory_space<semaphore_mem>>) src(%dma_wait3A_50 : memref<512xf32, #tpu.memory_space<vmem_shared>>) dst(%dma_wait3A_48 : memref<512xf32, #tpu.memory_space<vmem>>)
        tpu.yield
      }) : () -> ()
      %run_scoped3A_23 = arith.constant 6 : i32
      %run_scoped3A_24 = arith.constant 6 : i32
      "tpu.region"() ({
        %run_scoped3A_32 = tpu.sem_alloc : memref<!tpu.dma_semaphore, #tpu.memory_space<semaphore_mem>>
        %dma_start3A = arith.constant 0 : i32
        %dma_start3A_33 = tpu.memref_slice %arg8[%run_scoped3A_24, %dma_start3A] : memref<8x512xf32, #tpu.memory_space<vmem>> -> memref<1x512xf32, #tpu.memory_space<vmem>>
        %dma_start3A_34 = tpu.memref_squeeze %dma_start3A_33 : memref<1x512xf32, #tpu.memory_space<vmem>> -> memref<512xf32, #tpu.memory_space<vmem>>
        %dma_start3A_35 = tpu.memref_slice %arg9[%run_scoped3A_23, %multiple_of3A] : memref<8x4096xf32, #tpu.memory_space<vmem_shared>> -> memref<1x512xf32, #tpu.memory_space<vmem_shared>>
        %dma_start3A_36 = tpu.memref_squeeze %dma_start3A_35 : memref<1x512xf32, #tpu.memory_space<vmem_shared>> -> memref<512xf32, #tpu.memory_space<vmem_shared>>
        %dma_start3A_37 = arith.constant 0 : i32
        %dma_start3A_38 = tpu.memref_slice %arg8[%run_scoped3A_24, %dma_start3A_37] : memref<8x512xf32, #tpu.memory_space<vmem>> -> memref<1x512xf32, #tpu.memory_space<vmem>>
        %dma_start3A_39 = tpu.memref_squeeze %dma_start3A_38 : memref<1x512xf32, #tpu.memory_space<vmem>> -> memref<512xf32, #tpu.memory_space<vmem>>
        %dma_start3A_40 = tpu.memref_slice %arg9[%run_scoped3A_23, %multiple_of3A] : memref<8x4096xf32, #tpu.memory_space<vmem_shared>> -> memref<1x512xf32, #tpu.memory_space<vmem_shared>>
        %dma_start3A_41 = tpu.memref_squeeze %dma_start3A_40 : memref<1x512xf32, #tpu.memory_space<vmem_shared>> -> memref<512xf32, #tpu.memory_space<vmem_shared>>
        tpu.enqueue_dma source(%dma_start3A_41 : memref<512xf32, #tpu.memory_space<vmem_shared>>) target(%dma_start3A_39 : memref<512xf32, #tpu.memory_space<vmem>>) target_semaphore(%run_scoped3A_32 : memref<!tpu.dma_semaphore, #tpu.memory_space<semaphore_mem>>)
        %dma_wait3A = arith.constant 0 : i32
        %dma_wait3A_42 = tpu.memref_slice %arg8[%run_scoped3A_24, %dma_wait3A] : memref<8x512xf32, #tpu.memory_space<vmem>> -> memref<1x512xf32, #tpu.memory_space<vmem>>
        %dma_wait3A_43 = tpu.memref_squeeze %dma_wait3A_42 : memref<1x512xf32, #tpu.memory_space<vmem>> -> memref<512xf32, #tpu.memory_space<vmem>>
        %dma_wait3A_44 = tpu.memref_slice %arg9[%run_scoped3A_23, %multiple_of3A] : memref<8x4096xf32, #tpu.memory_space<vmem_shared>> -> memref<1x512xf32, #tpu.memory_space<vmem_shared>>
        %dma_wait3A_45 = tpu.memref_squeeze %dma_wait3A_44 : memref<1x512xf32, #tpu.memory_space<vmem_shared>> -> memref<512xf32, #tpu.memory_space<vmem_shared>>
        %dma_wait3A_46 = arith.constant 0 : i32
        %dma_wait3A_47 = tpu.memref_slice %arg8[%run_scoped3A_24, %dma_wait3A_46] : memref<8x512xf32, #tpu.memory_space<vmem>> -> memref<1x512xf32, #tpu.memory_space<vmem>>
        %dma_wait3A_48 = tpu.memref_squeeze %dma_wait3A_47 : memref<1x512xf32, #tpu.memory_space<vmem>> -> memref<512xf32, #tpu.memory_space<vmem>>
        %dma_wait3A_49 = tpu.memref_slice %arg9[%run_scoped3A_23, %multiple_of3A] : memref<8x4096xf32, #tpu.memory_space<vmem_shared>> -> memref<1x512xf32, #tpu.memory_space<vmem_shared>>
        %dma_wait3A_50 = tpu.memref_squeeze %dma_wait3A_49 : memref<1x512xf32, #tpu.memory_space<vmem_shared>> -> memref<512xf32, #tpu.memory_space<vmem_shared>>
        tpu.wait_dma2 semaphore(%run_scoped3A_32 : memref<!tpu.dma_semaphore, #tpu.memory_space<semaphore_mem>>) src(%dma_wait3A_50 : memref<512xf32, #tpu.memory_space<vmem_shared>>) dst(%dma_wait3A_48 : memref<512xf32, #tpu.memory_space<vmem>>)
        tpu.yield
      }) : () -> ()
      %run_scoped3A_25 = arith.constant 7 : i32
      %run_scoped3A_26 = arith.constant 7 : i32
      "tpu.region"() ({
        %run_scoped3A_32 = tpu.sem_alloc : memref<!tpu.dma_semaphore, #tpu.memory_space<semaphore_mem>>
        %dma_start3A = arith.constant 0 : i32
        %dma_start3A_33 = tpu.memref_slice %arg8[%run_scoped3A_26, %dma_start3A] : memref<8x512xf32, #tpu.memory_space<vmem>> -> memref<1x512xf32, #tpu.memory_space<vmem>>
        %dma_start3A_34 = tpu.memref_squeeze %dma_start3A_33 : memref<1x512xf32, #tpu.memory_space<vmem>> -> memref<512xf32, #tpu.memory_space<vmem>>
        %dma_start3A_35 = tpu.memref_slice %arg9[%run_scoped3A_25, %multiple_of3A] : memref<8x4096xf32, #tpu.memory_space<vmem_shared>> -> memref<1x512xf32, #tpu.memory_space<vmem_shared>>
        %dma_start3A_36 = tpu.memref_squeeze %dma_start3A_35 : memref<1x512xf32, #tpu.memory_space<vmem_shared>> -> memref<512xf32, #tpu.memory_space<vmem_shared>>
        %dma_start3A_37 = arith.constant 0 : i32
        %dma_start3A_38 = tpu.memref_slice %arg8[%run_scoped3A_26, %dma_start3A_37] : memref<8x512xf32, #tpu.memory_space<vmem>> -> memref<1x512xf32, #tpu.memory_space<vmem>>
        %dma_start3A_39 = tpu.memref_squeeze %dma_start3A_38 : memref<1x512xf32, #tpu.memory_space<vmem>> -> memref<512xf32, #tpu.memory_space<vmem>>
        %dma_start3A_40 = tpu.memref_slice %arg9[%run_scoped3A_25, %multiple_of3A] : memref<8x4096xf32, #tpu.memory_space<vmem_shared>> -> memref<1x512xf32, #tpu.memory_space<vmem_shared>>
        %dma_start3A_41 = tpu.memref_squeeze %dma_start3A_40 : memref<1x512xf32, #tpu.memory_space<vmem_shared>> -> memref<512xf32, #tpu.memory_space<vmem_shared>>
        tpu.enqueue_dma source(%dma_start3A_41 : memref<512xf32, #tpu.memory_space<vmem_shared>>) target(%dma_start3A_39 : memref<512xf32, #tpu.memory_space<vmem>>) target_semaphore(%run_scoped3A_32 : memref<!tpu.dma_semaphore, #tpu.memory_space<semaphore_mem>>)
        %dma_wait3A = arith.constant 0 : i32
        %dma_wait3A_42 = tpu.memref_slice %arg8[%run_scoped3A_26, %dma_wait3A] : memref<8x512xf32, #tpu.memory_space<vmem>> -> memref<1x512xf32, #tpu.memory_space<vmem>>
        %dma_wait3A_43 = tpu.memref_squeeze %dma_wait3A_42 : memref<1x512xf32, #tpu.memory_space<vmem>> -> memref<512xf32, #tpu.memory_space<vmem>>
        %dma_wait3A_44 = tpu.memref_slice %arg9[%run_scoped3A_25, %multiple_of3A] : memref<8x4096xf32, #tpu.memory_space<vmem_shared>> -> memref<1x512xf32, #tpu.memory_space<vmem_shared>>
        %dma_wait3A_45 = tpu.memref_squeeze %dma_wait3A_44 : memref<1x512xf32, #tpu.memory_space<vmem_shared>> -> memref<512xf32, #tpu.memory_space<vmem_shared>>
        %dma_wait3A_46 = arith.constant 0 : i32
        %dma_wait3A_47 = tpu.memref_slice %arg8[%run_scoped3A_26, %dma_wait3A_46] : memref<8x512xf32, #tpu.memory_space<vmem>> -> memref<1x512xf32, #tpu.memory_space<vmem>>
        %dma_wait3A_48 = tpu.memref_squeeze %dma_wait3A_47 : memref<1x512xf32, #tpu.memory_space<vmem>> -> memref<512xf32, #tpu.memory_space<vmem>>
        %dma_wait3A_49 = tpu.memref_slice %arg9[%run_scoped3A_25, %multiple_of3A] : memref<8x4096xf32, #tpu.memory_space<vmem_shared>> -> memref<1x512xf32, #tpu.memory_space<vmem_shared>>
        %dma_wait3A_50 = tpu.memref_squeeze %dma_wait3A_49 : memref<1x512xf32, #tpu.memory_space<vmem_shared>> -> memref<512xf32, #tpu.memory_space<vmem_shared>>
        tpu.wait_dma2 semaphore(%run_scoped3A_32 : memref<!tpu.dma_semaphore, #tpu.memory_space<semaphore_mem>>) src(%dma_wait3A_50 : memref<512xf32, #tpu.memory_space<vmem_shared>>) dst(%dma_wait3A_48 : memref<512xf32, #tpu.memory_space<vmem>>)
        tpu.yield
      }) : () -> ()
      %scan3A = arith.constant 0 : i32
      %scan3A_27 = arith.constant 0 : i32
      %scan3A_28 = arith.constant 32 : i32
      %scan3A_29 = arith.addi %scan3A_27, %scan3A_28 : i32
      %scan3A_30 = arith.constant 1 : i32
      scf.for %scan3A_32 = %scan3A_27 to %scan3A_29 step %scan3A_30  : i32 {
        %mul3A_33 = arith.constant 16 : i32
        %mul3A_34 = arith.muli %scan3A_32, %mul3A_33 : i32
        %multiple_of3A_35 = tpu.assume_multiple %mul3A_34, 16 : i32
        %get3A = arith.constant 0 : i32
        %get3A_36 = arith.index_cast %get3A : i32 to index
        %get3A_37 = arith.index_cast %multiple_of3A_35 : i32 to index
        %get3A_38 = tpu.vector_load %arg8[%get3A_36, %get3A_37] {strides = array<i32>} : memref<8x512xf32, #tpu.memory_space<vmem>>, vector<1x16xf32>,
        %get3A_39 = vector.shape_cast %get3A_38 : vector<1x16xf32> to vector<16xf32>
        %get3A_40 = arith.constant 1 : i32
        %get3A_41 = arith.index_cast %get3A_40 : i32 to index
        %get3A_42 = arith.index_cast %multiple_of3A_35 : i32 to index
        %get3A_43 = tpu.vector_load %arg8[%get3A_41, %get3A_42] {strides = array<i32>} : memref<8x512xf32, #tpu.memory_space<vmem>>, vector<1x16xf32>,
        %get3A_44 = vector.shape_cast %get3A_43 : vector<1x16xf32> to vector<16xf32>
        %add3A = arith.addf %get3A_39, %get3A_44 : vector<16xf32>
        %get3A_45 = arith.constant 2 : i32
        %get3A_46 = arith.index_cast %get3A_45 : i32 to index
        %get3A_47 = arith.index_cast %multiple_of3A_35 : i32 to index
        %get3A_48 = tpu.vector_load %arg8[%get3A_46, %get3A_47] {strides = array<i32>} : memref<8x512xf32, #tpu.memory_space<vmem>>, vector<1x16xf32>,
        %get3A_49 = vector.shape_cast %get3A_48 : vector<1x16xf32> to vector<16xf32>
        %add3A_50 = arith.addf %add3A, %get3A_49 : vector<16xf32>
        %get3A_51 = arith.constant 3 : i32
        %get3A_52 = arith.index_cast %get3A_51 : i32 to index
        %get3A_53 = arith.index_cast %multiple_of3A_35 : i32 to index
        %get3A_54 = tpu.vector_load %arg8[%get3A_52, %get3A_53] {strides = array<i32>} : memref<8x512xf32, #tpu.memory_space<vmem>>, vector<1x16xf32>,
        %get3A_55 = vector.shape_cast %get3A_54 : vector<1x16xf32> to vector<16xf32>
        %add3A_56 = arith.addf %add3A_50, %get3A_55 : vector<16xf32>
        %get3A_57 = arith.constant 4 : i32
        %get3A_58 = arith.index_cast %get3A_57 : i32 to index
        %get3A_59 = arith.index_cast %multiple_of3A_35 : i32 to index
        %get3A_60 = tpu.vector_load %arg8[%get3A_58, %get3A_59] {strides = array<i32>} : memref<8x512xf32, #tpu.memory_space<vmem>>, vector<1x16xf32>,
        %get3A_61 = vector.shape_cast %get3A_60 : vector<1x16xf32> to vector<16xf32>
        %add3A_62 = arith.addf %add3A_56, %get3A_61 : vector<16xf32>
        %get3A_63 = arith.constant 5 : i32
        %get3A_64 = arith.index_cast %get3A_63 : i32 to index
        %get3A_65 = arith.index_cast %multiple_of3A_35 : i32 to index
        %get3A_66 = tpu.vector_load %arg8[%get3A_64, %get3A_65] {strides = array<i32>} : memref<8x512xf32, #tpu.memory_space<vmem>>, vector<1x16xf32>,
        %get3A_67 = vector.shape_cast %get3A_66 : vector<1x16xf32> to vector<16xf32>
        %add3A_68 = arith.addf %add3A_62, %get3A_67 : vector<16xf32>
        %get3A_69 = arith.constant 6 : i32
        %get3A_70 = arith.index_cast %get3A_69 : i32 to index
        %get3A_71 = arith.index_cast %multiple_of3A_35 : i32 to index
        %get3A_72 = tpu.vector_load %arg8[%get3A_70, %get3A_71] {strides = array<i32>} : memref<8x512xf32, #tpu.memory_space<vmem>>, vector<1x16xf32>,
        %get3A_73 = vector.shape_cast %get3A_72 : vector<1x16xf32> to vector<16xf32>
        %add3A_74 = arith.addf %add3A_68, %get3A_73 : vector<16xf32>
        %get3A_75 = arith.constant 7 : i32
        %get3A_76 = arith.index_cast %get3A_75 : i32 to index
        %get3A_77 = arith.index_cast %multiple_of3A_35 : i32 to index
        %get3A_78 = tpu.vector_load %arg8[%get3A_76, %get3A_77] {strides = array<i32>} : memref<8x512xf32, #tpu.memory_space<vmem>>, vector<1x16xf32>,
        %get3A_79 = vector.shape_cast %get3A_78 : vector<1x16xf32> to vector<16xf32>
        %add3A_80 = arith.addf %add3A_74, %get3A_79 : vector<16xf32>
        %swap3A = arith.index_cast %multiple_of3A_35 : i32 to index
        %swap3A_81 = tpu.vector_load %arg7[%swap3A] {strides = array<i32>} : memref<4096xf32, #tpu.memory_space<vmem>>, vector<16xf32>,
        %swap3A_82 = vector.shape_cast %swap3A_81 : vector<16xf32> to vector<16xf32>
        %swap3A_83 = vector.shape_cast %add3A_80 : vector<16xf32> to vector<16xf32>
        tpu.vector_store %arg7[%swap3A], %swap3A_83 {strides = array<i32>} : memref<4096xf32, #tpu.memory_space<vmem>>, vector<16xf32>,
      }
      %scan3A_31 = arith.constant 32 : i32
      "tpu.region"() ({
        %run_scoped3A_32 = tpu.sem_alloc : memref<!tpu.dma_semaphore, #tpu.memory_space<semaphore_mem>>
        %dma_start3A = arith.constant 0 : i32
        %dma_start3A_33 = tpu.memref_slice %arg7[%dma_start3A] : memref<4096xf32, #tpu.memory_space<vmem>> -> memref<512xf32, #tpu.memory_space<vmem>>
        %dma_start3A_34 = tpu.memref_slice %arg4[%multiple_of3A] : memref<4096xf32, #tpu.memory_space<hbm>> -> memref<512xf32, #tpu.memory_space<hbm>>
        %dma_start3A_35 = tpu.memref_slice %arg4[%multiple_of3A] : memref<4096xf32, #tpu.memory_space<hbm>> -> memref<512xf32, #tpu.memory_space<hbm>>
        %dma_start3A_36 = arith.constant 0 : i32
        %dma_start3A_37 = tpu.memref_slice %arg7[%dma_start3A_36] : memref<4096xf32, #tpu.memory_space<vmem>> -> memref<512xf32, #tpu.memory_space<vmem>>
        tpu.enqueue_dma source(%dma_start3A_37 : memref<512xf32, #tpu.memory_space<vmem>>) target(%dma_start3A_35 : memref<512xf32, #tpu.memory_space<hbm>>) target_semaphore(%run_scoped3A_32 : memref<!tpu.dma_semaphore, #tpu.memory_space<semaphore_mem>>)
        %dma_wait3A = arith.constant 0 : i32
        %dma_wait3A_38 = tpu.memref_slice %arg7[%dma_wait3A] : memref<4096xf32, #tpu.memory_space<vmem>> -> memref<512xf32, #tpu.memory_space<vmem>>
        %dma_wait3A_39 = tpu.memref_slice %arg4[%multiple_of3A] : memref<4096xf32, #tpu.memory_space<hbm>> -> memref<512xf32, #tpu.memory_space<hbm>>
        %dma_wait3A_40 = tpu.memref_slice %arg4[%multiple_of3A] : memref<4096xf32, #tpu.memory_space<hbm>> -> memref<512xf32, #tpu.memory_space<hbm>>
        %dma_wait3A_41 = arith.constant 0 : i32
        %dma_wait3A_42 = tpu.memref_slice %arg7[%dma_wait3A_41] : memref<4096xf32, #tpu.memory_space<vmem>> -> memref<512xf32, #tpu.memory_space<vmem>>
        tpu.wait_dma2 semaphore(%run_scoped3A_32 : memref<!tpu.dma_semaphore, #tpu.memory_space<semaphore_mem>>) src(%dma_wait3A_42 : memref<512xf32, #tpu.memory_space<vmem>>) dst(%dma_wait3A_40 : memref<512xf32, #tpu.memory_space<hbm>>)
        tpu.yield
      }) : () -> ()
    } else {
    }
    return
  }
}

module attributes {stable_mosaic.version = 14 : i64} {
  func.func @_softmax_body(%arg0: memref<4096x1024xf32, #tpu.memory_space<vmem>>, %arg1: memref<1024x8xf32, #tpu.memory_space<vmem>>, %arg2: memref<8x1xf32, #tpu.memory_space<vmem>>, %arg3: memref<8x4096xf32, #tpu.memory_space<vmem>>, %arg4: memref<8x4096xf32, #tpu.memory_space<vmem>>, %arg5: memref<8x4096xi32, #tpu.memory_space<vmem>>) attributes {dimension_semantics = [], scalar_prefetch = 0 : i64, scratch_operands = 0 : i64, tpu.core_type = #tpu.core_type<tc>} {
    %get3A = arith.constant 0 : index
    %get3A_0 = arith.constant 0 : index
    %get3A_1 = vector.load %arg1[%get3A, %get3A_0] : memref<1024x8xf32, #tpu.memory_space<vmem>>, vector<1024x8xf32>
    %get3A_2 = arith.constant 0 : index
    %get3A_3 = arith.constant 0 : index
    %get3A_4 = vector.load %arg0[%get3A_2, %get3A_3] : memref<4096x1024xf32, #tpu.memory_space<vmem>>, vector<4096x1024xf32>
    %dot_general3A = arith.constant dense<0.000000e+00> : vector<8x4096xf32>
    %dot_general3A_5 = tpu.matmul %get3A_1, %get3A_4, %dot_general3A {dimension_numbers = #tpu.dot_dimension_numbers<[0], [1], [1], [0], [0, 1, 1, 0], [], []>, transpose_lhs_hint = false} : vector<1024x8xf32>, vector<4096x1024xf32>, vector<8x4096xf32> -> vector<8x4096xf32>
    %get3A_6 = arith.constant 0 : index
    %get3A_7 = arith.constant 0 : index
    %get3A_8 = vector.load %arg2[%get3A_6, %get3A_7] : memref<8x1xf32, #tpu.memory_space<vmem>>, vector<8x1xf32>
    %add3A = vector.broadcast %get3A_8 : vector<8x1xf32> to vector<8x4096xf32>
    %add3A_9 = arith.addf %dot_general3A_5, %add3A : vector<8x4096xf32>
    %get3A_10 = arith.constant 0 : index
    %get3A_11 = arith.constant 0 : index
    %get3A_12 = vector.load %arg3[%get3A_10, %get3A_11] : memref<8x4096xf32, #tpu.memory_space<vmem>>, vector<8x4096xf32>
    %add3A_13 = arith.addf %add3A_9, %get3A_12 : vector<8x4096xf32>
    %reduce_max3A = arith.constant dense<0xFF800000> : vector<4096xf32>
    %reduce_max3A_14 = vector.multi_reduction <maximumf>, %add3A_13, %reduce_max3A [0] : vector<8x4096xf32> to vector<4096xf32>
    %broadcast_in_dim3A = vector.shape_cast %reduce_max3A_14 : vector<4096xf32> to vector<1x4096xf32>
    %sub3A = vector.broadcast %broadcast_in_dim3A : vector<1x4096xf32> to vector<8x4096xf32>
    %sub3A_15 = arith.subf %add3A_13, %sub3A : vector<8x4096xf32>
    %exp3A = math.exp %sub3A_15 : vector<8x4096xf32>
    %reduce_sum3A = arith.constant dense<0.000000e+00> : vector<4096xf32>
    %reduce_sum3A_16 = vector.multi_reduction <add>, %exp3A, %reduce_sum3A [0] : vector<8x4096xf32> to vector<4096xf32>
    %broadcast_in_dim3A_17 = vector.shape_cast %reduce_sum3A_16 : vector<4096xf32> to vector<1x4096xf32>
    %div3A = vector.broadcast %broadcast_in_dim3A_17 : vector<1x4096xf32> to vector<8x4096xf32>
    %div3A_18 = arith.divf %exp3A, %div3A : vector<8x4096xf32>
    %swap3A = arith.constant 0 : index
    %swap3A_19 = arith.constant 0 : index
    %swap3A_20 = vector.load %arg4[%swap3A, %swap3A_19] : memref<8x4096xf32, #tpu.memory_space<vmem>>, vector<8x4096xf32>
    tpu.vector_store %arg4[%swap3A, %swap3A_19], %div3A_18 {strides = array<i32>} : memref<8x4096xf32, #tpu.memory_space<vmem>>, vector<8x4096xf32>,
    %bitcast_convert_type3A = tpu.bitcast %div3A_18 : vector<8x4096xf32> -> vector<8x4096xi32>
    %swap3A_21 = arith.constant 0 : index
    %swap3A_22 = arith.constant 0 : index
    %swap3A_23 = vector.load %arg5[%swap3A_21, %swap3A_22] : memref<8x4096xi32, #tpu.memory_space<vmem>>, vector<8x4096xi32>
    tpu.vector_store %arg5[%swap3A_21, %swap3A_22], %bitcast_convert_type3A {strides = array<i32>} : memref<8x4096xi32, #tpu.memory_space<vmem>>, vector<8x4096xi32>,
    return
  }
}

module attributes {stable_mosaic.version = 14 : i64} {
  func.func @_ffn_body(%arg0: i32, %arg1: memref<512x1024xf32, #tpu.memory_space<vmem>>, %arg2: memref<1024x2730xbf16, #tpu.memory_space<vmem>>, %arg3: memref<1024x2730xbf16, #tpu.memory_space<vmem>>, %arg4: memref<2730x1024xbf16, #tpu.memory_space<vmem>>, %arg5: memref<512x1xf32, #tpu.memory_space<vmem>>, %arg6: memref<512x1024xf32, #tpu.memory_space<vmem>>) attributes {dimension_semantics = [#tpu.dimension_semantics<arbitrary>], iteration_bounds = array<i64: 8>, scalar_prefetch = 0 : i64, scratch_operands = 0 : i64, tpu.core_type = #tpu.core_type<tc>, window_params = [{transform_indices = @transform_0, window_bounds = array<i64: 512, 1024>}, {pipeline_mode = #tpu.pipeline_mode<synchronous>, transform_indices = @transform_1, window_bounds = array<i64: 1024, 2730>}, {pipeline_mode = #tpu.pipeline_mode<synchronous>, transform_indices = @transform_2, window_bounds = array<i64: 1024, 2730>}, {pipeline_mode = #tpu.pipeline_mode<synchronous>, transform_indices = @transform_3, window_bounds = array<i64: 2730, 1024>}, {transform_indices = @transform_4, window_bounds = array<i64: 512, 1>}, {transform_indices = @transform_5, window_bounds = array<i64: 512, 1024>}]} {
    %get3A = arith.constant 0 : index
    %get3A_0 = arith.constant 0 : index
    %get3A_1 = vector.load %arg1[%get3A, %get3A_0] : memref<512x1024xf32, #tpu.memory_space<vmem>>, vector<512x1024xf32>
    %convert_element_type3A = arith.truncf %get3A_1 : vector<512x1024xf32> to vector<512x1024xbf16>
    %get3A_2 = arith.constant 0 : index
    %get3A_3 = arith.constant 0 : index
    %get3A_4 = vector.load %arg2[%get3A_2, %get3A_3] : memref<1024x2730xbf16, #tpu.memory_space<vmem>>, vector<1024x2730xbf16>
    %dot_general3A = arith.constant dense<0.000000e+00> : vector<512x2730xf32>
    %dot_general3A_5 = tpu.matmul %convert_element_type3A, %get3A_4, %dot_general3A {dimension_numbers = #tpu.dot_dimension_numbers<[1], [0], [0], [1], [0, 0, 1, 1], [], []>, transpose_lhs_hint = false} : vector<512x1024xbf16>, vector<1024x2730xbf16>, vector<512x2730xf32> -> vector<512x2730xf32>
    %get3A_6 = arith.constant 0 : index
    %get3A_7 = arith.constant 0 : index
    %get3A_8 = vector.load %arg3[%get3A_6, %get3A_7] : memref<1024x2730xbf16, #tpu.memory_space<vmem>>, vector<1024x2730xbf16>
    %dot_general3A_9 = arith.constant dense<0.000000e+00> : vector<512x2730xf32>
    %dot_general3A_10 = tpu.matmul %convert_element_type3A, %get3A_8, %dot_general3A_9 {dimension_numbers = #tpu.dot_dimension_numbers<[1], [0], [0], [1], [0, 0, 1, 1], [], []>, transpose_lhs_hint = false} : vector<512x1024xbf16>, vector<1024x2730xbf16>, vector<512x2730xf32> -> vector<512x2730xf32>
    %logistic3A = arith.negf %dot_general3A_5 : vector<512x2730xf32>
    %logistic3A_11 = math.exp %logistic3A : vector<512x2730xf32>
    %logistic3A_12 = arith.constant 1.000000e+00 : f32
    %logistic3A_13 = vector.broadcast %logistic3A_12 : f32 to vector<512x2730xf32>
    %logistic3A_14 = arith.addf %logistic3A_13, %logistic3A_11 : vector<512x2730xf32>
    %logistic3A_15 = arith.divf %logistic3A_13, %logistic3A_14 : vector<512x2730xf32>
    %mul3A = arith.mulf %dot_general3A_5, %logistic3A_15 : vector<512x2730xf32>
    %mul3A_16 = arith.mulf %mul3A, %dot_general3A_10 : vector<512x2730xf32>
    %convert_element_type3A_17 = arith.truncf %mul3A_16 : vector<512x2730xf32> to vector<512x2730xbf16>
    %get3A_18 = arith.constant 0 : index
    %get3A_19 = arith.constant 0 : index
    %get3A_20 = vector.load %arg4[%get3A_18, %get3A_19] : memref<2730x1024xbf16, #tpu.memory_space<vmem>>, vector<2730x1024xbf16>
    %dot_general3A_21 = arith.constant dense<0.000000e+00> : vector<512x1024xf32>
    %dot_general3A_22 = tpu.matmul %convert_element_type3A_17, %get3A_20, %dot_general3A_21 {dimension_numbers = #tpu.dot_dimension_numbers<[1], [0], [0], [1], [0, 0, 1, 1], [], []>, transpose_lhs_hint = false} : vector<512x2730xbf16>, vector<2730x1024xbf16>, vector<512x1024xf32> -> vector<512x1024xf32>
    %get3A_23 = arith.constant 0 : index
    %get3A_24 = arith.constant 0 : index
    %get3A_25 = vector.load %arg5[%get3A_23, %get3A_24] : memref<512x1xf32, #tpu.memory_space<vmem>>, vector<512x1xf32>
    %mul3A_26 = vector.broadcast %get3A_25 : vector<512x1xf32> to vector<512x1024xf32>
    %mul3A_27 = arith.mulf %dot_general3A_22, %mul3A_26 : vector<512x1024xf32>
    %swap3A = arith.constant 0 : index
    %swap3A_28 = arith.constant 0 : index
    %swap3A_29 = vector.load %arg6[%swap3A, %swap3A_28] : memref<512x1024xf32, #tpu.memory_space<vmem>>, vector<512x1024xf32>
    tpu.vector_store %arg6[%swap3A, %swap3A_28], %mul3A_27 {strides = array<i32>} : memref<512x1024xf32, #tpu.memory_space<vmem>>, vector<512x1024xf32>,
    return
  }
  func.func @transform_0(%arg0: i32) -> (i32, i32) {
    %c0_i32 = arith.constant 0 : i32
    %c0_i32_0 = arith.constant 0 : i32
    return %arg0, %c0_i32 : i32, i32
  }
  func.func @transform_1(%arg0: i32) -> (i32, i32) {
    %c0_i32 = arith.constant 0 : i32
    %c0_i32_0 = arith.constant 0 : i32
    %c0_i32_1 = arith.constant 0 : i32
    return %c0_i32, %c0_i32_0 : i32, i32
  }
  func.func @transform_2(%arg0: i32) -> (i32, i32) {
    %c0_i32 = arith.constant 0 : i32
    %c0_i32_0 = arith.constant 0 : i32
    %c0_i32_1 = arith.constant 0 : i32
    return %c0_i32, %c0_i32_0 : i32, i32
  }
  func.func @transform_3(%arg0: i32) -> (i32, i32) {
    %c0_i32 = arith.constant 0 : i32
    %c0_i32_0 = arith.constant 0 : i32
    %c0_i32_1 = arith.constant 0 : i32
    return %c0_i32, %c0_i32_0 : i32, i32
  }
  func.func @transform_4(%arg0: i32) -> (i32, i32) {
    %c0_i32 = arith.constant 0 : i32
    %c0_i32_0 = arith.constant 0 : i32
    return %arg0, %c0_i32 : i32, i32
  }
  func.func @transform_5(%arg0: i32) -> (i32, i32) {
    %c0_i32 = arith.constant 0 : i32
    %c0_i32_0 = arith.constant 0 : i32
    return %arg0, %c0_i32 : i32, i32
  }
}

</mosaic_0001>

<sc_bundles>
// kernel: kernel.5.cloned.1.call-start
scs
__scs_entry_jumppad:
0x0: {  	(pc) =	sbr.rel $0x88, $3  }
0x1: {  	(tag) =	ssettag $0x0;
	lr =	simm.s32 $0x1  }
0x2: {  	[smem:$0x3F9A] =	sst lr;
	_ =	strace $0xD0000000  }
0x3: {  	_ = 	snop  }
0x4: {  	_ = 	snop  }
0x5: {  	_ = 	snop  }
0x6: {  	_ = 	snop  }
0x7: {  	_ = 	snop  }
__scs_overlays_trampoline_lowered:
0x8: {  	[smem:$0x3FA9] =	sst s0  }
0x9: {  	[smem:$0x3FAA] =	sst s1  }
0xa: {  	[smem:$0x3FAB] =	sst s2  }
0xb: {  	[smem:$0x3FAC] =	sst s3  }
0xc: {  	[smem:$0x3FAD] =	sst s4  }
0xd: {  	[smem:$0x3FAE] =	sst s5  }
0xe: {  	[smem:$0x3FAF] =	sst s6  }
0xf: {  	[smem:$0x3FB0] =	sst s7  }
0x10: {  	[smem:$0x3FB1] =	sst s8  }
0x11: {  	[smem:$0x3FB2] =	sst s9;
	s0 =	simm.s32 @!p0 $0x0  }
0x12: {  	s1 =	sld [smem:$0x3F98];
	s0 =	simm.s32 @p0 $0x1  }
0x13: {  	[smem:$0x3FB3] =	sst s0;
	s0 =	simm.s32 @!p1 $0x0  }
0x14: {  	s2 =	sld [smem:$0x3F97];
	s0 =	simm.s32 @p1 $0x1  }
0x15: {  	[smem:$0x3FB4] =	sst s0;
	s0 =	simm.s32 @!p2 $0x0  }
0x16: {  	s3 =	sld [smem:$0x3FDB];
	s0 =	simm.s32 @p2 $0x1  }
0x17: {  	s4 =	simm.s32 $0x1BF5;
	[smem:$0x3FB6] =	sst s0  }
0x18: {  	s0 =	sld [smem:$0x3F99];
	_ =	swait.ge [sflag:s4], $0x0  }
0x19: {  	s7 =	sld [smem:$0x3F9A]  }
0x1a: {  	s8 =	sadd.s32 $0xFFFFE003, lr  }
0x1b: {  	s9 =	sadd.s32 $0xFFFFFEF7, lr;
	s5 =	simm.s32 $0xFFFFFFFF;
	p2 =	slt.u32 s8, $0xFFFFF086  }
0x1c: {  	p1 =	slt.u32 s9, $0xF7A;
	s5 =	simm.s32 @!p2 $0x0  }
0x1d: {  	s5 =	simm.s32 @p1 $0x1;
	p0 =	seq.s32 s7, s2  }
0x1e: {  	s7 =	smul.u32 @!p0 $0xF7A, s2;
	p2 =	seq.s32 @!p0 s5, $0x0  }
0x1f: {  	s9 =	smul.u32 $0xF7A, s1;
	s8 =	simm.s32 @!p0 $0x1BF5;
	p2 =	por !p2, p0  }
0x20: {  	[sflag:s8] =	ssyncset.s32 @!p0 $0xFFFFF086;
	s6 =	sadd.s32 @!p0 s3, s7;
	s7 =	simm.s32 @!p0 $0x108  }
0x21: {  	s3 =	sadd.s32 s3, s9;
	s6 =	sadd.s32 @!p0 $0x88, s6;
	s7 =	simm.s32 @p2 $0x1082  }
0x22: {  	[simem:s7], [sflag:s8] =	dma.local @!p0 [hbm:s6], $0xF7A  }
0x23: {  	s9 =	sor.u32 $0xD0000000, s2;
	s6 =	simm.s32 $0x108;
	_ =	swait.ge @!p0 [sflag:s8], $0x0  }
0x24: {  	s3 =	sadd.s32 $0x88, s3;
	s6 =	simm.s32 @!p1 $0x1082;
	[sflag:s4] =	ssyncset.s32 $0xFFFFF086  }
0x25: {  	[simem:s6], [sflag:s4] =	dma.local [hbm:s3], $0xF7A  }
0x26: {  	[smem:$0x3F9A] =	sst s1;
	(tag) =	ssettag s2;
	_ =	strace s9  }
0x27: {  	s1 =	sld [smem:$0x3FAA]  }
0x28: {  	s2 =	sld [smem:$0x3FAB]  }
0x29: {  	s4 =	sld [smem:$0x3FAD]  }
0x2a: {  	p0 =	seq.s32 s5, $0x0;
	s5 =	sld [smem:$0x3FAE]  }
0x2b: {  	s6 =	sld [smem:$0x3FAF]  }
0x2c: {  	s7 =	sld [smem:$0x3FB0]  }
0x2d: {  	s3 =	simm.s32 $0x108;
	s8 =	sld [smem:$0x3FB1]  }
0x2e: {  	s3 =	simm.s32 @!p0 $0x1082;
	s9 =	sld [smem:$0x3FB2]  }
0x2f: {  	lr =	sadd.s32 s0, s3;
	s0 =	sld [smem:$0x3FA9]  }
0x30: {  	s3 =	sld [smem:$0x3FAC]  }
0x31: {  	[smem:$0x3FB5] =	sst s10  }
0x32: {  	s10 =	sld [smem:$0x3FB3];
	_ =	sdelay $0x3  }
0x33: {  	p0 =	seq.s32 s10, $0x1;
	s10 =	sld [smem:$0x3FB5];
	_ =	sdelay $0x3  }
0x34: {  	[smem:$0x3FB5] =	sst s10  }
0x35: {  	s10 =	sld [smem:$0x3FB4];
	_ =	sdelay $0x3  }
0x36: {  	p1 =	seq.s32 s10, $0x1;
	s10 =	sld [smem:$0x3FB5];
	_ =	sdelay $0x3  }
0x37: {  	[smem:$0x3FB5] =	sst s10  }
0x38: {  	s10 =	sld [smem:$0x3FB6]  }
0x39: {  	_ = 	snop;
	(pc) =	sbr.ind lr, $3  }
0x3a: {  	_ = 	snop  }
0x3b: {  	_ = 	snop  }
0x3c: {  	p2 =	seq.s32 s10, $0x1;
	s10 =	sld [smem:$0x3FB5]  }
0x3d: {  	_ =	shalt  }
0x3e: {  	_ =	shalt  }
0x3f: {  	_ =	shalt  }
0x40: {  	_ =	shalt  }
0x41: {  	_ =	shalt  }
0x42: {  	_ =	shalt  }
0x43: {  	_ =	shalt  }
0x44: {  	_ =	shalt  }
0x45: {  	_ =	shalt  }
0x46: {  	_ =	shalt  }
0x47: {  	_ =	shalt  }
0x48: {  	_ =	shalt  }
0x49: {  	_ =	shalt  }
0x4a: {  	_ =	shalt  }
0x4b: {  	_ =	shalt  }
0x4c: {  	_ =	shalt  }
0x4d: {  	_ =	shalt  }
0x4e: {  	_ =	shalt  }
0x4f: {  	_ =	shalt  }
0x50: {  	_ =	shalt  }
0x51: {  	_ =	shalt  }
0x52: {  	_ =	shalt  }
0x53: {  	_ =	shalt  }
0x54: {  	_ =	shalt  }
0x55: {  	_ =	shalt  }
0x56: {  	_ =	shalt  }
0x57: {  	_ =	shalt  }
0x58: {  	_ =	shalt  }
0x59: {  	_ =	shalt  }
0x5a: {  	_ =	shalt  }
0x5b: {  	_ =	shalt  }
0x5c: {  	_ =	shalt  }
0x5d: {  	_ =	shalt  }
0x5e: {  	_ =	shalt  }
0x5f: {  	_ =	shalt  }
0x60: {  	_ =	shalt  }
0x61: {  	_ =	shalt  }
0x62: {  	_ =	shalt  }
0x63: {  	_ =	shalt  }
0x64: {  	_ =	shalt  }
0x65: {  	_ =	shalt  }
0x66: {  	_ =	shalt  }
0x67: {  	_ =	shalt  }
0x68: {  	_ =	shalt  }
0x69: {  	_ =	shalt  }
0x6a: {  	_ =	shalt  }
0x6b: {  	_ =	shalt  }
0x6c: {  	_ =	shalt  }
0x6d: {  	_ =	shalt  }
0x6e: {  	_ =	shalt  }
0x6f: {  	_ =	shalt  }
0x70: {  	_ =	shalt  }
0x71: {  	_ =	shalt  }
0x72: {  	_ =	shalt  }
0x73: {  	_ =	shalt  }
0x74: {  	_ =	shalt  }
0x75: {  	_ =	shalt  }
0x76: {  	_ =	shalt  }
0x77: {  	_ =	shalt  }
0x78: {  	_ =	shalt  }
0x79: {  	_ =	shalt  }
0x7a: {  	_ =	shalt  }
0x7b: {  	_ =	shalt  }
0x7c: {  	_ =	shalt  }
0x7d: {  	_ =	shalt  }
0x7e: {  	_ =	shalt  }
0x7f: {  	_ =	shalt  }
0x80: {  	_ =	shalt  }
0x81: {  	_ =	shalt  }
0x82: {  	_ =	shalt  }
0x83: {  	_ =	shalt  }
0x84: {  	_ =	shalt  }
0x85: {  	_ =	shalt  }
0x86: {  	_ =	shalt  }
0x87: {  	_ =	shalt  }
.Lfunc_end0:
.L_simem_size_0:
called_computation_lowered:
.L_overlay_start_0:
0x88: {  	s2 =	sld [smem:$0x3FD9]  }
0x89: {  	s3 =	sld [smem:$0x3FFE];
	_ =	sdelay $0x1  }
0x8a: {  	s1 =	srdreg.scid  }
0x8b: {  	s0 =	sand.u32 $0x1, s1  }
0x8c: {  	s17 =	sshll.u32 s0, $0xA;
	s2 =	sadd.s32 s3, s2  }
0x8d: {  	s2 =	sadd.s32 s2, s17  }
0x8e: {  	[smem:$0x3FC1] =	sst s2  }
0x8f: {  	_ = 	snop  }
0x90: {  	s2 =	sld [smem:$0x3FD0];
	(tm) =	ssettm $0x1  }
0x91: {  	s18 =	sld [smem:$0x3FFB];
	_ =	sdelay $0x3  }
0x92: {  	_ =	strace s18  }
0x93: {  	s3 =	sld [smem:$0x3FFC];
	_ =	sdelay $0x3  }
0x94: {  	_ =	strace s3  }
0x95: {  	s3 =	sld [smem:$0x3FFD];
	_ =	sdelay $0x3  }
0x96: {  	_ =	strace s3  }
0x97: {  	_ =	strace $0x8FFFFFFF  }
0x98: {  	s19 =	sld [smem:$0x3FDB];
	_ =	sdelay $0x1  }
0x99: {  	s4 =	simm.s32 $_scs_section_size  }
0x9a: {  	s5 =	simm.s32 $_size__tile_overlayer_lowered;
	s6 =	simm.s32 $_tile_overlayer_lowered  }
0x9b: {  	s22 =	simm.s32 $0x1BFF;
	s21 =	sshll.u32 s6, $0x1;
	s3 =	sadd.s32 s4, s19  }
0x9c: {  	s7 =	simm.s32 $0x0;
	s20 =	sshll.u32 s5, $0x1;
	s5 =	sadd.s32 s21, s3  }
0x9d: {  	[timem:s7], [sflag:s22] =	dma.local [hbm:s5], s20  }
0x9e: {  	_ =	swait.ge [sflag:s22], s20  }
0x9f: {  	s4 =	ssub.s32 $0x0, s20;
	[sflag:s22] =	ssyncset.done $0x0  }
0xa0: {  	[sflag:s22] =	ssyncadd.s32 s4;
	_ =	sdelay $0x1  }
0xa1: {  	s23 =	simm.s32 $0x1B8B  }
0xa2: {  	_ =	swait.ge [sflag:s23], $0x1  }
0xa3: {  	[sflag:s23] =	ssyncset.done $0x0  }
0xa4: {  	s25 =	simm.s32 $0x1B8E;
	s24 =	sld [smem:$0x3FFE];
	[sflag:s23] =	ssyncadd.s32 $0xFFFFFFFF  }
0xa5: {  	s26 =	simm.s32 $execute0_lowered;
	[smem:$0x3FD2] =	sst s25  }
0xa6: {  	s5 =	sshll.u32 s26, $0x1;
	_ =	strace $0x80000046;
	[dreg:$0x1] =	wrdreg $0xFFFFFFFF  }
0xa7: {  	s28 =	simm.s32 $_size_execute0_lowered;
	s3 =	sadd.s32 s3, s5;
	[dreg:$0x0] =	wrdreg $0x0  }
0xa8: {  	s5 =	sshll.u32 s28, $0x1;
	[dreg:$0x2] =	wrdreg s3  }
0xa9: {  	[dreg:$0x3] =	wrdreg s5  }
0xaa: {  	[dreg:$0x4] =	wrdreg $0xC0  }
0xab: {  	_ =	task [dreg:s7], $0x5FFFF  }
0xac: {  	[dreg:$0x1] =	wrdreg $0xFFFFFFFF  }
0xad: {  	[dreg:$0x0] =	wrdreg $0x60  }
0xae: {  	[dreg:$0x2] =	wrdreg s2  }
0xaf: {  	[dreg:$0x3] =	wrdreg s24  }
0xb0: {  	[dreg:$0x4] =	wrdreg $0x40000  }
0xb1: {  	[dreg:$0x5] =	wrdreg $0x9  }
0xb2: {  	_ =	task.clear_ibuf [dreg:s7], $0x6FFFF;
	_ =	strace $0x90000046  }
0xb3: {  	s29 =	simm.s32 $0x9;
	_ =	strace $0x80000048  }
0xb4: {  	_ =	swait.ge [sflag:s29], $0x1  }
0xb5: {  	[sflag:s29] =	ssyncadd.s32 $0xFFFFFFFF  }
0xb6: {  	_ =	strace $0x90000048  }
0xb7: {  	_ =	sfence  }
0xb8: {  	s30 =	sld [smem:$0x0];
	_ =	sdelay $0x2  }
0xb9: {  	s31 =	sshll.u32 s1, $0xD;
	s1 =	sshrl.u32 s1, $0x2  }
0xba: {  	s3 =	sand.u32 $0x4000, s31;
	s1 =	sadd.s32 s1, s30  }
0xbb: {  	s0 =	sor.u32 s3, s0;
	s1 =	sshll.u32 s1, $0x11  }
0xbc: {  	s0 =	sor.u32 s1, s0  }
0xbd: {  	s0 =	sadd.s32 $0x8F2B, s0  }
0xbe: {  	[sflag:s0] =	ssyncadd.remote.s32 $0x1  }
0xbf: {  	_ =	sfence.sel $0xFFFF  }
0xc0: {  	[dreg:$0x0] =	wrdreg $0xFFFFFFFF;
	(pc) =	sbr.abs _section_cstart, $3  }
0xc1: {  	[dreg:$0x1] =	wrdreg $0xFFFFFFFF  }
0xc2: {  	_ =	task.clear_ibuf [dreg:s7], $0x2FFFF;
	_ =	strace $0x9FFFFFFF  }
0xc3: {  	(tm) =	ssettm $0x7FFFFFFF  }
tec
execute0_lowered:
.L_overlay_start_1:
0x0: {  	(tag) =	ssettag $0x1  }
0x1: {  	s0 =	rddreg [dreg:$0x0]  }
0x2: {  	s1 =	rddreg [dreg:$0x1]  }
0x3: {  	s2 =	rddreg [dreg:$0x2]  }
0x4: {  	s3 =	simm.s32 $0x0;
	s8 =	stileid.u32;
	s4 =	srdreg.scid  }
0x5: {  	[smem:$0x7FF] =	sst s3;
	s20 =	sshll.u32 s8, $0x4;
	s4 =	sand.u32 $0x1, s4  }
0x6: {  	s23 =	sshll.u32 s8, $0xC;
	s24 =	sshll.u32 s8, $0x7;
	_ =	strace $0x80000047  }
0x7: {  	s5 =	sadd.s32 s20, s1;
	s7 =	ssub.s32 $0x2, s4;
	s0 =	sadd.s32 s0, s20  }
0x8: {  	p0 =	seq.s32 s4, $0x0;
	[dreg:$0x4] =	wrdreg s0;
	s25 =	sadd.s32 $0x1C00, s5  }
0x9: {  	s4 =	sadd.s32 s23, s2;
	s0 =	sadd.s32 s24, s2;
	[dreg:$0x5] =	wrdreg s25  }
0xa: {  	s26 =	sadd.s32 $0x80, s4;
	[dreg:$0x6] =	wrdreg s0  }
0xb: {  	s28 =	sadd.s32 $0x100, s4;
	[dreg:$0x7] =	wrdreg s26  }
0xc: {  	s29 =	sadd.s32 $0x180, s4;
	[dreg:$0x8] =	wrdreg s28  }
0xd: {  	s30 =	sadd.s32 $0x200, s4;
	[dreg:$0x9] =	wrdreg s29  }
0xe: {  	s31 =	sadd.s32 $0x280, s4;
	[dreg:$0xa] =	wrdreg s30  }
0xf: {  	s6 =	sshll.u32 s8, $0x6;
	s2 =	sadd.s32 $0x300, s4;
	[dreg:$0xb] =	wrdreg s31  }
0x10: {  	s1 =	sadd.s32 s6, s1;
	s3 =	sadd.s32 $0x380, s4;
	[dreg:$0xc] =	wrdreg s2  }
0x11: {  	s5 =	sadd.s32 $0x2C00, s1;
	[dreg:$0xd] =	wrdreg s3  }
0x12: {  	s6 =	sadd.s32 $0x400, s4;
	[dreg:$0xe] =	wrdreg s5  }
0x13: {  	p1 =	slt.u32 s8, $0x8;
	s8 =	sadd.s32 $0xC00, s4;
	[dreg:$0xf] =	wrdreg s6  }
0x14: {  	s9 =	sadd.s32 $0x480, s4;
	[dreg:$0x11] =	wrdreg s8  }
0x15: {  	s10 =	sadd.s32 $0x880, s4;
	[dreg:$0x12] =	wrdreg s9  }
0x16: {  	s11 =	sadd.s32 $0xC80, s4;
	[dreg:$0x13] =	wrdreg s10  }
0x17: {  	s12 =	sadd.s32 $0x500, s4;
	[dreg:$0x14] =	wrdreg s11  }
0x18: {  	s13 =	sadd.s32 $0x900, s4;
	[dreg:$0x15] =	wrdreg s12  }
0x19: {  	s14 =	sadd.s32 $0xD00, s4;
	[dreg:$0x16] =	wrdreg s13  }
0x1a: {  	s16 =	sadd.s32 $0x580, s4;
	[dreg:$0x17] =	wrdreg s14  }
0x1b: {  	s17 =	sadd.s32 $0x980, s4;
	[dreg:$0x18] =	wrdreg s16  }
0x1c: {  	s18 =	sadd.s32 $0xD80, s4;
	[dreg:$0x19] =	wrdreg s17  }
0x1d: {  	s19 =	sadd.s32 $0x600, s4;
	[dreg:$0x1a] =	wrdreg s18  }
0x1e: {  	s20 =	sadd.s32 $0xA00, s4;
	[dreg:$0x1b] =	wrdreg s19  }
0x1f: {  	s21 =	sshrl.u32 s7, $0x1;
	s23 =	sadd.s32 $0xA80, s4;
	[dreg:$0x1c] =	wrdreg s20  }
0x20: {  	p0 =	por !p0, !p1;
	s24 =	sadd.s32 $0xE80, s4;
	[dreg:$0x1f] =	wrdreg s23  }
0x21: {  	s22 =	ssub.s32 s7, s21;
	s7 =	sadd.s32 $0x800, s4;
	[smem:$0x7F7] =	sst s24  }
0x22: {  	p0 =	por !p0, !p0;
	s21 =	sadd.s32 $0xE00, s4;
	[dreg:$0x10] =	wrdreg s7  }
0x23: {  	s25 =	sadd.s32 $0x700, s4;
	s26 =	sadd.s32 $0xB00, s4;
	[dreg:$0x1d] =	wrdreg s21  }
0x24: {  	s28 =	sadd.s32 $0xF00, s4;
	s29 =	sadd.s32 $0x780, s4;
	[smem:$0x7F8] =	sst s25  }
0x25: {  	s30 =	sadd.s32 $0xB80, s4;
	s31 =	sadd.s32 $0xF80, s4;
	[smem:$0x7F9] =	sst s26  }
.Ltmp0:
0x26: {  	s2 =	simm.s32 $0x80;
	[smem:$0x7FA] =	sst s28;
	(pc) =	sbr.rel .LBB2_1-.Ltmp0, $4  }
0x27: {  	s11 =	simm.s32 $0x400;
	s12 =	simm.s32 $0x1;
	[smem:$0x7FB] =	sst s29  }
0x28: {  	s13 =	simm.s32 $0x1000;
	s14 =	simm.s32 $0x20000000;
	[smem:$0x7FC] =	sst s30  }
0x29: {  	s15 =	smax.u32 s22, $0x1;
	s22 =	sadd.s32 $0x680, s4;
	[smem:$0x7FD] =	sst s31  }
0x2a: {  	v0 =	vimm.f32 $1.000000000e+00;
	v1 =	vimm.f32 $0.0e+00;
	v2 =	vlaneseq.u32;
	s16 =	simm.s32 $0x10000000;
	s17 =	simm.s32 $0x0;
	[dreg:$0x1e] =	wrdreg s22  }
.LBB2_19:
0x2b: {  	[bflag:$0x0] =	sbarrier.arrive $0xFFFF  }
.LBB2_20:
0x2c: {  	s17 =	sadd.s32 $0x1, s17  }
0x2d: {  	p1 =	sne.s32 s17, s15  }
.Ltmp1:
0x2e: {  	_ = 	snop;
	(pc) =	sbr.rel @!p1 .LBB2_21-.Ltmp1, $1  }
0x2f: {  	_ =	sdelay $0x3  }
.LBB2_1:
.Ltmp2:
0x30: {  	(pc) =	sbr.rel @!p0 .LBB2_19-.Ltmp2, $1  }
0x31: {  	_ =	sdelay $0x3  }
0x32: {  	s18 =	simm.s32 $0x0;
	s0 =	rddreg [dreg:$0x4]  }
0x33: {  	[tilespmem:s18], [sflag:$0x1] =	stream.strided.gather [hbm4b:s0+s2], $0x1000, s11, s2, $0x38;
	[tilespmem:$0x4800] =	vst v63  }
0x34: {  	_ =	swait.ge [sflag:s12], $0x1000  }
0x35: {  	[sflag:s12] =	ssyncset.done $0x0  }
0x36: {  	s31 =	rddreg [dreg:$0x5];
	[sflag:s12] =	ssyncadd.s32 $0xFFFFF000  }
0x37: {  	[tilespmem:s13], [sflag:$0x1] =	stream.strided.gather [hbm4b:s31+s2], $0x1000, s11, s2, $0x38;
	[tilespmem:$0x4800] =	vst v63  }
0x38: {  	_ =	swait.ge [sflag:s12], $0x1000  }
0x39: {  	[sflag:s12] =	ssyncset.done $0x0  }
0x3a: {  	s19 =	simm.s32 $0x0;
	[sflag:s12] =	ssyncadd.s32 $0xFFFFF000  }
.LBB2_3:
0x3b: {  	s23 =	simm.s32 $0x0  }
0x3c: {  	v10 =	vld [tilespmem:s23+$0x1070]  }
0x3d: {  	s20 =	sshll.u32 s19, $0x1;
	v13 =	vld [tilespmem:s23+$0x1060]  }
0x3e: {  	s21 =	sshrl.u32 s14, s20;
	v5 =	vld [tilespmem:s23+$0x1050]  }
0x3f: {  	s24 =	sshrl.u32 s16, s20;
	s20 =	sor.u32 s18, s21  }
0x40: {  	v14 =	vimm.f32 $0.0e+00;
	v7 =	vld [tilespmem:s23+$0x1040];
	s22 =	sor.u32 s18, s24;
	s21 =	sor.u32 s24, s20  }
0x41: {  	v8 =	vld [tilespmem:s23+$0x1030];
	v6 =	vmov s22;
	v4 =	vmov s20;
	v3 =	vmov s21  }
0x42: {  	v9 =	vld [tilespmem:s23+$0x1020];
	vm7 =	vlt.s32 v10, v6;
	vm5 =	vlt.s32 v13, v6;
	vm3 =	vlt.s32 v10, v4  }
0x43: {  	v11 =	vld [tilespmem:s23+$0x1010];
	vm1 =	vlt.s32 v10, v3;
	vm6 =	vlt.s32 v5, v6;
	vm4 =	vlt.s32 v13, v4  }
0x44: {  	v12 =	vld [tilespmem:s23+$0x1000];
	s23 =	simm.s32 $0x200;
	vm2 =	vlt.s32 v13, v3;
	v13 =	vimm.f32 $0.0e+00;
	v10 =	vimm.f32 $0.0e+00  }
.LBB2_4:
0x45: {  	v15 =	vimm.s32 $0x0  }
0x46: {  	v15 =	vsel vm4, $0xFFFFFFFF, v15  }
0x47: {  	[tilespmem:$0x1FFB0] =	vst v15;
	v15 =	vimm.s32 $0x0  }
0x48: {  	v15 =	vsel vm2, $0xFFFFFFFF, v15  }
0x49: {  	[tilespmem:$0x1FFC0] =	vst v15;
	v15 =	vimm.s32 $0x0  }
0x4a: {  	v15 =	vsel vm7, $0xFFFFFFFF, v15  }
0x4b: {  	[tilespmem:$0x1FFD0] =	vst v15;
	v15 =	vimm.s32 $0x0  }
0x4c: {  	v15 =	vsel vm3, $0xFFFFFFFF, v15  }
0x4d: {  	vm0 =	vlt.s32 v5, v4;
	[tilespmem:$0x1FFE0] =	vst v15;
	v15 =	vimm.s32 $0x0  }
0x4e: {  	vm9 =	vlt.s32 v7, v6;
	vm10 =	vlt.s32 v7, v4;
	v15 =	vsel vm1, $0xFFFFFFFF, v15  }
0x4f: {  	vm11 =	vlt.s32 v7, v3;
	vm15 =	vlt.s32 v9, v6;
	[tilespmem:$0x1FFF0] =	vst v15;
	v15 =	vimm.s32 $0x0  }
0x50: {  	v15 =	vsel vm0, $0xFFFFFFFF, v15;
	vm0 =	vlt.s32 v5, v3;
	v5 =	vimm.s32 $0x0  }
0x51: {  	vm2 =	vlt.s32 v9, v3;
	vm3 =	vlt.s32 v12, v6;
	v5 =	vsel vm0, $0xFFFFFFFF, v5  }
0x52: {  	vm7 =	vlt.s32 v11, v4;
	[tilespmem:$0x1FFA0] =	vst v5;
	v5 =	vsel vm3, $0x0, v0;
	vm3 =	vlt.s32 v12, v4  }
0x53: {  	vm0 =	vlt.s32 v11, v6;
	v5 =	vadd.f32 v5, v14;
	v7 =	vsel vm3, $0x0, v0  }
0x54: {  	vm1 =	vlt.s32 v9, v4;
	v9 =	vsel vm0, $0x0, v0;
	v7 =	vadd.f32 v7, v13  }
0x55: {  	v5 =	vadd.f32 v9, v5;
	v9 =	vsel vm7, $0x0, v0  }
0x56: {  	vm12 =	vlt.s32 v8, v6;
	v7 =	vadd.f32 v9, v7;
	v9 =	vsel vm15, $0x0, v0  }
0x57: {  	vm13 =	vlt.s32 v8, v4;
	v5 =	vadd.f32 v9, v5;
	v9 =	vsel vm1, $0x0, v0  }
0x58: {  	vm14 =	vlt.s32 v8, v3;
	v7 =	vadd.f32 v9, v7;
	v9 =	vsel vm12, $0x0, v0  }
0x59: {  	vm8 =	vlt.s32 v11, v3;
	v5 =	vadd.f32 v9, v5;
	v9 =	vsel vm13, $0x0, v0  }
0x5a: {  	vm4 =	vlt.s32 v12, v3;
	v7 =	vadd.f32 v9, v7;
	v9 =	vsel vm9, $0x0, v0  }
0x5b: {  	v8 =	vsel vm4, $0x0, v0;
	v5 =	vadd.f32 v9, v5;
	v9 =	vsel vm10, $0x0, v0  }
0x5c: {  	v8 =	vadd.f32 v8, v10;
	[tilespmem:$0x1FF90] =	vst v15;
	v7 =	vadd.f32 v9, v7;
	v9 =	vsel vm6, $0x0, v0  }
0x5d: {  	v10 =	vsel vm8, $0x0, v0;
	v9 =	vadd.f32 v9, v5;
	v5 =	vld [tilespmem:$0x1FF90]  }
0x5e: {  	v8 =	vadd.f32 v10, v8  }
0x5f: {  	v10 =	vsel vm2, $0x0, v0  }
0x60: {  	v8 =	vadd.f32 v10, v8  }
0x61: {  	v10 =	vsel vm14, $0x0, v0  }
0x62: {  	v8 =	vadd.f32 v10, v8;
	vm0 =	vnez.u8 v5  }
0x63: {  	v10 =	vsel vm11, $0x0, v0;
	v5 =	vsel vm0, $0x0, v0  }
0x64: {  	v8 =	vadd.f32 v10, v8;
	v10 =	vld [tilespmem:$0x1FFA0];
	v11 =	vadd.f32 v5, v7;
	v7 =	vsel vm5, $0x0, v0  }
0x65: {  	v9 =	vadd.f32 v7, v9;
	v7 =	vld [tilespmem:$0x1FFB0];
	_ =	sdelay $0x3  }
0x66: {  	vm0 =	vnez.u8 v10  }
0x67: {  	v10 =	vsel vm0, $0x0, v0;
	vm0 =	vnez.u8 v7;
	v7 =	vld [tilespmem:$0x1FFC0];
	_ =	sdelay $0x4  }
0x68: {  	v8 =	vadd.f32 v10, v8;
	v10 =	vsel vm0, $0x0, v0;
	vm0 =	vnez.u8 v7  }
0x69: {  	v13 =	vsel vm0, $0x0, v0  }
0x6a: {  	v10 =	vadd.f32 v10, v11;
	v11 =	vadd.f32 v13, v8;
	v8 =	vld [tilespmem:$0x1FFD0];
	_ =	sdelay $0x4  }
0x6b: {  	vm0 =	vnez.u8 v8  }
0x6c: {  	v13 =	vsel vm0, $0x0, v0  }
0x6d: {  	v14 =	vadd.f32 v13, v9;
	v9 =	vld [tilespmem:$0x1FFE0];
	_ =	sdelay $0x1  }
0x6e: {  	s24 =	sshra.s32 s23, $0x2  }
0x6f: {  	v12 =	vld [tilespmem:s24+$0x1070]  }
0x70: {  	v15 =	vld [tilespmem:s24+$0x1060]  }
0x71: {  	vm0 =	vnez.u8 v9;
	v9 =	vld [tilespmem:$0x1FFF0];
	_ =	sdelay $0x1  }
0x72: {  	p1 =	sne.s32 s23, $0x3E00;
	v5 =	vld [tilespmem:s24+$0x1050]  }
.Ltmp3:
0x73: {  	vm7 =	vlt.s32 v12, v6;
	vm3 =	vlt.s32 v12, v4;
	vm1 =	vlt.s32 v12, v3;
	v12 =	vld [tilespmem:s24+$0x1000];
	(pc) =	sbr.rel @p1 .LBB2_4-.Ltmp3, $4  }
0x74: {  	v7 =	vld [tilespmem:s24+$0x1040]  }
0x75: {  	vm4 =	vlt.s32 v15, v4;
	v8 =	vld [tilespmem:s24+$0x1030];
	v13 =	vsel vm0, $0x0, v0;
	vm0 =	vnez.u8 v9  }
0x76: {  	vm2 =	vlt.s32 v15, v3;
	vm5 =	vlt.s32 v15, v6;
	v9 =	vld [tilespmem:s24+$0x1020];
	v16 =	vsel vm0, $0x0, v0  }
0x77: {  	s23 =	sadd.s32 $0x200, s23;
	vm6 =	vlt.s32 v5, v6;
	v13 =	vadd.f32 v13, v10;
	v10 =	vadd.f32 v16, v11;
	v11 =	vld [tilespmem:s24+$0x1010]  }
0x78: {  	_ =	sdelay $0x1  }
0x79: {  	vm0 =	vlt.s32 v12, v6  }
0x7a: {  	v15 =	vsel vm0, $0x0, v0  }
0x7b: {  	v14 =	vadd.f32 v15, v14;
	vm11 =	vlt.s32 v11, v6  }
0x7c: {  	v43 =	vsel vm11, $0x0, v0  }
0x7d: {  	vm12 =	vlt.s32 v9, v6;
	v14 =	vadd.f32 v43, v14  }
0x7e: {  	v44 =	vsel vm12, $0x0, v0  }
0x7f: {  	vm13 =	vlt.s32 v8, v6;
	v14 =	vadd.f32 v44, v14  }
0x80: {  	v45 =	vsel vm13, $0x0, v0  }
0x81: {  	vm14 =	vlt.s32 v7, v6;
	v46 =	vadd.f32 v45, v14  }
0x82: {  	v47 =	vsel vm14, $0x0, v0  }
0x83: {  	v6 =	vadd.f32 v47, v46  }
0x84: {  	v48 =	vsel vm6, $0x0, v0  }
0x85: {  	v6 =	vadd.f32 v48, v6  }
0x86: {  	v49 =	vsel vm5, $0x0, v0  }
0x87: {  	v6 =	vadd.f32 v49, v6  }
0x88: {  	v50 =	vsel vm7, $0x0, v0  }
0x89: {  	vm15 =	vlt.s32 v12, v4;
	v6 =	vadd.f32 v50, v6  }
0x8a: {  	v51 =	vsel vm15, $0x0, v0  }
0x8b: {  	v13 =	vadd.f32 v51, v13;
	vm5 =	vlt.s32 v11, v4;
	(v2sf) =	vpush v6, $0x0  }
0x8c: {  	v52 =	vsel vm5, $0x0, v0;
	(v2sf) =	vpush v6, $0x1  }
0x8d: {  	vm6 =	vlt.s32 v9, v4;
	v13 =	vadd.f32 v52, v13;
	(v2sf) =	vpush v6, $0x2  }
0x8e: {  	v53 =	vsel vm6, $0x0, v0;
	(v2sf) =	vpush v6, $0x3  }
0x8f: {  	vm7 =	vlt.s32 v8, v4;
	v13 =	vadd.f32 v53, v13;
	(v2sf) =	vpush v6, $0x4  }
0x90: {  	v54 =	vsel vm7, $0x0, v0;
	(v2sf) =	vpush v6, $0x5  }
0x91: {  	vm8 =	vlt.s32 v7, v4;
	v13 =	vadd.f32 v54, v13;
	(v2sf) =	vpush v6, $0x6  }
0x92: {  	v55 =	vsel vm8, $0x0, v0;
	(v2sf) =	vpush v6, $0x7  }
0x93: {  	vm9 =	vlt.s32 v5, v4;
	v56 =	vadd.f32 v55, v13;
	(v2sf) =	vpush v6, $0x8  }
0x94: {  	v57 =	vsel vm9, $0x0, v0;
	(v2sf) =	vpush v6, $0x9  }
0x95: {  	v4 =	vadd.f32 v57, v56;
	(v2sf) =	vpush v6, $0xA  }
0x96: {  	v58 =	vsel vm4, $0x0, v0;
	(v2sf) =	vpush v6, $0xB  }
0x97: {  	v4 =	vadd.f32 v58, v4;
	(v2sf) =	vpush v6, $0xC  }
0x98: {  	v59 =	vsel vm3, $0x0, v0;
	(v2sf) =	vpush v6, $0xD  }
0x99: {  	vm10 =	vlt.s32 v12, v3;
	v4 =	vadd.f32 v59, v4;
	(v2sf) =	vpush v6, $0xE  }
0x9a: {  	v12 =	vsel vm10, $0x0, v0;
	s23 =	spop (v2sf);
	(v2sf) =	vpush v6, $0xF  }
0x9b: {  	v60 =	vadd.f32 v12, v10;
	vm11 =	vlt.s32 v11, v3;
	s24 =	spop (v2sf);
	(v2sf) =	vpush v4, $0x0  }
0x9c: {  	v61 =	vsel vm11, $0x0, v0;
	s25 =	spop (v2sf);
	(v2sf) =	vpush v4, $0x1  }
0x9d: {  	vm12 =	vlt.s32 v9, v3;
	v6 =	vadd.f32 v61, v60;
	s26 =	spop (v2sf);
	(v2sf) =	vpush v4, $0x2  }
0x9e: {  	v9 =	vsel vm12, $0x0, v0;
	s23 =	sadd.f32 s24, s23;
	s5 =	spop (v2sf);
	(v2sf) =	vpush v4, $0x3  }
0x9f: {  	vm13 =	vlt.s32 v8, v3;
	v6 =	vadd.f32 v9, v6;
	s28 =	spop (v2sf);
	(v2sf) =	vpush v4, $0x4  }
0xa0: {  	v8 =	vsel vm13, $0x0, v0;
	s23 =	sadd.f32 s23, s25;
	s6 =	spop (v2sf);
	(v2sf) =	vpush v4, $0x5  }
0xa1: {  	vm14 =	vlt.s32 v7, v3;
	v6 =	vadd.f32 v8, v6;
	s29 =	spop (v2sf);
	(v2sf) =	vpush v4, $0x6  }
0xa2: {  	v7 =	vsel vm14, $0x0, v0;
	s23 =	sadd.f32 s23, s26;
	s7 =	spop (v2sf);
	(v2sf) =	vpush v4, $0x7  }
0xa3: {  	vm15 =	vlt.s32 v5, v3;
	v3 =	vadd.f32 v7, v6;
	s30 =	spop (v2sf);
	(v2sf) =	vpush v4, $0x8  }
0xa4: {  	v5 =	vsel vm15, $0x0, v0;
	s23 =	sadd.f32 s23, s5;
	s8 =	spop (v2sf);
	(v2sf) =	vpush v4, $0x9  }
0xa5: {  	v3 =	vadd.f32 v5, v3;
	s31 =	spop (v2sf);
	(v2sf) =	vpush v4, $0xA  }
0xa6: {  	v62 =	vsel vm2, $0x0, v0;
	s23 =	sadd.f32 s23, s28;
	s9 =	spop (v2sf);
	(v2sf) =	vpush v4, $0xB  }
0xa7: {  	v3 =	vadd.f32 v62, v3;
	s0 =	spop (v2sf);
	(v2sf) =	vpush v4, $0xC  }
0xa8: {  	v63 =	vsel vm1, $0x0, v0;
	s23 =	sadd.f32 s23, s6;
	s10 =	spop (v2sf);
	(v2sf) =	vpush v4, $0xD  }
0xa9: {  	v3 =	vadd.f32 v63, v3;
	s1 =	spop (v2sf);
	(v2sf) =	vpush v4, $0xE  }
0xaa: {  	s23 =	sadd.f32 s23, s29;
	s29 =	spop (v2sf);
	(v2sf) =	vpush v4, $0xF  }
0xab: {  	s2 =	spop (v2sf);
	(v2sf) =	vpush v3, $0x0  }
0xac: {  	s23 =	sadd.f32 s23, s7;
	s26 =	spop (v2sf);
	(v2sf) =	vpush v3, $0x1  }
0xad: {  	s3 =	spop (v2sf)  }
0xae: {  	s23 =	sadd.f32 s23, s30;
	(v2sf) =	vpush v3, $0x2;
	s30 =	spop (v2sf)  }
0xaf: {  	s5 =	spop (v2sf)  }
0xb0: {  	s23 =	sadd.f32 s23, s8;
	(v2sf) =	vpush v3, $0x3;
	s24 =	spop (v2sf)  }
0xb1: {  	s6 =	spop (v2sf)  }
0xb2: {  	(v2sf) =	vpush v3, $0x4;
	s23 =	sadd.f32 s23, s31;
	s31 =	spop (v2sf)  }
0xb3: {  	s7 =	spop (v2sf)  }
0xb4: {  	(v2sf) =	vpush v3, $0x5;
	s23 =	sadd.f32 s23, s9;
	s28 =	spop (v2sf)  }
0xb5: {  	s8 =	spop (v2sf)  }
0xb6: {  	(v2sf) =	vpush v3, $0x6;
	s0 =	sadd.f32 s23, s0;
	s23 =	spop (v2sf)  }
0xb7: {  	s2 =	sadd.f32 s2, s29;
	s9 =	spop (v2sf)  }
0xb8: {  	s0 =	sadd.f32 s0, s10;
	s25 =	spop (v2sf);
	(v2sf) =	vpush v3, $0x7  }
0xb9: {  	s2 =	sadd.f32 s2, s26;
	s10 =	spop (v2sf)  }
0xba: {  	s0 =	sadd.f32 s0, s1;
	(v2sf) =	vpush v3, $0x8;
	s1 =	spop (v2sf)  }
0xbb: {  	s2 =	sadd.f32 s2, s3;
	s29 =	spop (v2sf)  }
0xbc: {  	(v2sf) =	vpush v3, $0x9;
	s1 =	sadd.f32 s29, s1  }
0xbd: {  	s2 =	sadd.f32 s2, s30;
	s29 =	spop (v2sf)  }
0xbe: {  	(v2sf) =	vpush v3, $0xA;
	s1 =	sadd.f32 s1, s29  }
0xbf: {  	s2 =	sadd.f32 s2, s5;
	s29 =	spop (v2sf)  }
0xc0: {  	(v2sf) =	vpush v3, $0xB;
	s1 =	sadd.f32 s1, s29  }
0xc1: {  	s2 =	sadd.f32 s2, s24;
	s26 =	spop (v2sf)  }
0xc2: {  	(v2sf) =	vpush v3, $0xC;
	s1 =	sadd.f32 s1, s26  }
0xc3: {  	s2 =	sadd.f32 s2, s6;
	s29 =	spop (v2sf)  }
0xc4: {  	(v2sf) =	vpush v3, $0xD;
	s1 =	sadd.f32 s1, s29  }
0xc5: {  	s2 =	sadd.f32 s2, s31;
	s30 =	spop (v2sf)  }
0xc6: {  	(v2sf) =	vpush v3, $0xE;
	s1 =	sadd.f32 s1, s30  }
0xc7: {  	s2 =	sadd.f32 s2, s7;
	s5 =	spop (v2sf)  }
0xc8: {  	(v2sf) =	vpush v3, $0xF;
	s1 =	sadd.f32 s1, s5  }
0xc9: {  	s2 =	sadd.f32 s2, s28;
	s6 =	spop (v2sf)  }
0xca: {  	s1 =	sadd.f32 s1, s6  }
0xcb: {  	s2 =	sadd.f32 s2, s8;
	s7 =	spop (v2sf)  }
0xcc: {  	s1 =	sadd.f32 s1, s7  }
0xcd: {  	s2 =	sadd.f32 s2, s23;
	s24 =	spop (v2sf)  }
0xce: {  	s1 =	sadd.f32 s1, s24  }
0xcf: {  	s2 =	sadd.f32 s2, s9;
	s26 =	spop (v2sf)  }
0xd0: {  	s1 =	sadd.f32 s1, s26  }
0xd1: {  	s2 =	sadd.f32 s2, s25;
	s28 =	spop (v2sf)  }
0xd2: {  	s1 =	sadd.f32 s1, s28  }
0xd3: {  	s2 =	sadd.f32 s2, s10;
	s29 =	spop (v2sf)  }
0xd4: {  	s0 =	scvt.f32.s32 s0;
	s1 =	sadd.f32 s1, s29  }
0xd5: {  	s2 =	scvt.f32.s32 s2;
	s30 =	spop (v2sf)  }
0xd6: {  	s19 =	sadd.s32 $0x1, s19;
	p1 =	sgt.s32 s0, $0x1FF;
	s1 =	sadd.f32 s1, s30  }
0xd7: {  	s18 =	smov.u32 @p1 s22;
	p2 =	sgt.s32 s2, $0x1FF;
	s31 =	spop (v2sf)  }
0xd8: {  	s18 =	smov.u32 @p2 s20;
	p2 =	seq.s32 s19, $0xF;
	s1 =	sadd.f32 s1, s31  }
.Ltmp4:
0xd9: {  	_ = 	snop;
	(pc) =	sbr.rel @!p2 .LBB2_3-.Ltmp4, $3  }
0xda: {  	s1 =	scvt.f32.s32 s1;
	_ =	sdelay $0x1  }
0xdb: {  	p1 =	sgt.s32 s1, $0x1FF  }
0xdc: {  	s18 =	smov.u32 @p1 s21  }
0xdd: {  	v3 =	vmov s18;
	s18 =	simm.s32 $0x0  }
0xde: {  	v5 =	vld [tilespmem:s18+$0x1000];
	_ =	sdelay $0x1  }
0xdf: {  	v6 =	vld [tilespmem:s18+$0x1010];
	_ =	sdelay $0x1  }
0xe0: {  	v7 =	vld [tilespmem:s18+$0x1020]  }
0xe1: {  	v4 =	vimm.f32 $0.0e+00;
	vm0 =	vgt.s32 v5, v3  }
0xe2: {  	v8 =	vld [tilespmem:s18+$0x1030];
	v5 =	vsel vm0, $0x3F800000, v4  }
0xe3: {  	vm0 =	vgt.s32 v6, v3;
	v5 =	vadd.f32 v5, v4  }
0xe4: {  	v6 =	vsel vm0, $0x3F800000, v4  }
0xe5: {  	v9 =	vld [tilespmem:s18+$0x1040];
	vm0 =	vgt.s32 v7, v3;
	v5 =	vadd.f32 v6, v5  }
0xe6: {  	v6 =	vsel vm0, $0x3F800000, v4  }
0xe7: {  	v10 =	vld [tilespmem:s18+$0x1050];
	vm0 =	vgt.s32 v8, v3;
	v5 =	vadd.f32 v6, v5  }
0xe8: {  	v6 =	vsel vm0, $0x3F800000, v4  }
0xe9: {  	v7 =	vadd.f32 v6, v5;
	v6 =	vld [tilespmem:s18+$0x1060]  }
0xea: {  	vm0 =	vgt.s32 v9, v3  }
0xeb: {  	v8 =	vsel vm0, $0x3F800000, v4;
	v5 =	vld [tilespmem:s18+$0x1070]  }
0xec: {  	s19 =	simm.s32 $0x80;
	s20 =	simm.s32 $0x400;
	vm0 =	vgt.s32 v10, v3;
	v7 =	vadd.f32 v8, v7  }
.LBB2_7:
0xed: {  	p1 =	sne.s32 s20, $0x3E00;
	v8 =	vld [tilespmem:s19+$0x1000];
	v9 =	vsel vm0, $0x3F800000, v4  }
0xee: {  	v7 =	vadd.f32 v9, v7;
	vm0 =	vgt.s32 v6, v3  }
0xef: {  	v6 =	vld [tilespmem:s19+$0x1010];
	v9 =	vsel vm0, $0x3F800000, v4  }
0xf0: {  	v7 =	vadd.f32 v9, v7;
	vm0 =	vgt.s32 v5, v3  }
0xf1: {  	v5 =	vld [tilespmem:s19+$0x1020];
	v9 =	vsel vm0, $0x3F800000, v4  }
0xf2: {  	vm0 =	vgt.s32 v8, v3;
	v7 =	vadd.f32 v9, v7  }
0xf3: {  	v8 =	vsel vm0, $0x3F800000, v4;
	v9 =	vld [tilespmem:s19+$0x1030]  }
0xf4: {  	v7 =	vadd.f32 v8, v7;
	vm0 =	vgt.s32 v6, v3  }
0xf5: {  	v6 =	vsel vm0, $0x3F800000, v4;
	v8 =	vld [tilespmem:s19+$0x1040]  }
0xf6: {  	v6 =	vadd.f32 v6, v7;
	vm0 =	vgt.s32 v5, v3  }
0xf7: {  	v5 =	vsel vm0, $0x3F800000, v4;
	v10 =	vld [tilespmem:s19+$0x1050]  }
.Ltmp5:
0xf8: {  	v5 =	vadd.f32 v5, v6;
	vm0 =	vgt.s32 v9, v3;
	(pc) =	sbr.rel @p1 .LBB2_7-.Ltmp5, $4  }
0xf9: {  	v7 =	vsel vm0, $0x3F800000, v4;
	v6 =	vld [tilespmem:s19+$0x1060]  }
0xfa: {  	v7 =	vadd.f32 v7, v5;
	vm0 =	vgt.s32 v8, v3  }
0xfb: {  	v8 =	vsel vm0, $0x3F800000, v4;
	v5 =	vld [tilespmem:s19+$0x1070]  }
0xfc: {  	s19 =	sshra.s32 s20, $0x2;
	s20 =	sadd.s32 $0x200, s20;
	v7 =	vadd.f32 v8, v7;
	vm0 =	vgt.s32 v10, v3  }
0xfd: {  	v8 =	vld [tilespmem:s19+$0x1000];
	v9 =	vsel vm0, $0x3F800000, v4  }
0xfe: {  	v7 =	vadd.f32 v9, v7;
	vm0 =	vgt.s32 v6, v3  }
0xff: {  	v6 =	vld [tilespmem:s19+$0x1010];
	v56 =	vsel vm0, $0x3F800000, v4  }
0x100: {  	v7 =	vadd.f32 v56, v7;
	vm0 =	vgt.s32 v5, v3  }
0x101: {  	v5 =	vld [tilespmem:s19+$0x1020];
	v57 =	vsel vm0, $0x3F800000, v4  }
0x102: {  	vm0 =	vgt.s32 v8, v3;
	v7 =	vadd.f32 v57, v7  }
0x103: {  	v58 =	vld [tilespmem:s19+$0x1030];
	v8 =	vsel vm0, $0x3F800000, v4  }
0x104: {  	vm0 =	vgt.s32 v6, v3;
	v6 =	vld [tilespmem:s18+$0x1000];
	v7 =	vadd.f32 v8, v7  }
0x105: {  	v10 =	vld [tilespmem:s19+$0x1040];
	v8 =	vsel vm0, $0x3F800000, v4  }
0x106: {  	vm0 =	vgt.s32 v5, v3;
	v5 =	vld [tilespmem:s18+$0x1010];
	v7 =	vadd.f32 v8, v7  }
0x107: {  	v11 =	vld [tilespmem:s19+$0x1050];
	v8 =	vsel vm0, $0x3F800000, v4  }
0x108: {  	vm0 =	vgt.s32 v58, v3;
	v7 =	vadd.f32 v8, v7;
	v8 =	vld [tilespmem:s18+$0x1020]  }
0x109: {  	v12 =	vld [tilespmem:s19+$0x1060];
	v9 =	vsel vm0, $0x3F800000, v4;
	vm0 =	veq.s32 v6, v3  }
0x10a: {  	v59 =	vld [tilespmem:s18+$0x1030];
	vm1 =	vgt.s32 v10, v3;
	v6 =	vadd.f32 v9, v7;
	v7 =	vsel vm0, $0x3F800000, v1  }
0x10b: {  	v10 =	vsel vm1, $0x3F800000, v4;
	vm0 =	veq.s32 v5, v3;
	v7 =	vadd.f32 v7, v4  }
0x10c: {  	v61 =	vld [tilespmem:s18+$0x1040];
	vm1 =	vgt.s32 v11, v3;
	v60 =	vsel vm0, $0x3F800000, v1;
	v6 =	vadd.f32 v10, v6  }
0x10d: {  	v5 =	vld [tilespmem:s19+$0x1070];
	v7 =	vadd.f32 v60, v7;
	vm0 =	veq.s32 v8, v3;
	v8 =	vsel vm1, $0x3F800000, v4  }
0x10e: {  	vm1 =	vgt.s32 v12, v3;
	v6 =	vadd.f32 v8, v6;
	v8 =	vsel vm0, $0x3F800000, v1  }
0x10f: {  	v62 =	vld [tilespmem:s18+$0x1050];
	vm0 =	veq.s32 v59, v3;
	v7 =	vadd.f32 v8, v7;
	v8 =	vsel vm1, $0x3F800000, v4  }
0x110: {  	v8 =	vadd.f32 v8, v6;
	v6 =	vsel vm0, $0x3F800000, v1  }
0x111: {  	v7 =	vadd.f32 v6, v7;
	v6 =	vld [tilespmem:s18+$0x1060]  }
0x112: {  	vm1 =	veq.s32 v61, v3;
	vm0 =	vgt.s32 v5, v3  }
0x113: {  	v63 =	vsel vm1, $0x3F800000, v1;
	v5 =	vld [tilespmem:s18+$0x1070];
	v4 =	vsel vm0, $0x3F800000, v4  }
0x114: {  	s19 =	simm.s32 $0x400;
	s18 =	simm.s32 $0x80;
	vm0 =	veq.s32 v62, v3;
	v4 =	vadd.f32 v4, v8;
	v7 =	vadd.f32 v63, v7  }
.LBB2_9:
0x115: {  	p1 =	sne.s32 s19, $0x3E00;
	v8 =	vld [tilespmem:s18+$0x1000];
	v9 =	vsel vm0, $0x3F800000, v1  }
0x116: {  	v7 =	vadd.f32 v9, v7;
	vm0 =	veq.s32 v6, v3  }
0x117: {  	v6 =	vld [tilespmem:s18+$0x1010];
	v9 =	vsel vm0, $0x3F800000, v1  }
0x118: {  	v7 =	vadd.f32 v9, v7;
	vm0 =	veq.s32 v5, v3  }
0x119: {  	v5 =	vld [tilespmem:s18+$0x1020];
	v9 =	vsel vm0, $0x3F800000, v1  }
0x11a: {  	vm0 =	veq.s32 v8, v3;
	v7 =	vadd.f32 v9, v7  }
0x11b: {  	v8 =	vsel vm0, $0x3F800000, v1;
	v9 =	vld [tilespmem:s18+$0x1030]  }
0x11c: {  	v7 =	vadd.f32 v8, v7;
	vm0 =	veq.s32 v6, v3  }
0x11d: {  	v6 =	vsel vm0, $0x3F800000, v1;
	v8 =	vld [tilespmem:s18+$0x1040]  }
0x11e: {  	v6 =	vadd.f32 v6, v7;
	vm0 =	veq.s32 v5, v3  }
0x11f: {  	v5 =	vsel vm0, $0x3F800000, v1;
	v10 =	vld [tilespmem:s18+$0x1050]  }
.Ltmp6:
0x120: {  	v5 =	vadd.f32 v5, v6;
	vm0 =	veq.s32 v9, v3;
	(pc) =	sbr.rel @p1 .LBB2_9-.Ltmp6, $4  }
0x121: {  	v7 =	vsel vm0, $0x3F800000, v1;
	v6 =	vld [tilespmem:s18+$0x1060]  }
0x122: {  	v7 =	vadd.f32 v7, v5;
	vm0 =	veq.s32 v8, v3  }
0x123: {  	v8 =	vsel vm0, $0x3F800000, v1;
	v5 =	vld [tilespmem:s18+$0x1070]  }
0x124: {  	s18 =	sshra.s32 s19, $0x2;
	s19 =	sadd.s32 $0x200, s19;
	v7 =	vadd.f32 v8, v7;
	vm0 =	veq.s32 v10, v3  }
0x125: {  	v8 =	vld [tilespmem:s18+$0x1000];
	v9 =	vsel vm0, $0x3F800000, v1  }
0x126: {  	v7 =	vadd.f32 v9, v7;
	vm6 =	veq.s32 v6, v3  }
0x127: {  	v51 =	vld [tilespmem:s18+$0x1010];
	v52 =	vsel vm6, $0x3F800000, v1  }
0x128: {  	v7 =	vadd.f32 v52, v7;
	vm7 =	veq.s32 v5, v3  }
0x129: {  	v5 =	vld [tilespmem:s18+$0x1020];
	v53 =	vsel vm7, $0x3F800000, v1  }
0x12a: {  	vm8 =	veq.s32 v8, v3;
	v7 =	vadd.f32 v53, v7  }
0x12b: {  	v54 =	vld [tilespmem:s18+$0x1030];
	v8 =	vsel vm8, $0x3F800000, v1  }
0x12c: {  	(v2sf) =	vpush v4, $0x0;
	vm9 =	veq.s32 v51, v3;
	v7 =	vadd.f32 v8, v7  }
0x12d: {  	v55 =	vld [tilespmem:s18+$0x1040];
	(v2sf) =	vpush v4, $0x1;
	v6 =	vsel vm9, $0x3F800000, v1  }
0x12e: {  	(v2sf) =	vpush v4, $0x2;
	vm10 =	veq.s32 v5, v3;
	v6 =	vadd.f32 v6, v7  }
0x12f: {  	v56 =	vld [tilespmem:s18+$0x1050];
	(v2sf) =	vpush v4, $0x3;
	v5 =	vsel vm10, $0x3F800000, v1  }
0x130: {  	(v2sf) =	vpush v4, $0x4;
	vm11 =	veq.s32 v54, v3;
	v5 =	vadd.f32 v5, v6  }
0x131: {  	v58 =	vld [tilespmem:s18+$0x1060];
	(v2sf) =	vpush v4, $0x5;
	v57 =	vsel vm11, $0x3F800000, v1  }
0x132: {  	vm12 =	veq.s32 v55, v3;
	(v2sf) =	vpush v4, $0x6;
	v5 =	vadd.f32 v57, v5  }
0x133: {  	v60 =	vld [tilespmem:s18+$0x1070];
	v59 =	vsel vm12, $0x3F800000, v1;
	(v2sf) =	vpush v4, $0x7  }
0x134: {  	vm13 =	veq.s32 v56, v3;
	(v2sf) =	vpush v4, $0x8;
	v5 =	vadd.f32 v59, v5  }
0x135: {  	v61 =	vsel vm13, $0x3F800000, v1;
	(v2sf) =	vpush v4, $0x9  }
0x136: {  	vm14 =	veq.s32 v58, v3;
	(v2sf) =	vpush v4, $0xA;
	v5 =	vadd.f32 v61, v5  }
0x137: {  	v62 =	vsel vm14, $0x3F800000, v1;
	(v2sf) =	vpush v4, $0xB  }
0x138: {  	vm15 =	veq.s32 v60, v3;
	(v2sf) =	vpush v4, $0xC;
	v5 =	vadd.f32 v62, v5  }
0x139: {  	v63 =	vsel vm15, $0x3F800000, v1;
	(v2sf) =	vpush v4, $0xD  }
0x13a: {  	(v2sf) =	vpush v4, $0xE;
	v5 =	vadd.f32 v63, v5  }
0x13b: {  	s0 =	spop (v2sf);
	(v2sf) =	vpush v4, $0xF  }
0x13c: {  	s1 =	spop (v2sf);
	(v2sf) =	vpush v5, $0x0  }
0x13d: {  	s2 =	spop (v2sf);
	(v2sf) =	vpush v5, $0x1  }
0x13e: {  	s3 =	spop (v2sf)  }
0x13f: {  	s5 =	spop (v2sf);
	(v2sf) =	vpush v5, $0x2  }
0x140: {  	s6 =	spop (v2sf)  }
0x141: {  	s7 =	spop (v2sf);
	(v2sf) =	vpush v5, $0x3  }
0x142: {  	s8 =	spop (v2sf)  }
0x143: {  	s9 =	spop (v2sf);
	(v2sf) =	vpush v5, $0x4  }
0x144: {  	s10 =	spop (v2sf)  }
0x145: {  	s29 =	spop (v2sf);
	(v2sf) =	vpush v5, $0x5  }
0x146: {  	s19 =	spop (v2sf)  }
0x147: {  	s20 =	spop (v2sf);
	(v2sf) =	vpush v5, $0x6  }
0x148: {  	s21 =	spop (v2sf)  }
0x149: {  	s22 =	spop (v2sf);
	(v2sf) =	vpush v5, $0x7  }
0x14a: {  	s23 =	spop (v2sf)  }
0x14b: {  	(v2sf) =	vpush v5, $0x8;
	s24 =	spop (v2sf)  }
0x14c: {  	s0 =	sadd.f32 s1, s0;
	s30 =	spop (v2sf)  }
0x14d: {  	(v2sf) =	vpush v5, $0x9;
	s1 =	sadd.f32 s30, s24  }
0x14e: {  	s0 =	sadd.f32 s0, s2;
	s31 =	spop (v2sf)  }
0x14f: {  	(v2sf) =	vpush v5, $0xA;
	s1 =	sadd.f32 s1, s31  }
0x150: {  	s0 =	sadd.f32 s0, s3;
	s3 =	spop (v2sf)  }
0x151: {  	(v2sf) =	vpush v5, $0xB;
	s1 =	sadd.f32 s1, s3  }
0x152: {  	s0 =	sadd.f32 s0, s5;
	s5 =	spop (v2sf)  }
0x153: {  	(v2sf) =	vpush v5, $0xC;
	s1 =	sadd.f32 s1, s5  }
0x154: {  	s0 =	sadd.f32 s0, s6;
	s6 =	spop (v2sf)  }
0x155: {  	(v2sf) =	vpush v5, $0xD;
	s1 =	sadd.f32 s1, s6  }
0x156: {  	s0 =	sadd.f32 s0, s7;
	s7 =	spop (v2sf)  }
0x157: {  	(v2sf) =	vpush v5, $0xE;
	s1 =	sadd.f32 s1, s7  }
0x158: {  	s0 =	sadd.f32 s0, s8;
	s8 =	spop (v2sf)  }
0x159: {  	(v2sf) =	vpush v5, $0xF;
	s1 =	sadd.f32 s1, s8  }
0x15a: {  	s0 =	sadd.f32 s0, s9;
	s9 =	spop (v2sf)  }
0x15b: {  	s1 =	sadd.f32 s1, s9  }
0x15c: {  	s0 =	sadd.f32 s0, s10;
	s24 =	spop (v2sf)  }
0x15d: {  	s1 =	sadd.f32 s1, s24  }
0x15e: {  	s0 =	sadd.f32 s0, s29;
	s25 =	spop (v2sf)  }
0x15f: {  	s1 =	sadd.f32 s1, s25  }
0x160: {  	s0 =	sadd.f32 s0, s19;
	s26 =	spop (v2sf)  }
0x161: {  	s1 =	sadd.f32 s1, s26  }
0x162: {  	s0 =	sadd.f32 s0, s20;
	s28 =	spop (v2sf)  }
0x163: {  	s1 =	sadd.f32 s1, s28  }
0x164: {  	s0 =	sadd.f32 s0, s21;
	s29 =	spop (v2sf)  }
0x165: {  	s1 =	sadd.f32 s1, s29  }
0x166: {  	s0 =	sadd.f32 s0, s22;
	s30 =	spop (v2sf)  }
0x167: {  	s1 =	sadd.f32 s1, s30  }
0x168: {  	s0 =	sadd.f32 s0, s23;
	s31 =	spop (v2sf)  }
0x169: {  	s1 =	sadd.f32 s1, s31  }
0x16a: {  	s0 =	scvt.f32.s32 s0  }
0x16b: {  	s1 =	scvt.f32.s32 s1  }
0x16c: {  	s18 =	ssub.s32 $0x200, s0  }
0x16d: {  	p1 =	seq.s32 s18, s1  }
.Ltmp7:
0x16e: {  	_ = 	snop;
	(pc) =	sbr.rel @p1 .LBB2_14-.Ltmp7, $3  }
0x16f: {  	_ =	sdelay $0x1  }
0x170: {  	s2 =	simm.s32 $0x80  }
0x171: {  	s19 =	simm.s32 $0x0;
	s20 =	simm.s32 $0x0;
	s21 =	simm.s32 $0x1000  }
.LBB2_11:
0x172: {  	s0 =	simm.s32 $0x1040  }
0x173: {  	v5 =	vld [tilespmem:s0+$0xFFFFFFC0];
	_ =	sdelay $0x1  }
0x174: {  	s1 =	sshrl.u32 s13, s20;
	v6 =	vld [tilespmem:s0+$0xFFFFFFD0]  }
0x175: {  	s24 =	simm.s32 $0x0;
	s21 =	sor.u32 s1, s19  }
0x176: {  	v7 =	vor.u32 s24, v2;
	v8 =	vld [tilespmem:s0+$0xFFFFFFE0];
	v4 =	vmov s21  }
0x177: {  	s25 =	simm.s32 $0x10;
	vm1 =	vlt.s32 v7, v4;
	vm0 =	veq.s32 v5, v3  }
0x178: {  	v9 =	vld [tilespmem:s0+$0xFFFFFFF0];
	v7 =	vor.u32 s25, v2;
	v5 =	vimm.f32 $0.0e+00;
	vm0 =	vmand vm1, vm0  }
0x179: {  	s26 =	simm.s32 $0x20;
	vm1 =	vlt.s32 v7, v4;
	v10 =	vsel vm0, $0x3F800000, v1;
	vm0 =	veq.s32 v6, v3  }
0x17a: {  	v7 =	vld [tilespmem:s0+$0x0];
	v6 =	vor.u32 s26, v2;
	v5 =	vadd.f32 v10, v5;
	vm0 =	vmand vm1, vm0  }
0x17b: {  	s28 =	simm.s32 $0x30;
	vm1 =	vlt.s32 v6, v4;
	v10 =	vsel vm0, $0x3F800000, v1;
	vm0 =	veq.s32 v8, v3  }
0x17c: {  	v6 =	vor.u32 s28, v2;
	v5 =	vadd.f32 v10, v5;
	vm0 =	vmand vm1, vm0  }
0x17d: {  	s29 =	simm.s32 $0x40;
	v8 =	vld [tilespmem:s0+$0x10];
	vm1 =	vlt.s32 v6, v4;
	v10 =	vsel vm0, $0x3F800000, v1;
	vm0 =	veq.s32 v9, v3  }
0x17e: {  	v6 =	vor.u32 s29, v2;
	vm0 =	vmand vm1, vm0  }
0x17f: {  	v5 =	vadd.f32 v10, v5;
	v9 =	vsel vm0, $0x3F800000, v1;
	vm0 =	veq.s32 v7, v3;
	v7 =	vld [tilespmem:s0+$0x20]  }
0x180: {  	s30 =	simm.s32 $0x50;
	vm1 =	vlt.s32 v6, v4  }
0x181: {  	v6 =	vor.u32 s30, v2;
	v9 =	vadd.f32 v9, v5;
	vm0 =	vmand vm1, vm0;
	v5 =	vld [tilespmem:s0+$0x30]  }
0x182: {  	s31 =	simm.s32 $0x60;
	s23 =	simm.s32 $0x10C0;
	vm1 =	vlt.s32 v6, v4;
	v10 =	vsel vm0, $0x3F800000, v1;
	vm0 =	veq.s32 v8, v3  }
0x183: {  	s22 =	simm.s32 $0xF0;
	s24 =	simm.s32 $0x70;
	s25 =	simm.s32 $0x170;
	v6 =	vld [tilespmem:s23+$0xFFFFFFC0];
	v8 =	vadd.f32 v10, v9;
	vm0 =	vmand vm1, vm0;
	v9 =	vor.u32 s31, v2  }
.LBB2_12:
0x184: {  	p1 =	sne.s32 s25, $0xFF0;
	v10 =	vsel vm0, $0x3F800000, v1;
	vm0 =	veq.s32 v7, v3;
	vm1 =	vlt.s32 v9, v4  }
0x185: {  	v9 =	vor.u32 s24, v2;
	s24 =	smov.u32 s22;
	s22 =	smov.u32 s25;
	v7 =	vld [tilespmem:s23+$0xFFFFFFD0];
	v8 =	vadd.f32 v10, v8;
	vm0 =	vmand vm1, vm0  }
0x186: {  	s0 =	sadd.s32 $0xFFFFFF90, s24;
	vm1 =	vlt.s32 v9, v4;
	v10 =	vsel vm0, $0x3F800000, v1;
	vm0 =	veq.s32 v5, v3  }
0x187: {  	v5 =	vor.u32 s0, v2;
	v9 =	vld [tilespmem:s23+$0xFFFFFFE0];
	v8 =	vadd.f32 v10, v8;
	vm0 =	vmand vm1, vm0  }
0x188: {  	s0 =	sadd.s32 $0xFFFFFFA0, s24;
	vm2 =	vlt.s32 v5, v4;
	vm1 =	veq.s32 v6, v3;
	v5 =	vsel vm0, $0x3F800000, v1  }
0x189: {  	v6 =	vor.u32 s0, v2;
	vm0 =	vmand vm2, vm1;
	v10 =	vld [tilespmem:s23+$0xFFFFFFF0];
	v5 =	vadd.f32 v5, v8  }
0x18a: {  	s0 =	sadd.s32 $0xFFFFFFB0, s24;
	vm1 =	vlt.s32 v6, v4;
	v8 =	vsel vm0, $0x3F800000, v1;
	vm0 =	veq.s32 v7, v3  }
0x18b: {  	v6 =	vor.u32 s0, v2;
	v5 =	vadd.f32 v8, v5;
	vm0 =	vmand vm1, vm0;
	v8 =	vld [tilespmem:s23+$0x0]  }
0x18c: {  	s0 =	sadd.s32 $0xFFFFFFC0, s24;
	vm1 =	vlt.s32 v6, v4;
	v7 =	vsel vm0, $0x3F800000, v1;
	vm0 =	veq.s32 v9, v3  }
0x18d: {  	v6 =	vor.u32 s0, v2;
	v5 =	vadd.f32 v7, v5;
	vm0 =	vmand vm1, vm0;
	v9 =	vld [tilespmem:s23+$0x10]  }
0x18e: {  	s0 =	sadd.s32 $0xFFFFFFD0, s24;
	vm1 =	vlt.s32 v6, v4;
	v7 =	vsel vm0, $0x3F800000, v1;
	vm0 =	veq.s32 v10, v3  }
.Ltmp8:
0x18f: {  	v6 =	vor.u32 s0, v2;
	v5 =	vadd.f32 v7, v5;
	vm0 =	vmand vm1, vm0;
	v7 =	vld [tilespmem:s23+$0x20];
	(pc) =	sbr.rel @p1 .LBB2_12-.Ltmp8, $4  }
0x190: {  	s0 =	sadd.s32 $0xFFFFFFE0, s24;
	vm1 =	vlt.s32 v6, v4;
	v10 =	vsel vm0, $0x3F800000, v1;
	vm0 =	veq.s32 v8, v3  }
0x191: {  	v6 =	vor.u32 s0, v2;
	v8 =	vadd.f32 v10, v5;
	vm0 =	vmand vm1, vm0;
	v5 =	vld [tilespmem:s23+$0x30]  }
0x192: {  	s0 =	sadd.s32 $0xFFFFFFF0, s24;
	vm1 =	vlt.s32 v6, v4;
	s23 =	sadd.s32 $0x80, s23;
	v10 =	vsel vm0, $0x3F800000, v1;
	vm0 =	veq.s32 v9, v3  }
0x193: {  	s25 =	sadd.s32 $0x80, s25;
	v9 =	vor.u32 s0, v2;
	v6 =	vld [tilespmem:s23+$0xFFFFFFC0];
	v8 =	vadd.f32 v10, v8;
	vm0 =	vmand vm1, vm0  }
0x194: {  	v10 =	vsel vm0, $0x3F800000, v1;
	vm9 =	veq.s32 v7, v3;
	vm1 =	vlt.s32 v9, v4  }
0x195: {  	v41 =	vld [tilespmem:s23+$0xFFFFFFD0];
	v42 =	vor.u32 s24, v2;
	v8 =	vadd.f32 v10, v8;
	vm0 =	vmand vm1, vm9  }
0x196: {  	s0 =	sadd.s32 $0xFFFFFF90, s22;
	vm11 =	vlt.s32 v42, v4;
	v43 =	vsel vm0, $0x3F800000, v1;
	vm10 =	veq.s32 v5, v3  }
0x197: {  	v44 =	vld [tilespmem:s23+$0xFFFFFFE0];
	v5 =	vor.u32 s0, v2;
	v8 =	vadd.f32 v43, v8;
	vm0 =	vmand vm11, vm10  }
0x198: {  	s28 =	sadd.s32 $0xFFFFFFA0, s22;
	vm2 =	vlt.s32 v5, v4;
	vm12 =	veq.s32 v6, v3;
	v5 =	vsel vm0, $0x3F800000, v1  }
0x199: {  	v46 =	vld [tilespmem:s23+$0xFFFFFFF0];
	v45 =	vor.u32 s28, v2;
	vm13 =	vmand vm2, vm12;
	v5 =	vadd.f32 v5, v8  }
0x19a: {  	s29 =	sadd.s32 $0xFFFFFFB0, s22;
	vm15 =	vlt.s32 v45, v4;
	vm14 =	veq.s32 v41, v3;
	v47 =	vsel vm13, $0x3F800000, v1  }
0x19b: {  	v49 =	vld [tilespmem:s23+$0x0];
	v48 =	vor.u32 s29, v2;
	vm0 =	vmand vm15, vm14;
	v5 =	vadd.f32 v47, v5  }
0x19c: {  	s30 =	sadd.s32 $0xFFFFFFC0, s22;
	vm5 =	vlt.s32 v48, v4;
	vm4 =	veq.s32 v44, v3;
	v50 =	vsel vm0, $0x3F800000, v1  }
0x19d: {  	v52 =	vld [tilespmem:s23+$0x10];
	v51 =	vor.u32 s30, v2;
	vm0 =	vmand vm5, vm4;
	v5 =	vadd.f32 v50, v5  }
0x19e: {  	s31 =	sadd.s32 $0xFFFFFFD0, s22;
	vm7 =	vlt.s32 v51, v4;
	vm6 =	veq.s32 v46, v3;
	v53 =	vsel vm0, $0x3F800000, v1  }
0x19f: {  	v55 =	vld [tilespmem:s23+$0x20];
	v54 =	vor.u32 s31, v2;
	vm0 =	vmand vm7, vm6;
	v5 =	vadd.f32 v53, v5  }
0x1a0: {  	s1 =	sadd.s32 $0xFFFFFFE0, s22;
	vm9 =	vlt.s32 v54, v4;
	vm8 =	veq.s32 v49, v3;
	v56 =	vsel vm0, $0x3F800000, v1  }
0x1a1: {  	v58 =	vld [tilespmem:s23+$0x30];
	v57 =	vor.u32 s1, v2;
	vm0 =	vmand vm9, vm8;
	v5 =	vadd.f32 v56, v5  }
0x1a2: {  	s3 =	sadd.s32 $0xFFFFFFF0, s22;
	vm11 =	vlt.s32 v57, v4;
	vm10 =	veq.s32 v52, v3;
	v59 =	vsel vm0, $0x3F800000, v1  }
0x1a3: {  	v60 =	vor.u32 s3, v2;
	vm0 =	vmand vm11, vm10;
	v5 =	vadd.f32 v59, v5  }
0x1a4: {  	vm12 =	veq.s32 v55, v3;
	vm13 =	vlt.s32 v60, v4;
	v61 =	vsel vm0, $0x3F800000, v1  }
0x1a5: {  	v62 =	vor.u32 s22, v2;
	vm0 =	vmand vm13, vm12;
	v5 =	vadd.f32 v61, v5  }
0x1a6: {  	vm14 =	veq.s32 v58, v3;
	vm15 =	vlt.s32 v62, v4;
	v63 =	vsel vm0, $0x3F800000, v1  }
0x1a7: {  	vm0 =	vmand vm15, vm14;
	v4 =	vadd.f32 v63, v5  }
0x1a8: {  	v5 =	vsel vm0, $0x3F800000, v1  }
0x1a9: {  	v4 =	vadd.f32 v5, v4;
	_ =	sdelay $0x1  }
0x1aa: {  	(v2sf) =	vpush v4, $0x0  }
0x1ab: {  	(v2sf) =	vpush v4, $0x1;
	_ =	sdelay $0x1  }
0x1ac: {  	(v2sf) =	vpush v4, $0x2;
	_ =	sdelay $0x1  }
0x1ad: {  	(v2sf) =	vpush v4, $0x3;
	_ =	sdelay $0x1  }
0x1ae: {  	(v2sf) =	vpush v4, $0x4;
	_ =	sdelay $0x1  }
0x1af: {  	(v2sf) =	vpush v4, $0x5;
	_ =	sdelay $0x1  }
0x1b0: {  	(v2sf) =	vpush v4, $0x6;
	_ =	sdelay $0x1  }
0x1b1: {  	(v2sf) =	vpush v4, $0x7;
	_ =	sdelay $0x1  }
0x1b2: {  	s5 =	spop (v2sf);
	(v2sf) =	vpush v4, $0x8  }
0x1b3: {  	s1 =	spop (v2sf)  }
0x1b4: {  	(v2sf) =	vpush v4, $0x9;
	s0 =	sadd.f32 s1, s5  }
0x1b5: {  	s6 =	spop (v2sf)  }
0x1b6: {  	(v2sf) =	vpush v4, $0xA;
	s0 =	sadd.f32 s0, s6  }
0x1b7: {  	s7 =	spop (v2sf)  }
0x1b8: {  	(v2sf) =	vpush v4, $0xB;
	s0 =	sadd.f32 s0, s7  }
0x1b9: {  	s8 =	spop (v2sf)  }
0x1ba: {  	(v2sf) =	vpush v4, $0xC;
	s0 =	sadd.f32 s0, s8  }
0x1bb: {  	s9 =	spop (v2sf)  }
0x1bc: {  	(v2sf) =	vpush v4, $0xD;
	s0 =	sadd.f32 s0, s9  }
0x1bd: {  	s10 =	spop (v2sf)  }
0x1be: {  	(v2sf) =	vpush v4, $0xE;
	s0 =	sadd.f32 s0, s10  }
0x1bf: {  	s22 =	spop (v2sf)  }
0x1c0: {  	(v2sf) =	vpush v4, $0xF;
	s0 =	sadd.f32 s0, s22  }
0x1c1: {  	s23 =	spop (v2sf)  }
0x1c2: {  	s0 =	sadd.f32 s0, s23  }
0x1c3: {  	s24 =	spop (v2sf)  }
0x1c4: {  	s0 =	sadd.f32 s0, s24  }
0x1c5: {  	s25 =	spop (v2sf)  }
0x1c6: {  	s0 =	sadd.f32 s0, s25  }
0x1c7: {  	s26 =	spop (v2sf)  }
0x1c8: {  	s0 =	sadd.f32 s0, s26  }
0x1c9: {  	s28 =	spop (v2sf)  }
0x1ca: {  	s0 =	sadd.f32 s0, s28  }
0x1cb: {  	s29 =	spop (v2sf)  }
0x1cc: {  	s0 =	sadd.f32 s0, s29  }
0x1cd: {  	s30 =	spop (v2sf)  }
0x1ce: {  	s0 =	sadd.f32 s0, s30  }
0x1cf: {  	s31 =	spop (v2sf)  }
0x1d0: {  	s0 =	sadd.f32 s0, s31;
	_ =	sdelay $0x1  }
0x1d1: {  	s0 =	scvt.f32.s32 s0;
	_ =	sdelay $0x1  }
0x1d2: {  	s20 =	sadd.s32 $0x1, s20;
	p1 =	sgt.s32 s18, s0  }
0x1d3: {  	s19 =	smov.u32 @p1 s21;
	p1 =	sne.s32 s20, $0xD  }
.Ltmp9:
0x1d4: {  	_ = 	snop;
	(pc) =	sbr.rel @p1 .LBB2_11-.Ltmp9, $2  }
0x1d5: {  	_ =	sdelay $0x2  }
0x1d6: {  	s21 =	smov.u32 s19  }
.LBB2_14:
0x1d7: {  	s18 =	simm.s32 $0x1040  }
0x1d8: {  	v5 =	vld [tilespmem:s18+$0xFFFFFFC0];
	_ =	sdelay $0x1  }
0x1d9: {  	s19 =	simm.s32 $0x40  }
0x1da: {  	s0 =	simm.s32 $0x0;
	v6 =	vld [tilespmem:s19+$0xFFFFFFC0]  }
0x1db: {  	v4 =	vmov s21;
	v7 =	vor.u32 s0, v2  }
0x1dc: {  	vm1 =	vle.s32 v7, v4;
	vm0 =	veq.s32 v5, v3  }
0x1dd: {  	vm2 =	vgt.s32 v5, v3;
	vm0 =	vmand vm1, vm0  }
0x1de: {  	vm0 =	vmor vm2, vm0  }
0x1df: {  	s20 =	simm.s32 $0x2040;
	v5 =	vnsel vm0, $0x0, v6  }
0x1e0: {  	[tilespmem:s20+$0xFFFFFFC0] =	vst v5  }
0x1e1: {  	v5 =	vld [tilespmem:s18+$0xFFFFFFD0];
	_ =	sdelay $0x2  }
0x1e2: {  	s24 =	simm.s32 $0x10;
	v6 =	vld [tilespmem:s19+$0xFFFFFFD0]  }
0x1e3: {  	v7 =	vor.u32 s24, v2  }
0x1e4: {  	vm8 =	vle.s32 v7, v4;
	vm7 =	veq.s32 v5, v3  }
0x1e5: {  	vm9 =	vgt.s32 v5, v3;
	vm0 =	vmand vm8, vm7  }
0x1e6: {  	vm0 =	vmor vm9, vm0  }
0x1e7: {  	v5 =	vnsel vm0, $0x0, v6  }
0x1e8: {  	[tilespmem:s20+$0xFFFFFFD0] =	vst v5  }
0x1e9: {  	v5 =	vld [tilespmem:s18+$0xFFFFFFE0];
	_ =	sdelay $0x2  }
0x1ea: {  	s25 =	simm.s32 $0x20;
	v6 =	vld [tilespmem:s19+$0xFFFFFFE0]  }
0x1eb: {  	v7 =	vor.u32 s25, v2  }
0x1ec: {  	vm11 =	vle.s32 v7, v4;
	vm10 =	veq.s32 v5, v3  }
0x1ed: {  	vm12 =	vgt.s32 v5, v3;
	vm0 =	vmand vm11, vm10  }
0x1ee: {  	vm0 =	vmor vm12, vm0  }
0x1ef: {  	v5 =	vnsel vm0, $0x0, v6  }
0x1f0: {  	[tilespmem:s20+$0xFFFFFFE0] =	vst v5  }
0x1f1: {  	v5 =	vld [tilespmem:s18+$0xFFFFFFF0];
	_ =	sdelay $0x2  }
0x1f2: {  	s26 =	simm.s32 $0x30;
	v6 =	vld [tilespmem:s19+$0xFFFFFFF0]  }
0x1f3: {  	v7 =	vor.u32 s26, v2  }
0x1f4: {  	vm14 =	vle.s32 v7, v4;
	vm13 =	veq.s32 v5, v3  }
0x1f5: {  	vm15 =	vgt.s32 v5, v3;
	vm0 =	vmand vm14, vm13  }
0x1f6: {  	vm0 =	vmor vm15, vm0  }
0x1f7: {  	v5 =	vnsel vm0, $0x0, v6  }
0x1f8: {  	[tilespmem:s20+$0xFFFFFFF0] =	vst v5  }
0x1f9: {  	v5 =	vld [tilespmem:s18+$0x0];
	_ =	sdelay $0x2  }
0x1fa: {  	s28 =	simm.s32 $0x40;
	v6 =	vld [tilespmem:s19+$0x0]  }
0x1fb: {  	v7 =	vor.u32 s28, v2  }
0x1fc: {  	vm5 =	vle.s32 v7, v4;
	vm4 =	veq.s32 v5, v3  }
0x1fd: {  	vm6 =	vgt.s32 v5, v3;
	vm0 =	vmand vm5, vm4  }
0x1fe: {  	vm0 =	vmor vm6, vm0  }
0x1ff: {  	v5 =	vnsel vm0, $0x0, v6  }
0x200: {  	[tilespmem:s20+$0x0] =	vst v5  }
0x201: {  	v5 =	vld [tilespmem:s18+$0x10];
	_ =	sdelay $0x2  }
0x202: {  	s29 =	simm.s32 $0x50;
	v6 =	vld [tilespmem:s19+$0x10]  }
0x203: {  	v7 =	vor.u32 s29, v2  }
0x204: {  	vm8 =	vle.s32 v7, v4;
	vm7 =	veq.s32 v5, v3  }
0x205: {  	vm9 =	vgt.s32 v5, v3;
	vm0 =	vmand vm8, vm7  }
0x206: {  	vm0 =	vmor vm9, vm0  }
0x207: {  	v5 =	vnsel vm0, $0x0, v6  }
0x208: {  	[tilespmem:s20+$0x10] =	vst v5  }
0x209: {  	v5 =	vld [tilespmem:s18+$0x20];
	_ =	sdelay $0x2  }
0x20a: {  	s30 =	simm.s32 $0x60;
	v6 =	vld [tilespmem:s19+$0x20]  }
0x20b: {  	v7 =	vor.u32 s30, v2  }
0x20c: {  	vm11 =	vle.s32 v7, v4;
	vm10 =	veq.s32 v5, v3  }
0x20d: {  	vm12 =	vgt.s32 v5, v3;
	vm0 =	vmand vm11, vm10  }
0x20e: {  	vm0 =	vmor vm12, vm0  }
0x20f: {  	v5 =	vnsel vm0, $0x0, v6  }
0x210: {  	[tilespmem:s20+$0x20] =	vst v5  }
0x211: {  	v5 =	vld [tilespmem:s18+$0x30];
	_ =	sdelay $0x2  }
0x212: {  	s31 =	simm.s32 $0x70;
	v6 =	vld [tilespmem:s19+$0x30]  }
0x213: {  	v7 =	vor.u32 s31, v2  }
0x214: {  	vm14 =	vle.s32 v7, v4;
	vm13 =	veq.s32 v5, v3  }
0x215: {  	vm15 =	vgt.s32 v5, v3;
	vm0 =	vmand vm14, vm13  }
0x216: {  	vm0 =	vmor vm15, vm0  }
0x217: {  	s21 =	simm.s32 $0xF0;
	v5 =	vnsel vm0, $0x0, v6  }
.LBB2_15:
0x218: {  	[tilespmem:s20+$0x30] =	vst v5;
	s19 =	sadd.s32 $0x80, s19;
	s18 =	sadd.s32 $0x80, s18;
	s20 =	sadd.s32 $0x80, s20  }
0x219: {  	p1 =	sne.s32 s21, $0xFF0;
	s22 =	smov.u32 s21;
	s21 =	sadd.s32 $0x80, s21;
	v5 =	vld [tilespmem:s18+$0xFFFFFFC0]  }
0x21a: {  	_ =	sdelay $0x1  }
0x21b: {  	s0 =	sadd.s32 $0xFFFFFF90, s22;
	v6 =	vld [tilespmem:s19+$0xFFFFFFC0]  }
0x21c: {  	v7 =	vor.u32 s0, v2  }
0x21d: {  	vm1 =	vle.s32 v7, v4;
	vm0 =	veq.s32 v5, v3  }
0x21e: {  	vm2 =	vgt.s32 v5, v3;
	vm0 =	vmand vm1, vm0  }
0x21f: {  	vm0 =	vmor vm2, vm0  }
0x220: {  	v5 =	vnsel vm0, $0x0, v6  }
0x221: {  	[tilespmem:s20+$0xFFFFFFC0] =	vst v5  }
0x222: {  	v5 =	vld [tilespmem:s18+$0xFFFFFFD0];
	_ =	sdelay $0x2  }
0x223: {  	s0 =	sadd.s32 $0xFFFFFFA0, s22;
	v6 =	vld [tilespmem:s19+$0xFFFFFFD0]  }
0x224: {  	v7 =	vor.u32 s0, v2  }
0x225: {  	vm1 =	vle.s32 v7, v4;
	vm0 =	veq.s32 v5, v3  }
0x226: {  	vm2 =	vgt.s32 v5, v3;
	vm0 =	vmand vm1, vm0  }
0x227: {  	vm0 =	vmor vm2, vm0  }
0x228: {  	v5 =	vnsel vm0, $0x0, v6  }
0x229: {  	[tilespmem:s20+$0xFFFFFFD0] =	vst v5  }
0x22a: {  	v5 =	vld [tilespmem:s18+$0xFFFFFFE0];
	_ =	sdelay $0x2  }
0x22b: {  	s0 =	sadd.s32 $0xFFFFFFB0, s22;
	v6 =	vld [tilespmem:s19+$0xFFFFFFE0]  }
0x22c: {  	v7 =	vor.u32 s0, v2  }
0x22d: {  	vm1 =	vle.s32 v7, v4;
	vm0 =	veq.s32 v5, v3  }
0x22e: {  	vm2 =	vgt.s32 v5, v3;
	vm0 =	vmand vm1, vm0  }
0x22f: {  	vm0 =	vmor vm2, vm0  }
0x230: {  	v5 =	vnsel vm0, $0x0, v6  }
0x231: {  	[tilespmem:s20+$0xFFFFFFE0] =	vst v5  }
0x232: {  	v5 =	vld [tilespmem:s18+$0xFFFFFFF0];
	_ =	sdelay $0x2  }
0x233: {  	s0 =	sadd.s32 $0xFFFFFFC0, s22;
	v6 =	vld [tilespmem:s19+$0xFFFFFFF0]  }
0x234: {  	v7 =	vor.u32 s0, v2  }
0x235: {  	vm1 =	vle.s32 v7, v4;
	vm0 =	veq.s32 v5, v3  }
0x236: {  	vm2 =	vgt.s32 v5, v3;
	vm0 =	vmand vm1, vm0  }
0x237: {  	vm0 =	vmor vm2, vm0  }
0x238: {  	v5 =	vnsel vm0, $0x0, v6  }
0x239: {  	[tilespmem:s20+$0xFFFFFFF0] =	vst v5  }
0x23a: {  	v5 =	vld [tilespmem:s18+$0x0];
	_ =	sdelay $0x2  }
0x23b: {  	s0 =	sadd.s32 $0xFFFFFFD0, s22;
	v6 =	vld [tilespmem:s19+$0x0]  }
0x23c: {  	v7 =	vor.u32 s0, v2  }
0x23d: {  	vm1 =	vle.s32 v7, v4;
	vm0 =	veq.s32 v5, v3  }
0x23e: {  	vm2 =	vgt.s32 v5, v3;
	vm0 =	vmand vm1, vm0  }
0x23f: {  	vm0 =	vmor vm2, vm0  }
0x240: {  	v5 =	vnsel vm0, $0x0, v6  }
0x241: {  	[tilespmem:s20+$0x0] =	vst v5  }
0x242: {  	v5 =	vld [tilespmem:s18+$0x10]  }
0x243: {  	v6 =	vld [tilespmem:s19+$0x10];
	_ =	sdelay $0x1  }
0x244: {  	s0 =	sadd.s32 $0xFFFFFFE0, s22  }
0x245: {  	v7 =	vor.u32 s0, v2  }
0x246: {  	vm1 =	vle.s32 v7, v4;
	vm0 =	veq.s32 v5, v3  }
0x247: {  	vm2 =	vgt.s32 v5, v3;
	vm0 =	vmand vm1, vm0  }
0x248: {  	vm0 =	vmor vm2, vm0  }
0x249: {  	v5 =	vnsel vm0, $0x0, v6  }
0x24a: {  	[tilespmem:s20+$0x10] =	vst v5  }
0x24b: {  	v5 =	vld [tilespmem:s18+$0x20]  }
0x24c: {  	v6 =	vld [tilespmem:s19+$0x20];
	_ =	sdelay $0x1  }
0x24d: {  	s0 =	sadd.s32 $0xFFFFFFF0, s22  }
0x24e: {  	v7 =	vor.u32 s0, v2  }
0x24f: {  	vm1 =	vle.s32 v7, v4;
	vm0 =	veq.s32 v5, v3  }
0x250: {  	vm2 =	vgt.s32 v5, v3;
	vm0 =	vmand vm1, vm0  }
0x251: {  	vm0 =	vmor vm2, vm0  }
0x252: {  	v5 =	vnsel vm0, $0x0, v6  }
0x253: {  	[tilespmem:s20+$0x20] =	vst v5  }
0x254: {  	v5 =	vld [tilespmem:s18+$0x30]  }
0x255: {  	v6 =	vld [tilespmem:s19+$0x30];
	_ =	sdelay $0x2  }
.Ltmp10:
0x256: {  	v7 =	vor.u32 s22, v2;
	(pc) =	sbr.rel @p1 .LBB2_15-.Ltmp10, $4  }
0x257: {  	vm1 =	vle.s32 v7, v4;
	vm0 =	veq.s32 v5, v3  }
0x258: {  	vm2 =	vgt.s32 v5, v3;
	vm0 =	vmand vm1, vm0  }
0x259: {  	vm0 =	vmor vm2, vm0  }
0x25a: {  	v5 =	vnsel vm0, $0x0, v6  }
0x25b: {  	[tilespmem:s20+$0x30] =	vst v5;
	s18 =	simm.s32 $0x2000;
	s0 =	rddreg [dreg:$0x6]  }
0x25c: {  	[spmem:s0] =	stream.strided.scatter [tilespmem:s18], [sflag:$0x1], $0x1000, s11, s2, $0x38;
	[tilespmem:$0x4800] =	vst v63  }
0x25d: {  	_ =	swait.ge [sflag:s12], $0x1000  }
0x25e: {  	[sflag:s12] =	ssyncset.done $0x0  }
0x25f: {  	[sflag:s12] =	ssyncadd.s32 $0xFFFFF000  }
0x260: {  	s25 =	simm.s32 $0x3000;
	[bflag:$0x0] =	sbarrier.arrive $0xFFFF  }
0x261: {  	[tilespmem:s25], [sflag:$0x1] =	stream.linear.gather [spmem:s4], $0x80, $0x38;
	[tilespmem:$0x4800] =	vst v63  }
0x262: {  	s1 =	simm.s32 $0x3400;
	s26 =	rddreg [dreg:$0xf]  }
0x263: {  	[tilespmem:s1], [sflag:$0x1] =	stream.linear.gather [spmem:s26], $0x80, $0x38;
	[tilespmem:$0x4800] =	vst v63  }
0x264: {  	s29 =	simm.s32 $0x3800;
	s28 =	rddreg [dreg:$0x10]  }
0x265: {  	[tilespmem:s29], [sflag:$0x1] =	stream.linear.gather [spmem:s28], $0x80, $0x38;
	[tilespmem:$0x4800] =	vst v63  }
0x266: {  	s31 =	simm.s32 $0x3C00;
	s30 =	rddreg [dreg:$0x11]  }
0x267: {  	[tilespmem:s31], [sflag:$0x1] =	stream.linear.gather [spmem:s30], $0x80, $0x38;
	[tilespmem:$0x4800] =	vst v63  }
0x268: {  	_ =	swait.ge [sflag:s12], $0x200  }
0x269: {  	[sflag:s12] =	ssyncset.done $0x0  }
0x26a: {  	s3 =	simm.s32 $0x3080;
	s1 =	rddreg [dreg:$0x7];
	[sflag:s12] =	ssyncadd.s32 $0xFFFFFE00  }
0x26b: {  	[tilespmem:s3], [sflag:$0x1] =	stream.linear.gather [spmem:s1], $0x80, $0x38;
	[tilespmem:$0x4800] =	vst v63  }
0x26c: {  	s6 =	simm.s32 $0x3480;
	s5 =	rddreg [dreg:$0x12]  }
0x26d: {  	[tilespmem:s6], [sflag:$0x1] =	stream.linear.gather [spmem:s5], $0x80, $0x38;
	[tilespmem:$0x4800] =	vst v63  }
0x26e: {  	s8 =	simm.s32 $0x3880;
	s7 =	rddreg [dreg:$0x13]  }
0x26f: {  	[tilespmem:s8], [sflag:$0x1] =	stream.linear.gather [spmem:s7], $0x80, $0x38;
	[tilespmem:$0x4800] =	vst v63  }
0x270: {  	s10 =	simm.s32 $0x3C80;
	s9 =	rddreg [dreg:$0x14]  }
0x271: {  	[tilespmem:s10], [sflag:$0x1] =	stream.linear.gather [spmem:s9], $0x80, $0x38;
	[tilespmem:$0x4800] =	vst v63  }
0x272: {  	_ =	swait.ge [sflag:s12], $0x200  }
0x273: {  	[sflag:s12] =	ssyncset.done $0x0  }
0x274: {  	s20 =	simm.s32 $0x3100;
	s19 =	rddreg [dreg:$0x8];
	[sflag:s12] =	ssyncadd.s32 $0xFFFFFE00  }
0x275: {  	[tilespmem:s20], [sflag:$0x1] =	stream.linear.gather [spmem:s19], $0x80, $0x38;
	[tilespmem:$0x4800] =	vst v63  }
0x276: {  	s22 =	simm.s32 $0x3500;
	s21 =	rddreg [dreg:$0x15]  }
0x277: {  	[tilespmem:s22], [sflag:$0x1] =	stream.linear.gather [spmem:s21], $0x80, $0x38;
	[tilespmem:$0x4800] =	vst v63  }
0x278: {  	s24 =	simm.s32 $0x3900;
	s23 =	rddreg [dreg:$0x16]  }
0x279: {  	[tilespmem:s24], [sflag:$0x1] =	stream.linear.gather [spmem:s23], $0x80, $0x38;
	[tilespmem:$0x4800] =	vst v63  }
0x27a: {  	s26 =	simm.s32 $0x3D00;
	s25 =	rddreg [dreg:$0x17]  }
0x27b: {  	[tilespmem:s26], [sflag:$0x1] =	stream.linear.gather [spmem:s25], $0x80, $0x38;
	[tilespmem:$0x4800] =	vst v63  }
0x27c: {  	_ =	swait.ge [sflag:s12], $0x200  }
0x27d: {  	[sflag:s12] =	ssyncset.done $0x0  }
0x27e: {  	s29 =	simm.s32 $0x3180;
	s28 =	rddreg [dreg:$0x9];
	[sflag:s12] =	ssyncadd.s32 $0xFFFFFE00  }
0x27f: {  	[tilespmem:s29], [sflag:$0x1] =	stream.linear.gather [spmem:s28], $0x80, $0x38;
	[tilespmem:$0x4800] =	vst v63  }
0x280: {  	s31 =	simm.s32 $0x3580;
	s30 =	rddreg [dreg:$0x18]  }
0x281: {  	[tilespmem:s31], [sflag:$0x1] =	stream.linear.gather [spmem:s30], $0x80, $0x38;
	[tilespmem:$0x4800] =	vst v63  }
0x282: {  	s3 =	simm.s32 $0x3980;
	s1 =	rddreg [dreg:$0x19]  }
0x283: {  	[tilespmem:s3], [sflag:$0x1] =	stream.linear.gather [spmem:s1], $0x80, $0x38;
	[tilespmem:$0x4800] =	vst v63  }
0x284: {  	s6 =	simm.s32 $0x3D80;
	s5 =	rddreg [dreg:$0x1a]  }
0x285: {  	[tilespmem:s6], [sflag:$0x1] =	stream.linear.gather [spmem:s5], $0x80, $0x38;
	[tilespmem:$0x4800] =	vst v63  }
0x286: {  	_ =	swait.ge [sflag:s12], $0x200  }
0x287: {  	[sflag:s12] =	ssyncset.done $0x0  }
0x288: {  	s8 =	simm.s32 $0x3200;
	s7 =	rddreg [dreg:$0xa];
	[sflag:s12] =	ssyncadd.s32 $0xFFFFFE00  }
0x289: {  	[tilespmem:s8], [sflag:$0x1] =	stream.linear.gather [spmem:s7], $0x80, $0x38;
	[tilespmem:$0x4800] =	vst v63  }
0x28a: {  	s10 =	simm.s32 $0x3600;
	s9 =	rddreg [dreg:$0x1b]  }
0x28b: {  	[tilespmem:s10], [sflag:$0x1] =	stream.linear.gather [spmem:s9], $0x80, $0x38;
	[tilespmem:$0x4800] =	vst v63  }
0x28c: {  	s20 =	simm.s32 $0x3A00;
	s19 =	rddreg [dreg:$0x1c]  }
0x28d: {  	[tilespmem:s20], [sflag:$0x1] =	stream.linear.gather [spmem:s19], $0x80, $0x38;
	[tilespmem:$0x4800] =	vst v63  }
0x28e: {  	s22 =	simm.s32 $0x3E00;
	s21 =	rddreg [dreg:$0x1d]  }
0x28f: {  	[tilespmem:s22], [sflag:$0x1] =	stream.linear.gather [spmem:s21], $0x80, $0x38;
	[tilespmem:$0x4800] =	vst v63  }
0x290: {  	_ =	swait.ge [sflag:s12], $0x200  }
0x291: {  	[sflag:s12] =	ssyncset.done $0x0;
	s23 =	rddreg [dreg:$0xb]  }
0x292: {  	s24 =	simm.s32 $0x3280;
	s25 =	rddreg [dreg:$0x1e];
	[sflag:s12] =	ssyncadd.s32 $0xFFFFFE00  }
0x293: {  	[tilespmem:s24], [sflag:$0x1] =	stream.linear.gather [spmem:s23], $0x80, $0x38;
	[tilespmem:$0x4800] =	vst v63  }
0x294: {  	s26 =	simm.s32 $0x3680;
	s28 =	rddreg [dreg:$0x1f]  }
0x295: {  	[tilespmem:s26], [sflag:$0x1] =	stream.linear.gather [spmem:s25], $0x80, $0x38;
	[tilespmem:$0x4800] =	vst v63  }
0x296: {  	s29 =	simm.s32 $0x3A80;
	s30 =	sld [smem:$0x7F7]  }
0x297: {  	[tilespmem:s29], [sflag:$0x1] =	stream.linear.gather [spmem:s28], $0x80, $0x38;
	[tilespmem:$0x4800] =	vst v63  }
0x298: {  	s31 =	simm.s32 $0x3E80  }
0x299: {  	[tilespmem:s31], [sflag:$0x1] =	stream.linear.gather [spmem:s30], $0x80, $0x38;
	[tilespmem:$0x4800] =	vst v63  }
0x29a: {  	_ =	swait.ge [sflag:s12], $0x200  }
0x29b: {  	[sflag:s12] =	ssyncset.done $0x0;
	s1 =	rddreg [dreg:$0xc]  }
0x29c: {  	s3 =	simm.s32 $0x3300;
	s5 =	sld [smem:$0x7F8];
	[sflag:s12] =	ssyncadd.s32 $0xFFFFFE00  }
0x29d: {  	[tilespmem:s3], [sflag:$0x1] =	stream.linear.gather [spmem:s1], $0x80, $0x38;
	[tilespmem:$0x4800] =	vst v63  }
0x29e: {  	s6 =	simm.s32 $0x3700;
	s7 =	sld [smem:$0x7F9]  }
0x29f: {  	[tilespmem:s6], [sflag:$0x1] =	stream.linear.gather [spmem:s5], $0x80, $0x38;
	[tilespmem:$0x4800] =	vst v63  }
0x2a0: {  	s8 =	simm.s32 $0x3B00;
	s9 =	sld [smem:$0x7FA]  }
0x2a1: {  	[tilespmem:s8], [sflag:$0x1] =	stream.linear.gather [spmem:s7], $0x80, $0x38;
	[tilespmem:$0x4800] =	vst v63  }
0x2a2: {  	s10 =	simm.s32 $0x3F00  }
0x2a3: {  	[tilespmem:s10], [sflag:$0x1] =	stream.linear.gather [spmem:s9], $0x80, $0x38;
	[tilespmem:$0x4800] =	vst v63  }
0x2a4: {  	_ =	swait.ge [sflag:s12], $0x200  }
0x2a5: {  	[sflag:s12] =	ssyncset.done $0x0;
	s19 =	rddreg [dreg:$0xd]  }
0x2a6: {  	s20 =	simm.s32 $0x3380;
	s21 =	sld [smem:$0x7FB];
	[sflag:s12] =	ssyncadd.s32 $0xFFFFFE00  }
0x2a7: {  	[tilespmem:s20], [sflag:$0x1] =	stream.linear.gather [spmem:s19], $0x80, $0x38;
	[tilespmem:$0x4800] =	vst v63  }
0x2a8: {  	s22 =	simm.s32 $0x3780;
	s23 =	sld [smem:$0x7FC]  }
0x2a9: {  	[tilespmem:s22], [sflag:$0x1] =	stream.linear.gather [spmem:s21], $0x80, $0x38;
	[tilespmem:$0x4800] =	vst v63  }
0x2aa: {  	s24 =	simm.s32 $0x3B80;
	s25 =	sld [smem:$0x7FD]  }
0x2ab: {  	[tilespmem:s24], [sflag:$0x1] =	stream.linear.gather [spmem:s23], $0x80, $0x38;
	[tilespmem:$0x4800] =	vst v63  }
0x2ac: {  	s26 =	simm.s32 $0x3F80  }
0x2ad: {  	[tilespmem:s26], [sflag:$0x1] =	stream.linear.gather [spmem:s25], $0x80, $0x38;
	[tilespmem:$0x4800] =	vst v63  }
0x2ae: {  	s28 =	simm.s32 $0x0;
	_ =	swait.ge [sflag:s12], $0x200  }
0x2af: {  	s29 =	sand.u32 $0x70, s28;
	s0 =	sand.u32 $0xC00, s28;
	[sflag:s12] =	ssyncset.done $0x0  }
0x2b0: {  	s0 =	sor.u32 s29, s0;
	[sflag:s12] =	ssyncadd.s32 $0xFFFFFE00  }
0x2b1: {  	v3 =	vld [tilespmem:s0+$0x3080]  }
0x2b2: {  	v4 =	vld [tilespmem:s0+$0x3000];
	_ =	sdelay $0x1  }
0x2b3: {  	v59 =	vld [tilespmem:s0+$0x3100];
	_ =	sdelay $0x1  }
0x2b4: {  	v6 =	vld [tilespmem:s0+$0x3180]  }
0x2b5: {  	v3 =	vadd.f32 v3, v4  }
0x2b6: {  	v60 =	vld [tilespmem:s0+$0x3200]  }
0x2b7: {  	v3 =	vadd.f32 v59, v3  }
0x2b8: {  	v61 =	vld [tilespmem:s0+$0x3280]  }
0x2b9: {  	v3 =	vadd.f32 v6, v3  }
0x2ba: {  	v62 =	vld [tilespmem:s0+$0x3300]  }
0x2bb: {  	v3 =	vadd.f32 v60, v3  }
0x2bc: {  	v63 =	vld [tilespmem:s0+$0x3380]  }
0x2bd: {  	v3 =	vadd.f32 v61, v3;
	_ =	sdelay $0x1  }
0x2be: {  	v3 =	vadd.f32 v62, v3;
	_ =	sdelay $0x1  }
0x2bf: {  	s30 =	simm.s32 $0x10;
	s19 =	simm.s32 $0x80;
	v3 =	vadd.f32 v63, v3  }
0x2c0: {  	s31 =	sand.u32 $0xC00, s19;
	s0 =	sand.u32 $0x70, s30  }
0x2c1: {  	s20 =	simm.s32 $0x20;
	s21 =	sor.u32 s0, s31;
	[tilespmem:s18+$0x0] =	vst v3  }
.LBB2_17:
0x2c2: {  	p1 =	sne.s32 s20, $0x1F0;
	v3 =	vld [tilespmem:s21+$0x3080]  }
0x2c3: {  	v4 =	vld [tilespmem:s21+$0x3000];
	_ =	sdelay $0x1  }
0x2c4: {  	v5 =	vld [tilespmem:s21+$0x3100];
	_ =	sdelay $0x1  }
0x2c5: {  	v6 =	vld [tilespmem:s21+$0x3180]  }
0x2c6: {  	v3 =	vadd.f32 v3, v4  }
0x2c7: {  	v4 =	vld [tilespmem:s21+$0x3200]  }
0x2c8: {  	v3 =	vadd.f32 v5, v3  }
0x2c9: {  	v5 =	vld [tilespmem:s21+$0x3280]  }
0x2ca: {  	v3 =	vadd.f32 v6, v3  }
0x2cb: {  	v6 =	vld [tilespmem:s21+$0x3300]  }
0x2cc: {  	v3 =	vadd.f32 v4, v3  }
0x2cd: {  	v4 =	vld [tilespmem:s21+$0x3380]  }
0x2ce: {  	v3 =	vadd.f32 v5, v3;
	_ =	sdelay $0x1  }
.Ltmp11:
0x2cf: {  	v3 =	vadd.f32 v6, v3;
	(pc) =	sbr.rel @p1 .LBB2_17-.Ltmp11, $4  }
0x2d0: {  	_ = 	snop  }
0x2d1: {  	s19 =	sadd.s32 $0x80, s19;
	v3 =	vadd.f32 v4, v3  }
0x2d2: {  	s0 =	sand.u32 $0x70, s20;
	s18 =	sadd.s32 $0x10, s18;
	s1 =	sand.u32 $0xC00, s19  }
0x2d3: {  	s20 =	sadd.s32 $0x10, s20;
	s21 =	sor.u32 s0, s1;
	[tilespmem:s18+$0x0] =	vst v3  }
0x2d4: {  	v3 =	vld [tilespmem:s21+$0x3080]  }
0x2d5: {  	v4 =	vld [tilespmem:s21+$0x3000];
	_ =	sdelay $0x1  }
0x2d6: {  	v5 =	vld [tilespmem:s21+$0x3100];
	_ =	sdelay $0x1  }
0x2d7: {  	v6 =	vld [tilespmem:s21+$0x3180]  }
0x2d8: {  	v3 =	vadd.f32 v3, v4  }
0x2d9: {  	v60 =	vld [tilespmem:s21+$0x3200]  }
0x2da: {  	v3 =	vadd.f32 v5, v3  }
0x2db: {  	v61 =	vld [tilespmem:s21+$0x3280]  }
0x2dc: {  	v3 =	vadd.f32 v6, v3  }
0x2dd: {  	v62 =	vld [tilespmem:s21+$0x3300]  }
0x2de: {  	v3 =	vadd.f32 v60, v3  }
0x2df: {  	v63 =	vld [tilespmem:s21+$0x3380]  }
0x2e0: {  	v3 =	vadd.f32 v61, v3;
	_ =	sdelay $0x1  }
0x2e1: {  	v3 =	vadd.f32 v62, v3;
	_ =	sdelay $0x1  }
0x2e2: {  	v3 =	vadd.f32 v63, v3  }
0x2e3: {  	s0 =	sadd.s32 $0x10, s18;
	s31 =	simm.s32 $0x0  }
.Ltmp12:
0x2e4: {  	s1 =	rddreg [dreg:$0xe];
	s3 =	simm.s32 $0x2000;
	[tilespmem:s0+$0x0] =	vst v3;
	(pc) =	sbr.rel .LBB2_20-.Ltmp12, $4  }
0x2e5: {  	[hbm4b:s1+s31] =	stream.linear.scatter [tilespmem:s3], [sflag:$0x1], $0x200, $0x38;
	[tilespmem:$0x4800] =	vst v63  }
0x2e6: {  	_ =	swait.ge [sflag:s12], $0x200  }
0x2e7: {  	[sflag:s12] =	ssyncset.done $0x0  }
0x2e8: {  	[sflag:s12] =	ssyncadd.s32 $0xFFFFFE00  }
.LBB2_21:
0x2e9: {  	_ =	sfence.sel $0x180000  }
0x2ea: {  	[bflag:$0x0] =	sbarrier.arrive $0xFFFF  }
0x2eb: {  	_ =	strace $0x90000047  }
0x2ec: {  	s0 =	stileid.u32;
	[bflag:$0x2] =	sbarrier.arrive $0xFFFF  }
0x2ed: {  	p0 =	sne.s32 s0, $0x0;
	s0 =	rddreg [dreg:$0x3]  }
0x2ee: {  	s0 =	sadd.s32 @!p0 $0x100000, s0  }
0x2ef: {  	[sflag:s0] =	ssyncadd.tile.s32 @!p0 $0x1;
	_ =	shalt  }
.Lfunc_end2:
_tile_overlayer_lowered:
.L_overlay_start_2:
0x2f0: {  	(tag) =	ssettag $0x2  }
0x2f1: {  	s0 =	rddreg [dreg:$0x0];
	s2 =	stileid.u32  }
0x2f2: {  	s1 =	rddreg [dreg:$0x1];
	p0 =	sne.s32 s2, $0x0  }
0x2f3: {  	s3 =	rddreg [dreg:$0x2];
	[bflag:$0x3] =	sbarrier.arrive $0xFFFF;
	s2 =	simm.s32 @!p0 $0x1C01  }
0x2f4: {  	[timem:s3], [sflag:s2] =	dma.local @!p0 [hbm:s0], s1  }
0x2f5: {  	s0 =	simm.s32 @!p0 $0x1  }
0x2f6: {  	_ =	swait.ge @!p0 [sflag:s0], s1  }
0x2f7: {  	s1 =	ssub.s32 @!p0 $0x0, s1;
	[sflag:s0] =	ssyncset.done @!p0 $0x0  }
0x2f8: {  	[sflag:s0] =	ssyncadd.s32 @!p0 s1  }
0x2f9: {  	[bflag:$0x3] =	sbarrier.arrive $0xFFFF  }
0x2fa: {  	_ =	shalt  }

</sc_bundles>
